<compile_context>
chip_gen: v7x
topology: tpu7x:2x2x1
jax: 0.10.2.dev20260603
libtpu: 0.0.44.dev20260713+nightly
codegen_flags: <defaults>
</compile_context>

<pallas_src>
import functools

import jax
import jax.numpy as jnp
from jax import lax
from jax.experimental import pallas as pl
from jax.experimental.pallas import tpu as pltpu
from jax.experimental.pallas import tpu_sc as plsc

N = 160000
BN = 6400
NB = N // BN
NUM = 16 ** 4
CH = 16000
NCHUNK = N // CH
NWORK = 32
RPW = 256 // NWORK
BV = 4096
NBV = NUM // BV
NEG_INF = float("-inf")


def _hsw(x):
    return x * jnp.clip(x + 3.0, 0.0, 6.0) * (1.0 / 6.0)


def _dot(a, b):
    return lax.dot_general(a, b, (((1,), (0,)), ((), ())),
                           preferred_element_type=jnp.float32,
                           precision=lax.Precision.HIGHEST)



def _ka_body(ct_ref, ft_ref, ids_ref, moms_ref, acc_ref):
    i = pl.program_id(0)

    @pl.when(i == 0)
    def _():
        acc_ref[...] = jnp.zeros_like(acc_ref)

    c = ct_ref[...]
    ids_ref[...] = ((c[0:1] * 16 + c[1:2]) * 16 + c[2:3]) * 16 + c[3:4]
    f = ft_ref[...]
    acc_ref[0:4, 0:1] += jnp.sum(f, axis=1, keepdims=True)
    acc_ref[4:8, 0:1] += jnp.sum(f * f, axis=1, keepdims=True)
    moms_ref[...] = acc_ref[...]


_ka = pl.pallas_call(
    _ka_body,
    grid=(NB,),
    in_specs=[pl.BlockSpec((4, BN), lambda i: (0, i)),
              pl.BlockSpec((4, BN), lambda i: (0, i))],
    out_specs=[pl.BlockSpec((1, BN), lambda i: (0, i)),
               pl.BlockSpec((8, 128), lambda i: (0, 0))],
    out_shape=[jax.ShapeDtypeStruct((1, N), jnp.int32),
               jax.ShapeDtypeStruct((8, 128), jnp.float32)],
    scratch_shapes=[pltpu.VMEM((8, 128), jnp.float32)],
)



def _kb_body(ft_ref, m4_ref, s4_ref, b4_ref, w0_ref, moms_ref, acc_ref):
    i = pl.program_id(0)

    @pl.when(i == 0)
    def _():
        acc_ref[...] = jnp.zeros_like(acc_ref)

    x = (ft_ref[...] - m4_ref[...]) * s4_ref[...] + b4_ref[...]
    h0 = _dot(w0_ref[...], x)
    acc_ref[:, 0:1] += jnp.sum(h0, axis=1, keepdims=True)
    acc_ref[:, 1:2] += jnp.sum(h0 * h0, axis=1, keepdims=True)
    moms_ref[...] = acc_ref[...]


_kb = pl.pallas_call(
    _kb_body,
    grid=(NB,),
    in_specs=[pl.BlockSpec((4, BN), lambda i: (0, i)),
              pl.BlockSpec((4, 1), lambda i: (0, 0)),
              pl.BlockSpec((4, 1), lambda i: (0, 0)),
              pl.BlockSpec((4, 1), lambda i: (0, 0)),
              pl.BlockSpec((64, 4), lambda i: (0, 0))],
    out_specs=pl.BlockSpec((64, 128), lambda i: (0, 0)),
    out_shape=jax.ShapeDtypeStruct((64, 128), jnp.float32),
    scratch_shapes=[pltpu.VMEM((64, 128), jnp.float32)],
)



def _kc_body(ft_ref, m4_ref, s4_ref, b4_ref, w0_ref, s0_ref, t0_ref, w1_ref,
             moms_ref, acc_ref):
    i = pl.program_id(0)

    @pl.when(i == 0)
    def _():
        acc_ref[...] = jnp.zeros_like(acc_ref)

    x = (ft_ref[...] - m4_ref[...]) * s4_ref[...] + b4_ref[...]
    h0 = _dot(w0_ref[...], x)
    u = _hsw(h0 * s0_ref[...] + t0_ref[...])
    h1 = _dot(w1_ref[...], u)
    acc_ref[:, 0:1] += jnp.sum(h1, axis=1, keepdims=True)
    acc_ref[:, 1:2] += jnp.sum(h1 * h1, axis=1, keepdims=True)
    moms_ref[...] = acc_ref[...]


_kc = pl.pallas_call(
    _kc_body,
    grid=(NB,),
    in_specs=[pl.BlockSpec((4, BN), lambda i: (0, i)),
              pl.BlockSpec((4, 1), lambda i: (0, 0)),
              pl.BlockSpec((4, 1), lambda i: (0, 0)),
              pl.BlockSpec((4, 1), lambda i: (0, 0)),
              pl.BlockSpec((64, 4), lambda i: (0, 0)),
              pl.BlockSpec((64, 1), lambda i: (0, 0)),
              pl.BlockSpec((64, 1), lambda i: (0, 0)),
              pl.BlockSpec((128, 64), lambda i: (0, 0))],
    out_specs=pl.BlockSpec((128, 128), lambda i: (0, 0)),
    out_shape=jax.ShapeDtypeStruct((128, 128), jnp.float32),
    scratch_shapes=[pltpu.VMEM((128, 128), jnp.float32)],
)



def _kd_body(ft_ref, m4_ref, s4_ref, b4_ref, w0_ref, s0_ref, t0_ref, w1_ref,
             s1_ref, t1_ref, w2_ref, b2_ref, ht_ref):
    x = (ft_ref[...] - m4_ref[...]) * s4_ref[...] + b4_ref[...]
    h0 = _dot(w0_ref[...], x)
    u = _hsw(h0 * s0_ref[...] + t0_ref[...])
    h1 = _dot(w1_ref[...], u)
    v = _hsw(h1 * s1_ref[...] + t1_ref[...])
    ht_ref[...] = _dot(w2_ref[...], v) + b2_ref[...]


_kd = pl.pallas_call(
    _kd_body,
    grid=(NB,),
    in_specs=[pl.BlockSpec((4, BN), lambda i: (0, i)),
              pl.BlockSpec((4, 1), lambda i: (0, 0)),
              pl.BlockSpec((4, 1), lambda i: (0, 0)),
              pl.BlockSpec((4, 1), lambda i: (0, 0)),
              pl.BlockSpec((64, 4), lambda i: (0, 0)),
              pl.BlockSpec((64, 1), lambda i: (0, 0)),
              pl.BlockSpec((64, 1), lambda i: (0, 0)),
              pl.BlockSpec((128, 64), lambda i: (0, 0)),
              pl.BlockSpec((128, 1), lambda i: (0, 0)),
              pl.BlockSpec((128, 1), lambda i: (0, 0)),
              pl.BlockSpec((256, 128), lambda i: (0, 0)),
              pl.BlockSpec((256, 1), lambda i: (0, 0))],
    out_specs=pl.BlockSpec((256, BN), lambda i: (0, i)),
    out_shape=jax.ShapeDtypeStruct((256, N), jnp.float32),
    scratch_shapes=[],
)



def _perm16(x, idx):
    dn = lax.GatherDimensionNumbers(offset_dims=(), collapsed_slice_dims=(0,),
                                    start_index_map=(0,))
    return lax.gather(x, idx[:, None], dn, (1,),
                      mode=lax.GatherScatterMode.PROMISE_IN_BOUNDS)


def _seg_body(ids_hbm, ht_hbm, ninf_hbm, out_hbm, acc,
              idb0, valb0, idb1, valb1, si0, sv0, si1, sv1):
    cid = lax.axis_index("c")
    sid = lax.axis_index("s")
    wid = sid * 2 + cid
    bufs = ((idb0, valb0, si0, sv0), (idb1, valb1, si1, sv1))

    lanes = lax.iota(jnp.int32, 16)
    zero = jnp.zeros((16,), jnp.int32)
    sh1 = jnp.maximum(lanes - 1, zero)
    sh2 = jnp.maximum(lanes - 2, zero)
    sh4 = jnp.maximum(lanes - 4, zero)
    sh8 = jnp.maximum(lanes - 8, zero)
    dn1 = jnp.minimum(lanes + 1, zero + 15)
    is15 = lanes == (zero + 15)

    def round_body(r, carry):
        ch = wid * RPW + r
        pltpu.sync_copy(ninf_hbm, acc)

        def start(k, idb, valb, semi, semv):
            base = lax.rem(k + wid, NCHUNK) * CH
            ci = pltpu.async_copy(ids_hbm.at[pl.ds(base, CH)], idb, semi)
            cv = pltpu.async_copy(ht_hbm.at[pl.ds(ch * N + base, CH)],
                                  valb, semv)
            return ci, cv

        def process(idb, valb):
            def vec_body(j, carry3):
                idv = idb[pl.ds(j * 16, 16)]
                val = valb[pl.ds(j * 16, 16)]
                sk, sv = plsc.sort_key_val(idv, val)
                for sh in (sh1, sh2, sh4, sh8):
                    pk = _perm16(sk, sh)
                    pv = _perm16(sv, sh)
                    sv = jnp.maximum(sv, jnp.where(pk == sk, pv, NEG_INF))
                last = (sk != _perm16(sk, dn1)) | is15
                cur = plsc.load_gather(acc, [sk])
                m = last & (sv > cur)
                plsc.store_scatter(acc, [sk], sv, mask=m)
                return carry3

            lax.fori_loop(0, CH // 16, vec_body, 0)

        pend = start(0, *bufs[0])
        for k in range(NCHUNK):
            idb, valb = bufs[k % 2][0], bufs[k % 2][1]
            nxt = None
            if k + 1 < NCHUNK:
                nxt = start(k + 1, *bufs[(k + 1) % 2])
            pend[0].wait()
            pend[1].wait()
            process(idb, valb)
            pend = nxt
        pltpu.sync_copy(acc, out_hbm.at[pl.ds(ch * NUM, NUM)])
        return carry

    lax.fori_loop(0, RPW, round_body, 0)


_seg = pl.kernel(
    _seg_body,
    out_type=jax.ShapeDtypeStruct((256 * NUM,), jnp.float32),
    scratch_types=[pltpu.VMEM((NUM,), jnp.float32),
                   pltpu.VMEM((CH,), jnp.int32),
                   pltpu.VMEM((CH,), jnp.float32),
                   pltpu.VMEM((CH,), jnp.int32),
                   pltpu.VMEM((CH,), jnp.float32),
                   pltpu.SemaphoreType.DMA,
                   pltpu.SemaphoreType.DMA,
                   pltpu.SemaphoreType.DMA,
                   pltpu.SemaphoreType.DMA],
    mesh=plsc.VectorSubcoreMesh(core_axis_name="c", subcore_axis_name="s"),
    compiler_params=pltpu.CompilerParams(needs_layout_passes=False),
)



def _ke_body(vm_ref, wc_ref, bc_ref, vf_ref):
    vb = vm_ref[...]
    occ = vb[0:1, :] > NEG_INF
    vm = jnp.where(occ, vb, 0.0)
    z = _dot(wc_ref[...], vm) + bc_ref[...]
    vf_ref[...] = jnp.where(occ, _hsw(z), 0.0)


_ke = pl.pallas_call(
    _ke_body,
    grid=(NBV,),
    in_specs=[pl.BlockSpec((256, BV), lambda i: (0, i)),
              pl.BlockSpec((16, 256), lambda i: (0, 0)),
              pl.BlockSpec((16, 1), lambda i: (0, 0))],
    out_specs=pl.BlockSpec((16, BV), lambda i: (0, i)),
    out_shape=jax.ShapeDtypeStruct((16, NUM), jnp.float32),
    scratch_shapes=[],
)


def kernel(features, coors, pre_g, pre_b, W0, g0, b0, W1, g1, b1, W2, b2, Wc, bc):
    fT = features.T
    cT = coors.T
    ids2d, momsA = _ka(cT, fT)
    ids = ids2d.reshape(N)

    sA = momsA[0:4, 0]
    qA = momsA[4:8, 0]
    m = sA / N
    var = qA / N - m * m
    rstd = lax.rsqrt(var + 1e-5)
    m4 = m[:, None]
    s4 = (pre_g * rstd)[:, None]
    b4 = pre_b[:, None]
    W0t = W0.T
    W1t = W1.T
    W2t = W2.T
    Wct = Wc.T

    momsB = _kb(fT, m4, s4, b4, W0t)
    m0 = momsB[:, 0] / N
    v0 = momsB[:, 1] / N - m0 * m0
    r0 = lax.rsqrt(v0 + 1e-5)
    s0 = (g0 * r0)[:, None]
    t0 = (b0 - m0 * g0 * r0)[:, None]

    momsC = _kc(fT, m4, s4, b4, W0t, s0, t0, W1t)
    m1 = momsC[:, 0] / N
    v1 = momsC[:, 1] / N - m1 * m1
    r1 = lax.rsqrt(v1 + 1e-5)
    s1 = (g1 * r1)[:, None]
    t1 = (b1 - m1 * g1 * r1)[:, None]

    hT = _kd(fT, m4, s4, b4, W0t, s0, t0, W1t, s1, t1, W2t, b2[:, None])

    ninf = jnp.full((NUM,), NEG_INF, jnp.float32)
    vmaxT = _seg(ids, hT.reshape(256 * N), ninf).reshape(256, NUM)

    vfT = _ke(vmaxT, Wct, bc[:, None])

    t5 = vfT.reshape(16, 16, 16, 16, 16)
    t = jnp.transpose(t5, (1, 0, 4, 3, 2))
    return jnp.pad(t, ((0, 0), (0, 0), (0, 0), (0, 48), (0, 48)))

# --- scband reference (transcript-rebuilt; emitter-appended) ---
"""Pipeline reference for scband-vfe-83133386981456 (READ-ONLY COPY).

The authoritative reference and input builder live on the scoring server;
editing this copy changes nothing except your own understanding.
"""

import jax, jax.numpy as jnp
import numpy as np

GRID = (64, 64, 16)  # (gx, gy, gz) from (point_cloud_range[3:]-point_cloud_range[:3])/voxel_size


def _hswish(x):
    return x * jnp.clip(x + 3.0, 0.0, 6.0) / 6.0


def _bn(x, g, b):
    m = x.mean(axis=0)
    v = x.var(axis=0)
    return (x - m) / jnp.sqrt(v + 1e-5) * g + b


def setup_inputs(seed: int = 0) -> dict:
    key = jax.random.key(seed)
    ks = jax.random.split(key, 8)
    N = 160000
    features = jax.random.normal(ks[0], (N, 4), dtype=jnp.float32)
    coors = jax.random.randint(ks[1], (N, 4), 0, 16, dtype=jnp.int32)
    pre_g = jnp.ones((4,), dtype=jnp.float32)
    pre_b = jnp.zeros((4,), dtype=jnp.float32)
    W0 = jax.random.normal(ks[2], (4, 64), dtype=jnp.float32) * 0.5
    g0 = jnp.ones((64,), dtype=jnp.float32)
    b0 = jnp.zeros((64,), dtype=jnp.float32)
    W1 = jax.random.normal(ks[3], (64, 128), dtype=jnp.float32) * 0.125
    g1 = jnp.ones((128,), dtype=jnp.float32)
    b1 = jnp.zeros((128,), dtype=jnp.float32)
    W2 = jax.random.normal(ks[4], (128, 256), dtype=jnp.float32) * 0.0884
    b2 = jnp.zeros((256,), dtype=jnp.float32)
    Wc = jax.random.normal(ks[5], (256, 16), dtype=jnp.float32) * 0.0625
    bc = jnp.zeros((16,), dtype=jnp.float32)
    return {"features": features, "coors": coors, "pre_g": pre_g, "pre_b": pre_b,
            "W0": W0, "g0": g0, "b0": b0, "W1": W1, "g1": g1, "b1": b1,
            "W2": W2, "b2": b2, "Wc": Wc, "bc": bc}


def reference(features, coors, pre_g, pre_b, W0, g0, b0, W1, g1, b1, W2, b2, Wc, bc):
    # pre-norm (BN1d, training-mode batch stats)
    x = _bn(features, pre_g, pre_b)
    # VFE layers: Linear(no bias)+BN+Hardswish, Linear(no bias)+BN+Hardswish, final Linear(with bias)
    x = _hswish(_bn(x @ W0, g0, b0))
    x = _hswish(_bn(x @ W1, g1, b1))
    x = x @ W2 + b2
    # voxel coords encoded into a static id space; scatter_max over points within each voxel
    S = 16
    NUM = S ** 4
    ids = ((coors[:, 0] * S + coors[:, 1]) * S + coors[:, 2]) * S + coors[:, 3]
    occupied = jnp.zeros((NUM,), dtype=bool).at[ids].set(True)
    vmax = jax.ops.segment_max(x, ids, num_segments=NUM)
    vmax = jnp.where(occupied[:, None], vmax, 0.0)
    # feature compression: Linear + Hardswish
    voxel_feats = _hswish(vmax @ Wc + bc)
    voxel_feats = jnp.where(occupied[:, None], voxel_feats, 0.0)
    # scatter into dense voxel grid (B, C, gz, gy, gx)
    B = S
    idx = jnp.arange(NUM)
    c0 = idx // (S * S * S)
    c1 = (idx // (S * S)) % S
    c2 = (idx // S) % S
    c3 = idx % S
    dense = jnp.zeros((B, voxel_feats.shape[1], GRID[2], GRID[1], GRID[0]), dtype=voxel_feats.dtype)
    dense = dense.at[c0, :, c3, c2, c1].set(voxel_feats)
    return dense

if __name__ == "__main__":
    import jax
    _d = setup_inputs()
    print(jax.jit(kernel)(*tuple(_d.values())))

</pallas_src>

<mosaic_0001>
#map = affine_map<(d0, d1) -> (0)>
module attributes {stable_mosaic.version = 14 : i64} {
  func.func @_seg_body(%arg0: i32, %arg1: i32, %arg2: memref<160000xi32, #tpu.memory_space<hbm>>, %arg3: memref<40960000xf32, #tpu.memory_space<hbm>>, %arg4: memref<65536xf32, #tpu.memory_space<hbm>>, %arg5: memref<16777216xf32, #tpu.memory_space<hbm>>, %arg6: memref<65536xf32, #tpu.memory_space<vmem>>, %arg7: memref<16000xi32, #tpu.memory_space<vmem>>, %arg8: memref<16000xf32, #tpu.memory_space<vmem>>, %arg9: memref<16000xi32, #tpu.memory_space<vmem>>, %arg10: memref<16000xf32, #tpu.memory_space<vmem>>, %arg11: memref<!tpu.dma_semaphore, #tpu.memory_space<semaphore_mem>>, %arg12: memref<!tpu.dma_semaphore, #tpu.memory_space<semaphore_mem>>, %arg13: memref<!tpu.dma_semaphore, #tpu.memory_space<semaphore_mem>>, %arg14: memref<!tpu.dma_semaphore, #tpu.memory_space<semaphore_mem>>) attributes {dimension_semantics = [#tpu.dimension_semantics<core_parallel>, #tpu.dimension_semantics<subcore_parallel>], iteration_bounds = array<i64: 2, 16>, scalar_prefetch = 0 : i64, scratch_operands = 9 : i64, tpu.core_type = #tpu.core_type<sc_vector_subcore>, window_params = [{transform_indices = #map}, {transform_indices = #map}, {transform_indices = #map}, {transform_indices = #map}]} {
    %mul3A = arith.constant 2 : i32
    %mul3A_0 = arith.muli %arg1, %mul3A : i32
    %add3A = arith.addi %mul3A_0, %arg0 : i32
    %iota3A = tpu.iota {dimensions = array<i32: 0>} : vector<16xi32>
    %broadcast_in_dim3A = arith.constant 0 : i32
    %broadcast_in_dim3A_1 = vector.broadcast %broadcast_in_dim3A : i32 to vector<16xi32>
    %sub3A = arith.constant 1 : i32
    %sub3A_2 = vector.broadcast %sub3A : i32 to vector<16xi32>
    %sub3A_3 = arith.subi %iota3A, %sub3A_2 : vector<16xi32>
    %max3A = arith.maxsi %sub3A_3, %broadcast_in_dim3A_1 : vector<16xi32>
    %sub3A_4 = arith.constant 2 : i32
    %sub3A_5 = vector.broadcast %sub3A_4 : i32 to vector<16xi32>
    %sub3A_6 = arith.subi %iota3A, %sub3A_5 : vector<16xi32>
    %max3A_7 = arith.maxsi %sub3A_6, %broadcast_in_dim3A_1 : vector<16xi32>
    %sub3A_8 = arith.constant 4 : i32
    %sub3A_9 = vector.broadcast %sub3A_8 : i32 to vector<16xi32>
    %sub3A_10 = arith.subi %iota3A, %sub3A_9 : vector<16xi32>
    %max3A_11 = arith.maxsi %sub3A_10, %broadcast_in_dim3A_1 : vector<16xi32>
    %sub3A_12 = arith.constant 8 : i32
    %sub3A_13 = vector.broadcast %sub3A_12 : i32 to vector<16xi32>
    %sub3A_14 = arith.subi %iota3A, %sub3A_13 : vector<16xi32>
    %max3A_15 = arith.maxsi %sub3A_14, %broadcast_in_dim3A_1 : vector<16xi32>
    %add3A_16 = arith.constant 1 : i32
    %add3A_17 = vector.broadcast %add3A_16 : i32 to vector<16xi32>
    %add3A_18 = arith.addi %iota3A, %add3A_17 : vector<16xi32>
    %add3A_19 = arith.constant 15 : i32
    %add3A_20 = vector.broadcast %add3A_19 : i32 to vector<16xi32>
    %add3A_21 = arith.addi %broadcast_in_dim3A_1, %add3A_20 : vector<16xi32>
    %min3A = arith.minsi %add3A_18, %add3A_21 : vector<16xi32>
    %add3A_22 = arith.constant 15 : i32
    %add3A_23 = vector.broadcast %add3A_22 : i32 to vector<16xi32>
    %add3A_24 = arith.addi %broadcast_in_dim3A_1, %add3A_23 : vector<16xi32>
    %eq3A = arith.cmpi eq, %iota3A, %add3A_24 : vector<16xi32>
    %scan3A = arith.constant 0 : i32
    %scan3A_25 = arith.constant 0 : i32
    %scan3A_26 = arith.constant 8 : i32
    %scan3A_27 = arith.addi %scan3A_25, %scan3A_26 : i32
    %scan3A_28 = arith.constant 1 : i32
    scf.for %scan3A_30 = %scan3A_25 to %scan3A_27 step %scan3A_28  : i32 {
      %mul3A_31 = arith.constant 8 : i32
      %mul3A_32 = arith.muli %add3A, %mul3A_31 : i32
      %add3A_33 = arith.addi %mul3A_32, %scan3A_30 : i32
      "tpu.region"() ({
        %run_scoped3A = tpu.sem_alloc : memref<!tpu.dma_semaphore, #tpu.memory_space<semaphore_mem>>
        tpu.enqueue_dma source(%arg4 : memref<65536xf32, #tpu.memory_space<hbm>>) target(%arg6 : memref<65536xf32, #tpu.memory_space<vmem>>) target_semaphore(%run_scoped3A : memref<!tpu.dma_semaphore, #tpu.memory_space<semaphore_mem>>)
        tpu.wait_dma2 semaphore(%run_scoped3A : memref<!tpu.dma_semaphore, #tpu.memory_space<semaphore_mem>>) src(%arg4 : memref<65536xf32, #tpu.memory_space<hbm>>) dst(%arg6 : memref<65536xf32, #tpu.memory_space<vmem>>)
        tpu.yield
      }) : () -> ()
      %add3A_34 = arith.constant 0 : i32
      %add3A_35 = arith.addi %add3A_34, %add3A : i32
      %rem3A = arith.constant 10 : i32
      %rem3A_36 = arith.remsi %add3A_35, %rem3A : i32
      %mul3A_37 = arith.constant 16000 : i32
      %mul3A_38 = arith.muli %rem3A_36, %mul3A_37 : i32
      %dma_start3A = tpu.memref_slice %arg2[%mul3A_38] : memref<160000xi32, #tpu.memory_space<hbm>> -> memref<16000xi32, #tpu.memory_space<hbm>>
      %dma_start3A_39 = tpu.memref_slice %arg2[%mul3A_38] : memref<160000xi32, #tpu.memory_space<hbm>> -> memref<16000xi32, #tpu.memory_space<hbm>>
      tpu.enqueue_dma source(%dma_start3A_39 : memref<16000xi32, #tpu.memory_space<hbm>>) target(%arg7 : memref<16000xi32, #tpu.memory_space<vmem>>) target_semaphore(%arg11 : memref<!tpu.dma_semaphore, #tpu.memory_space<semaphore_mem>>)
      %mul3A_40 = arith.constant 160000 : i32
      %mul3A_41 = arith.muli %add3A_33, %mul3A_40 : i32
      %add3A_42 = arith.addi %mul3A_41, %mul3A_38 : i32
      %dma_start3A_43 = tpu.memref_slice %arg3[%add3A_42] : memref<40960000xf32, #tpu.memory_space<hbm>> -> memref<16000xf32, #tpu.memory_space<hbm>>
      %dma_start3A_44 = tpu.memref_slice %arg3[%add3A_42] : memref<40960000xf32, #tpu.memory_space<hbm>> -> memref<16000xf32, #tpu.memory_space<hbm>>
      tpu.enqueue_dma source(%dma_start3A_44 : memref<16000xf32, #tpu.memory_space<hbm>>) target(%arg8 : memref<16000xf32, #tpu.memory_space<vmem>>) target_semaphore(%arg12 : memref<!tpu.dma_semaphore, #tpu.memory_space<semaphore_mem>>)
      %add3A_45 = arith.constant 1 : i32
      %add3A_46 = arith.addi %add3A_45, %add3A : i32
      %rem3A_47 = arith.constant 10 : i32
      %rem3A_48 = arith.remsi %add3A_46, %rem3A_47 : i32
      %mul3A_49 = arith.constant 16000 : i32
      %mul3A_50 = arith.muli %rem3A_48, %mul3A_49 : i32
      %dma_start3A_51 = tpu.memref_slice %arg2[%mul3A_50] : memref<160000xi32, #tpu.memory_space<hbm>> -> memref<16000xi32, #tpu.memory_space<hbm>>
      %dma_start3A_52 = tpu.memref_slice %arg2[%mul3A_50] : memref<160000xi32, #tpu.memory_space<hbm>> -> memref<16000xi32, #tpu.memory_space<hbm>>
      tpu.enqueue_dma source(%dma_start3A_52 : memref<16000xi32, #tpu.memory_space<hbm>>) target(%arg9 : memref<16000xi32, #tpu.memory_space<vmem>>) target_semaphore(%arg13 : memref<!tpu.dma_semaphore, #tpu.memory_space<semaphore_mem>>)
      %mul3A_53 = arith.constant 160000 : i32
      %mul3A_54 = arith.muli %add3A_33, %mul3A_53 : i32
      %add3A_55 = arith.addi %mul3A_54, %mul3A_50 : i32
      %dma_start3A_56 = tpu.memref_slice %arg3[%add3A_55] : memref<40960000xf32, #tpu.memory_space<hbm>> -> memref<16000xf32, #tpu.memory_space<hbm>>
      %dma_start3A_57 = tpu.memref_slice %arg3[%add3A_55] : memref<40960000xf32, #tpu.memory_space<hbm>> -> memref<16000xf32, #tpu.memory_space<hbm>>
      tpu.enqueue_dma source(%dma_start3A_57 : memref<16000xf32, #tpu.memory_space<hbm>>) target(%arg10 : memref<16000xf32, #tpu.memory_space<vmem>>) target_semaphore(%arg14 : memref<!tpu.dma_semaphore, #tpu.memory_space<semaphore_mem>>)
      %dma_wait3A = tpu.memref_slice %arg2[%mul3A_38] : memref<160000xi32, #tpu.memory_space<hbm>> -> memref<16000xi32, #tpu.memory_space<hbm>>
      %dma_wait3A_58 = tpu.memref_slice %arg2[%mul3A_38] : memref<160000xi32, #tpu.memory_space<hbm>> -> memref<16000xi32, #tpu.memory_space<hbm>>
      tpu.wait_dma2 semaphore(%arg11 : memref<!tpu.dma_semaphore, #tpu.memory_space<semaphore_mem>>) src(%dma_wait3A_58 : memref<16000xi32, #tpu.memory_space<hbm>>) dst(%arg7 : memref<16000xi32, #tpu.memory_space<vmem>>)
      %dma_wait3A_59 = tpu.memref_slice %arg3[%add3A_42] : memref<40960000xf32, #tpu.memory_space<hbm>> -> memref<16000xf32, #tpu.memory_space<hbm>>
      %dma_wait3A_60 = tpu.memref_slice %arg3[%add3A_42] : memref<40960000xf32, #tpu.memory_space<hbm>> -> memref<16000xf32, #tpu.memory_space<hbm>>
      tpu.wait_dma2 semaphore(%arg12 : memref<!tpu.dma_semaphore, #tpu.memory_space<semaphore_mem>>) src(%dma_wait3A_60 : memref<16000xf32, #tpu.memory_space<hbm>>) dst(%arg8 : memref<16000xf32, #tpu.memory_space<vmem>>)
      %scan3A_61 = arith.constant 0 : i32
      %scan3A_62 = arith.constant 0 : i32
      %scan3A_63 = arith.constant 1000 : i32
      %scan3A_64 = arith.addi %scan3A_62, %scan3A_63 : i32
      %scan3A_65 = arith.constant 1 : i32
      scf.for %scan3A_263 = %scan3A_62 to %scan3A_64 step %scan3A_65  : i32 {
        %mul3A_264 = arith.constant 16 : i32
        %mul3A_265 = arith.muli %scan3A_263, %mul3A_264 : i32
        %get3A = arith.index_cast %mul3A_265 : i32 to index
        %get3A_266 = tpu.vector_load %arg7[%get3A] {strides = array<i32>} : memref<16000xi32, #tpu.memory_space<vmem>>, vector<16xi32>,
        %mul3A_267 = arith.constant 16 : i32
        %mul3A_268 = arith.muli %scan3A_263, %mul3A_267 : i32
        %get3A_269 = arith.index_cast %mul3A_268 : i32 to index
        %get3A_270 = tpu.vector_load %arg8[%get3A_269] {strides = array<i32>} : memref<16000xf32, #tpu.memory_space<vmem>>, vector<16xf32>,
        %masked_sort3A = arith.constant dense<true> : vector<16xi1>
        %masked_sort3A_271 = arith.constant -2147483648 : i32
        %masked_sort3A_272 = vector.broadcast %masked_sort3A_271 : i32 to vector<16xi32>
        %masked_sort3A_273 = arith.xori %get3A_266, %masked_sort3A_272 : vector<16xi32>
        %masked_sort3A_274, %masked_sort3A_275, %masked_sort3A_276 = tpu.sort %masked_sort3A_273, %get3A_270 masked %masked_sort3A : (vector<16xi32>, vector<16xf32>, vector<16xi1>) -> (vector<16xi1>, vector<16xi32>, vector<16xf32>)
        %masked_sort3A_277 = arith.xori %masked_sort3A_275, %masked_sort3A_272 : vector<16xi32>
        %broadcast_in_dim3A_278 = vector.shape_cast %max3A : vector<16xi32> to vector<16x1xi32>
        %gather3A = vector.shape_cast %broadcast_in_dim3A_278 : vector<16x1xi32> to vector<16xi32>
        %gather3A_279 = tpu.dynamic_gather %masked_sort3A_277[%gather3A] in [0] : vector<16xi32>, vector<16xi32> -> vector<16xi32>
        %broadcast_in_dim3A_280 = vector.shape_cast %max3A : vector<16xi32> to vector<16x1xi32>
        %gather3A_281 = vector.shape_cast %broadcast_in_dim3A_280 : vector<16x1xi32> to vector<16xi32>
        %gather3A_282 = tpu.dynamic_gather %masked_sort3A_276[%gather3A_281] in [0] : vector<16xf32>, vector<16xi32> -> vector<16xf32>
        %eq3A_283 = arith.cmpi eq, %gather3A_279, %masked_sort3A_277 : vector<16xi32>
        %jit3A = arith.constant 0xFF800000 : f32
        %broadcast_in_dim3A_284 = vector.broadcast %jit3A : f32 to vector<16xf32>
        %select_n3A = arith.select %eq3A_283, %gather3A_282, %broadcast_in_dim3A_284 : vector<16xi1>, vector<16xf32>
        %max3A_285 = arith.maximumf %masked_sort3A_276, %select_n3A : vector<16xf32>
        %broadcast_in_dim3A_286 = vector.shape_cast %max3A_7 : vector<16xi32> to vector<16x1xi32>
        %gather3A_287 = vector.shape_cast %broadcast_in_dim3A_286 : vector<16x1xi32> to vector<16xi32>
        %gather3A_288 = tpu.dynamic_gather %masked_sort3A_277[%gather3A_287] in [0] : vector<16xi32>, vector<16xi32> -> vector<16xi32>
        %broadcast_in_dim3A_289 = vector.shape_cast %max3A_7 : vector<16xi32> to vector<16x1xi32>
        %gather3A_290 = vector.shape_cast %broadcast_in_dim3A_289 : vector<16x1xi32> to vector<16xi32>
        %gather3A_291 = tpu.dynamic_gather %max3A_285[%gather3A_290] in [0] : vector<16xf32>, vector<16xi32> -> vector<16xf32>
        %eq3A_292 = arith.cmpi eq, %gather3A_288, %masked_sort3A_277 : vector<16xi32>
        %jit3A_293 = arith.constant 0xFF800000 : f32
        %broadcast_in_dim3A_294 = vector.broadcast %jit3A_293 : f32 to vector<16xf32>
        %select_n3A_295 = arith.select %eq3A_292, %gather3A_291, %broadcast_in_dim3A_294 : vector<16xi1>, vector<16xf32>
        %max3A_296 = arith.maximumf %max3A_285, %select_n3A_295 : vector<16xf32>
        %broadcast_in_dim3A_297 = vector.shape_cast %max3A_11 : vector<16xi32> to vector<16x1xi32>
        %gather3A_298 = vector.shape_cast %broadcast_in_dim3A_297 : vector<16x1xi32> to vector<16xi32>
        %gather3A_299 = tpu.dynamic_gather %masked_sort3A_277[%gather3A_298] in [0] : vector<16xi32>, vector<16xi32> -> vector<16xi32>
        %broadcast_in_dim3A_300 = vector.shape_cast %max3A_11 : vector<16xi32> to vector<16x1xi32>
        %gather3A_301 = vector.shape_cast %broadcast_in_dim3A_300 : vector<16x1xi32> to vector<16xi32>
        %gather3A_302 = tpu.dynamic_gather %max3A_296[%gather3A_301] in [0] : vector<16xf32>, vector<16xi32> -> vector<16xf32>
        %eq3A_303 = arith.cmpi eq, %gather3A_299, %masked_sort3A_277 : vector<16xi32>
        %jit3A_304 = arith.constant 0xFF800000 : f32
        %broadcast_in_dim3A_305 = vector.broadcast %jit3A_304 : f32 to vector<16xf32>
        %select_n3A_306 = arith.select %eq3A_303, %gather3A_302, %broadcast_in_dim3A_305 : vector<16xi1>, vector<16xf32>
        %max3A_307 = arith.maximumf %max3A_296, %select_n3A_306 : vector<16xf32>
        %broadcast_in_dim3A_308 = vector.shape_cast %max3A_15 : vector<16xi32> to vector<16x1xi32>
        %gather3A_309 = vector.shape_cast %broadcast_in_dim3A_308 : vector<16x1xi32> to vector<16xi32>
        %gather3A_310 = tpu.dynamic_gather %masked_sort3A_277[%gather3A_309] in [0] : vector<16xi32>, vector<16xi32> -> vector<16xi32>
        %broadcast_in_dim3A_311 = vector.shape_cast %max3A_15 : vector<16xi32> to vector<16x1xi32>
        %gather3A_312 = vector.shape_cast %broadcast_in_dim3A_311 : vector<16x1xi32> to vector<16xi32>
        %gather3A_313 = tpu.dynamic_gather %max3A_307[%gather3A_312] in [0] : vector<16xf32>, vector<16xi32> -> vector<16xf32>
        %eq3A_314 = arith.cmpi eq, %gather3A_310, %masked_sort3A_277 : vector<16xi32>
        %jit3A_315 = arith.constant 0xFF800000 : f32
        %broadcast_in_dim3A_316 = vector.broadcast %jit3A_315 : f32 to vector<16xf32>
        %select_n3A_317 = arith.select %eq3A_314, %gather3A_313, %broadcast_in_dim3A_316 : vector<16xi1>, vector<16xf32>
        %max3A_318 = arith.maximumf %max3A_307, %select_n3A_317 : vector<16xf32>
        %broadcast_in_dim3A_319 = vector.shape_cast %min3A : vector<16xi32> to vector<16x1xi32>
        %gather3A_320 = vector.shape_cast %broadcast_in_dim3A_319 : vector<16x1xi32> to vector<16xi32>
        %gather3A_321 = tpu.dynamic_gather %masked_sort3A_277[%gather3A_320] in [0] : vector<16xi32>, vector<16xi32> -> vector<16xi32>
        %ne3A = arith.cmpi ne, %masked_sort3A_277, %gather3A_321 : vector<16xi32>
        %or3A = arith.ori %ne3A, %eq3A : vector<16xi1>
        %gather3A_322 = tpu.vector_load_idx %arg6[%masked_sort3A_277] : memref<65536xf32, #tpu.memory_space<vmem>>[vector<16xi32>], vector<16xf32>,
        %gt3A = arith.cmpf ogt, %max3A_318, %gather3A_322 : vector<16xf32>
        %and3A = arith.andi %or3A, %gt3A : vector<16xi1>
        tpu.vector_store_idx %arg6[%masked_sort3A_277], %max3A_318 masked %and3A : memref<65536xf32, #tpu.memory_space<vmem>>[vector<16xi32>], vector<16xf32>, vector<16xi1>
      }
      %scan3A_66 = arith.constant 1000 : i32
      %add3A_67 = arith.constant 2 : i32
      %add3A_68 = arith.addi %add3A_67, %add3A : i32
      %rem3A_69 = arith.constant 10 : i32
      %rem3A_70 = arith.remsi %add3A_68, %rem3A_69 : i32
      %mul3A_71 = arith.constant 16000 : i32
      %mul3A_72 = arith.muli %rem3A_70, %mul3A_71 : i32
      %dma_start3A_73 = tpu.memref_slice %arg2[%mul3A_72] : memref<160000xi32, #tpu.memory_space<hbm>> -> memref<16000xi32, #tpu.memory_space<hbm>>
      %dma_start3A_74 = tpu.memref_slice %arg2[%mul3A_72] : memref<160000xi32, #tpu.memory_space<hbm>> -> memref<16000xi32, #tpu.memory_space<hbm>>
      tpu.enqueue_dma source(%dma_start3A_74 : memref<16000xi32, #tpu.memory_space<hbm>>) target(%arg7 : memref<16000xi32, #tpu.memory_space<vmem>>) target_semaphore(%arg11 : memref<!tpu.dma_semaphore, #tpu.memory_space<semaphore_mem>>)
      %mul3A_75 = arith.constant 160000 : i32
      %mul3A_76 = arith.muli %add3A_33, %mul3A_75 : i32
      %add3A_77 = arith.addi %mul3A_76, %mul3A_72 : i32
      %dma_start3A_78 = tpu.memref_slice %arg3[%add3A_77] : memref<40960000xf32, #tpu.memory_space<hbm>> -> memref<16000xf32, #tpu.memory_space<hbm>>
      %dma_start3A_79 = tpu.memref_slice %arg3[%add3A_77] : memref<40960000xf32, #tpu.memory_space<hbm>> -> memref<16000xf32, #tpu.memory_space<hbm>>
      tpu.enqueue_dma source(%dma_start3A_79 : memref<16000xf32, #tpu.memory_space<hbm>>) target(%arg8 : memref<16000xf32, #tpu.memory_space<vmem>>) target_semaphore(%arg12 : memref<!tpu.dma_semaphore, #tpu.memory_space<semaphore_mem>>)
      %dma_wait3A_80 = tpu.memref_slice %arg2[%mul3A_50] : memref<160000xi32, #tpu.memory_space<hbm>> -> memref<16000xi32, #tpu.memory_space<hbm>>
      %dma_wait3A_81 = tpu.memref_slice %arg2[%mul3A_50] : memref<160000xi32, #tpu.memory_space<hbm>> -> memref<16000xi32, #tpu.memory_space<hbm>>
      tpu.wait_dma2 semaphore(%arg13 : memref<!tpu.dma_semaphore, #tpu.memory_space<semaphore_mem>>) src(%dma_wait3A_81 : memref<16000xi32, #tpu.memory_space<hbm>>) dst(%arg9 : memref<16000xi32, #tpu.memory_space<vmem>>)
      %dma_wait3A_82 = tpu.memref_slice %arg3[%add3A_55] : memref<40960000xf32, #tpu.memory_space<hbm>> -> memref<16000xf32, #tpu.memory_space<hbm>>
      %dma_wait3A_83 = tpu.memref_slice %arg3[%add3A_55] : memref<40960000xf32, #tpu.memory_space<hbm>> -> memref<16000xf32, #tpu.memory_space<hbm>>
      tpu.wait_dma2 semaphore(%arg14 : memref<!tpu.dma_semaphore, #tpu.memory_space<semaphore_mem>>) src(%dma_wait3A_83 : memref<16000xf32, #tpu.memory_space<hbm>>) dst(%arg10 : memref<16000xf32, #tpu.memory_space<vmem>>)
      %scan3A_84 = arith.constant 0 : i32
      %scan3A_85 = arith.constant 0 : i32
      %scan3A_86 = arith.constant 1000 : i32
      %scan3A_87 = arith.addi %scan3A_85, %scan3A_86 : i32
      %scan3A_88 = arith.constant 1 : i32
      scf.for %scan3A_263 = %scan3A_85 to %scan3A_87 step %scan3A_88  : i32 {
        %mul3A_264 = arith.constant 16 : i32
        %mul3A_265 = arith.muli %scan3A_263, %mul3A_264 : i32
        %get3A = arith.index_cast %mul3A_265 : i32 to index
        %get3A_266 = tpu.vector_load %arg9[%get3A] {strides = array<i32>} : memref<16000xi32, #tpu.memory_space<vmem>>, vector<16xi32>,
        %mul3A_267 = arith.constant 16 : i32
        %mul3A_268 = arith.muli %scan3A_263, %mul3A_267 : i32
        %get3A_269 = arith.index_cast %mul3A_268 : i32 to index
        %get3A_270 = tpu.vector_load %arg10[%get3A_269] {strides = array<i32>} : memref<16000xf32, #tpu.memory_space<vmem>>, vector<16xf32>,
        %masked_sort3A = arith.constant dense<true> : vector<16xi1>
        %masked_sort3A_271 = arith.constant -2147483648 : i32
        %masked_sort3A_272 = vector.broadcast %masked_sort3A_271 : i32 to vector<16xi32>
        %masked_sort3A_273 = arith.xori %get3A_266, %masked_sort3A_272 : vector<16xi32>
        %masked_sort3A_274, %masked_sort3A_275, %masked_sort3A_276 = tpu.sort %masked_sort3A_273, %get3A_270 masked %masked_sort3A : (vector<16xi32>, vector<16xf32>, vector<16xi1>) -> (vector<16xi1>, vector<16xi32>, vector<16xf32>)
        %masked_sort3A_277 = arith.xori %masked_sort3A_275, %masked_sort3A_272 : vector<16xi32>
        %broadcast_in_dim3A_278 = vector.shape_cast %max3A : vector<16xi32> to vector<16x1xi32>
        %gather3A = vector.shape_cast %broadcast_in_dim3A_278 : vector<16x1xi32> to vector<16xi32>
        %gather3A_279 = tpu.dynamic_gather %masked_sort3A_277[%gather3A] in [0] : vector<16xi32>, vector<16xi32> -> vector<16xi32>
        %broadcast_in_dim3A_280 = vector.shape_cast %max3A : vector<16xi32> to vector<16x1xi32>
        %gather3A_281 = vector.shape_cast %broadcast_in_dim3A_280 : vector<16x1xi32> to vector<16xi32>
        %gather3A_282 = tpu.dynamic_gather %masked_sort3A_276[%gather3A_281] in [0] : vector<16xf32>, vector<16xi32> -> vector<16xf32>
        %eq3A_283 = arith.cmpi eq, %gather3A_279, %masked_sort3A_277 : vector<16xi32>
        %jit3A = arith.constant 0xFF800000 : f32
        %broadcast_in_dim3A_284 = vector.broadcast %jit3A : f32 to vector<16xf32>
        %select_n3A = arith.select %eq3A_283, %gather3A_282, %broadcast_in_dim3A_284 : vector<16xi1>, vector<16xf32>
        %max3A_285 = arith.maximumf %masked_sort3A_276, %select_n3A : vector<16xf32>
        %broadcast_in_dim3A_286 = vector.shape_cast %max3A_7 : vector<16xi32> to vector<16x1xi32>
        %gather3A_287 = vector.shape_cast %broadcast_in_dim3A_286 : vector<16x1xi32> to vector<16xi32>
        %gather3A_288 = tpu.dynamic_gather %masked_sort3A_277[%gather3A_287] in [0] : vector<16xi32>, vector<16xi32> -> vector<16xi32>
        %broadcast_in_dim3A_289 = vector.shape_cast %max3A_7 : vector<16xi32> to vector<16x1xi32>
        %gather3A_290 = vector.shape_cast %broadcast_in_dim3A_289 : vector<16x1xi32> to vector<16xi32>
        %gather3A_291 = tpu.dynamic_gather %max3A_285[%gather3A_290] in [0] : vector<16xf32>, vector<16xi32> -> vector<16xf32>
        %eq3A_292 = arith.cmpi eq, %gather3A_288, %masked_sort3A_277 : vector<16xi32>
        %jit3A_293 = arith.constant 0xFF800000 : f32
        %broadcast_in_dim3A_294 = vector.broadcast %jit3A_293 : f32 to vector<16xf32>
        %select_n3A_295 = arith.select %eq3A_292, %gather3A_291, %broadcast_in_dim3A_294 : vector<16xi1>, vector<16xf32>
        %max3A_296 = arith.maximumf %max3A_285, %select_n3A_295 : vector<16xf32>
        %broadcast_in_dim3A_297 = vector.shape_cast %max3A_11 : vector<16xi32> to vector<16x1xi32>
        %gather3A_298 = vector.shape_cast %broadcast_in_dim3A_297 : vector<16x1xi32> to vector<16xi32>
        %gather3A_299 = tpu.dynamic_gather %masked_sort3A_277[%gather3A_298] in [0] : vector<16xi32>, vector<16xi32> -> vector<16xi32>
        %broadcast_in_dim3A_300 = vector.shape_cast %max3A_11 : vector<16xi32> to vector<16x1xi32>
        %gather3A_301 = vector.shape_cast %broadcast_in_dim3A_300 : vector<16x1xi32> to vector<16xi32>
        %gather3A_302 = tpu.dynamic_gather %max3A_296[%gather3A_301] in [0] : vector<16xf32>, vector<16xi32> -> vector<16xf32>
        %eq3A_303 = arith.cmpi eq, %gather3A_299, %masked_sort3A_277 : vector<16xi32>
        %jit3A_304 = arith.constant 0xFF800000 : f32
        %broadcast_in_dim3A_305 = vector.broadcast %jit3A_304 : f32 to vector<16xf32>
        %select_n3A_306 = arith.select %eq3A_303, %gather3A_302, %broadcast_in_dim3A_305 : vector<16xi1>, vector<16xf32>
        %max3A_307 = arith.maximumf %max3A_296, %select_n3A_306 : vector<16xf32>
        %broadcast_in_dim3A_308 = vector.shape_cast %max3A_15 : vector<16xi32> to vector<16x1xi32>
        %gather3A_309 = vector.shape_cast %broadcast_in_dim3A_308 : vector<16x1xi32> to vector<16xi32>
        %gather3A_310 = tpu.dynamic_gather %masked_sort3A_277[%gather3A_309] in [0] : vector<16xi32>, vector<16xi32> -> vector<16xi32>
        %broadcast_in_dim3A_311 = vector.shape_cast %max3A_15 : vector<16xi32> to vector<16x1xi32>
        %gather3A_312 = vector.shape_cast %broadcast_in_dim3A_311 : vector<16x1xi32> to vector<16xi32>
        %gather3A_313 = tpu.dynamic_gather %max3A_307[%gather3A_312] in [0] : vector<16xf32>, vector<16xi32> -> vector<16xf32>
        %eq3A_314 = arith.cmpi eq, %gather3A_310, %masked_sort3A_277 : vector<16xi32>
        %jit3A_315 = arith.constant 0xFF800000 : f32
        %broadcast_in_dim3A_316 = vector.broadcast %jit3A_315 : f32 to vector<16xf32>
        %select_n3A_317 = arith.select %eq3A_314, %gather3A_313, %broadcast_in_dim3A_316 : vector<16xi1>, vector<16xf32>
        %max3A_318 = arith.maximumf %max3A_307, %select_n3A_317 : vector<16xf32>
        %broadcast_in_dim3A_319 = vector.shape_cast %min3A : vector<16xi32> to vector<16x1xi32>
        %gather3A_320 = vector.shape_cast %broadcast_in_dim3A_319 : vector<16x1xi32> to vector<16xi32>
        %gather3A_321 = tpu.dynamic_gather %masked_sort3A_277[%gather3A_320] in [0] : vector<16xi32>, vector<16xi32> -> vector<16xi32>
        %ne3A = arith.cmpi ne, %masked_sort3A_277, %gather3A_321 : vector<16xi32>
        %or3A = arith.ori %ne3A, %eq3A : vector<16xi1>
        %gather3A_322 = tpu.vector_load_idx %arg6[%masked_sort3A_277] : memref<65536xf32, #tpu.memory_space<vmem>>[vector<16xi32>], vector<16xf32>,
        %gt3A = arith.cmpf ogt, %max3A_318, %gather3A_322 : vector<16xf32>
        %and3A = arith.andi %or3A, %gt3A : vector<16xi1>
        tpu.vector_store_idx %arg6[%masked_sort3A_277], %max3A_318 masked %and3A : memref<65536xf32, #tpu.memory_space<vmem>>[vector<16xi32>], vector<16xf32>, vector<16xi1>
      }
      %scan3A_89 = arith.constant 1000 : i32
      %add3A_90 = arith.constant 3 : i32
      %add3A_91 = arith.addi %add3A_90, %add3A : i32
      %rem3A_92 = arith.constant 10 : i32
      %rem3A_93 = arith.remsi %add3A_91, %rem3A_92 : i32
      %mul3A_94 = arith.constant 16000 : i32
      %mul3A_95 = arith.muli %rem3A_93, %mul3A_94 : i32
      %dma_start3A_96 = tpu.memref_slice %arg2[%mul3A_95] : memref<160000xi32, #tpu.memory_space<hbm>> -> memref<16000xi32, #tpu.memory_space<hbm>>
      %dma_start3A_97 = tpu.memref_slice %arg2[%mul3A_95] : memref<160000xi32, #tpu.memory_space<hbm>> -> memref<16000xi32, #tpu.memory_space<hbm>>
      tpu.enqueue_dma source(%dma_start3A_97 : memref<16000xi32, #tpu.memory_space<hbm>>) target(%arg9 : memref<16000xi32, #tpu.memory_space<vmem>>) target_semaphore(%arg13 : memref<!tpu.dma_semaphore, #tpu.memory_space<semaphore_mem>>)
      %mul3A_98 = arith.constant 160000 : i32
      %mul3A_99 = arith.muli %add3A_33, %mul3A_98 : i32
      %add3A_100 = arith.addi %mul3A_99, %mul3A_95 : i32
      %dma_start3A_101 = tpu.memref_slice %arg3[%add3A_100] : memref<40960000xf32, #tpu.memory_space<hbm>> -> memref<16000xf32, #tpu.memory_space<hbm>>
      %dma_start3A_102 = tpu.memref_slice %arg3[%add3A_100] : memref<40960000xf32, #tpu.memory_space<hbm>> -> memref<16000xf32, #tpu.memory_space<hbm>>
      tpu.enqueue_dma source(%dma_start3A_102 : memref<16000xf32, #tpu.memory_space<hbm>>) target(%arg10 : memref<16000xf32, #tpu.memory_space<vmem>>) target_semaphore(%arg14 : memref<!tpu.dma_semaphore, #tpu.memory_space<semaphore_mem>>)
      %dma_wait3A_103 = tpu.memref_slice %arg2[%mul3A_72] : memref<160000xi32, #tpu.memory_space<hbm>> -> memref<16000xi32, #tpu.memory_space<hbm>>
      %dma_wait3A_104 = tpu.memref_slice %arg2[%mul3A_72] : memref<160000xi32, #tpu.memory_space<hbm>> -> memref<16000xi32, #tpu.memory_space<hbm>>
      tpu.wait_dma2 semaphore(%arg11 : memref<!tpu.dma_semaphore, #tpu.memory_space<semaphore_mem>>) src(%dma_wait3A_104 : memref<16000xi32, #tpu.memory_space<hbm>>) dst(%arg7 : memref<16000xi32, #tpu.memory_space<vmem>>)
      %dma_wait3A_105 = tpu.memref_slice %arg3[%add3A_77] : memref<40960000xf32, #tpu.memory_space<hbm>> -> memref<16000xf32, #tpu.memory_space<hbm>>
      %dma_wait3A_106 = tpu.memref_slice %arg3[%add3A_77] : memref<40960000xf32, #tpu.memory_space<hbm>> -> memref<16000xf32, #tpu.memory_space<hbm>>
      tpu.wait_dma2 semaphore(%arg12 : memref<!tpu.dma_semaphore, #tpu.memory_space<semaphore_mem>>) src(%dma_wait3A_106 : memref<16000xf32, #tpu.memory_space<hbm>>) dst(%arg8 : memref<16000xf32, #tpu.memory_space<vmem>>)
      %scan3A_107 = arith.constant 0 : i32
      %scan3A_108 = arith.constant 0 : i32
      %scan3A_109 = arith.constant 1000 : i32
      %scan3A_110 = arith.addi %scan3A_108, %scan3A_109 : i32
      %scan3A_111 = arith.constant 1 : i32
      scf.for %scan3A_263 = %scan3A_108 to %scan3A_110 step %scan3A_111  : i32 {
        %mul3A_264 = arith.constant 16 : i32
        %mul3A_265 = arith.muli %scan3A_263, %mul3A_264 : i32
        %get3A = arith.index_cast %mul3A_265 : i32 to index
        %get3A_266 = tpu.vector_load %arg7[%get3A] {strides = array<i32>} : memref<16000xi32, #tpu.memory_space<vmem>>, vector<16xi32>,
        %mul3A_267 = arith.constant 16 : i32
        %mul3A_268 = arith.muli %scan3A_263, %mul3A_267 : i32
        %get3A_269 = arith.index_cast %mul3A_268 : i32 to index
        %get3A_270 = tpu.vector_load %arg8[%get3A_269] {strides = array<i32>} : memref<16000xf32, #tpu.memory_space<vmem>>, vector<16xf32>,
        %masked_sort3A = arith.constant dense<true> : vector<16xi1>
        %masked_sort3A_271 = arith.constant -2147483648 : i32
        %masked_sort3A_272 = vector.broadcast %masked_sort3A_271 : i32 to vector<16xi32>
        %masked_sort3A_273 = arith.xori %get3A_266, %masked_sort3A_272 : vector<16xi32>
        %masked_sort3A_274, %masked_sort3A_275, %masked_sort3A_276 = tpu.sort %masked_sort3A_273, %get3A_270 masked %masked_sort3A : (vector<16xi32>, vector<16xf32>, vector<16xi1>) -> (vector<16xi1>, vector<16xi32>, vector<16xf32>)
        %masked_sort3A_277 = arith.xori %masked_sort3A_275, %masked_sort3A_272 : vector<16xi32>
        %broadcast_in_dim3A_278 = vector.shape_cast %max3A : vector<16xi32> to vector<16x1xi32>
        %gather3A = vector.shape_cast %broadcast_in_dim3A_278 : vector<16x1xi32> to vector<16xi32>
        %gather3A_279 = tpu.dynamic_gather %masked_sort3A_277[%gather3A] in [0] : vector<16xi32>, vector<16xi32> -> vector<16xi32>
        %broadcast_in_dim3A_280 = vector.shape_cast %max3A : vector<16xi32> to vector<16x1xi32>
        %gather3A_281 = vector.shape_cast %broadcast_in_dim3A_280 : vector<16x1xi32> to vector<16xi32>
        %gather3A_282 = tpu.dynamic_gather %masked_sort3A_276[%gather3A_281] in [0] : vector<16xf32>, vector<16xi32> -> vector<16xf32>
        %eq3A_283 = arith.cmpi eq, %gather3A_279, %masked_sort3A_277 : vector<16xi32>
        %jit3A = arith.constant 0xFF800000 : f32
        %broadcast_in_dim3A_284 = vector.broadcast %jit3A : f32 to vector<16xf32>
        %select_n3A = arith.select %eq3A_283, %gather3A_282, %broadcast_in_dim3A_284 : vector<16xi1>, vector<16xf32>
        %max3A_285 = arith.maximumf %masked_sort3A_276, %select_n3A : vector<16xf32>
        %broadcast_in_dim3A_286 = vector.shape_cast %max3A_7 : vector<16xi32> to vector<16x1xi32>
        %gather3A_287 = vector.shape_cast %broadcast_in_dim3A_286 : vector<16x1xi32> to vector<16xi32>
        %gather3A_288 = tpu.dynamic_gather %masked_sort3A_277[%gather3A_287] in [0] : vector<16xi32>, vector<16xi32> -> vector<16xi32>
        %broadcast_in_dim3A_289 = vector.shape_cast %max3A_7 : vector<16xi32> to vector<16x1xi32>
        %gather3A_290 = vector.shape_cast %broadcast_in_dim3A_289 : vector<16x1xi32> to vector<16xi32>
        %gather3A_291 = tpu.dynamic_gather %max3A_285[%gather3A_290] in [0] : vector<16xf32>, vector<16xi32> -> vector<16xf32>
        %eq3A_292 = arith.cmpi eq, %gather3A_288, %masked_sort3A_277 : vector<16xi32>
        %jit3A_293 = arith.constant 0xFF800000 : f32
        %broadcast_in_dim3A_294 = vector.broadcast %jit3A_293 : f32 to vector<16xf32>
        %select_n3A_295 = arith.select %eq3A_292, %gather3A_291, %broadcast_in_dim3A_294 : vector<16xi1>, vector<16xf32>
        %max3A_296 = arith.maximumf %max3A_285, %select_n3A_295 : vector<16xf32>
        %broadcast_in_dim3A_297 = vector.shape_cast %max3A_11 : vector<16xi32> to vector<16x1xi32>
        %gather3A_298 = vector.shape_cast %broadcast_in_dim3A_297 : vector<16x1xi32> to vector<16xi32>
        %gather3A_299 = tpu.dynamic_gather %masked_sort3A_277[%gather3A_298] in [0] : vector<16xi32>, vector<16xi32> -> vector<16xi32>
        %broadcast_in_dim3A_300 = vector.shape_cast %max3A_11 : vector<16xi32> to vector<16x1xi32>
        %gather3A_301 = vector.shape_cast %broadcast_in_dim3A_300 : vector<16x1xi32> to vector<16xi32>
        %gather3A_302 = tpu.dynamic_gather %max3A_296[%gather3A_301] in [0] : vector<16xf32>, vector<16xi32> -> vector<16xf32>
        %eq3A_303 = arith.cmpi eq, %gather3A_299, %masked_sort3A_277 : vector<16xi32>
        %jit3A_304 = arith.constant 0xFF800000 : f32
        %broadcast_in_dim3A_305 = vector.broadcast %jit3A_304 : f32 to vector<16xf32>
        %select_n3A_306 = arith.select %eq3A_303, %gather3A_302, %broadcast_in_dim3A_305 : vector<16xi1>, vector<16xf32>
        %max3A_307 = arith.maximumf %max3A_296, %select_n3A_306 : vector<16xf32>
        %broadcast_in_dim3A_308 = vector.shape_cast %max3A_15 : vector<16xi32> to vector<16x1xi32>
        %gather3A_309 = vector.shape_cast %broadcast_in_dim3A_308 : vector<16x1xi32> to vector<16xi32>
        %gather3A_310 = tpu.dynamic_gather %masked_sort3A_277[%gather3A_309] in [0] : vector<16xi32>, vector<16xi32> -> vector<16xi32>
        %broadcast_in_dim3A_311 = vector.shape_cast %max3A_15 : vector<16xi32> to vector<16x1xi32>
        %gather3A_312 = vector.shape_cast %broadcast_in_dim3A_311 : vector<16x1xi32> to vector<16xi32>
        %gather3A_313 = tpu.dynamic_gather %max3A_307[%gather3A_312] in [0] : vector<16xf32>, vector<16xi32> -> vector<16xf32>
        %eq3A_314 = arith.cmpi eq, %gather3A_310, %masked_sort3A_277 : vector<16xi32>
        %jit3A_315 = arith.constant 0xFF800000 : f32
        %broadcast_in_dim3A_316 = vector.broadcast %jit3A_315 : f32 to vector<16xf32>
        %select_n3A_317 = arith.select %eq3A_314, %gather3A_313, %broadcast_in_dim3A_316 : vector<16xi1>, vector<16xf32>
        %max3A_318 = arith.maximumf %max3A_307, %select_n3A_317 : vector<16xf32>
        %broadcast_in_dim3A_319 = vector.shape_cast %min3A : vector<16xi32> to vector<16x1xi32>
        %gather3A_320 = vector.shape_cast %broadcast_in_dim3A_319 : vector<16x1xi32> to vector<16xi32>
        %gather3A_321 = tpu.dynamic_gather %masked_sort3A_277[%gather3A_320] in [0] : vector<16xi32>, vector<16xi32> -> vector<16xi32>
        %ne3A = arith.cmpi ne, %masked_sort3A_277, %gather3A_321 : vector<16xi32>
        %or3A = arith.ori %ne3A, %eq3A : vector<16xi1>
        %gather3A_322 = tpu.vector_load_idx %arg6[%masked_sort3A_277] : memref<65536xf32, #tpu.memory_space<vmem>>[vector<16xi32>], vector<16xf32>,
        %gt3A = arith.cmpf ogt, %max3A_318, %gather3A_322 : vector<16xf32>
        %and3A = arith.andi %or3A, %gt3A : vector<16xi1>
        tpu.vector_store_idx %arg6[%masked_sort3A_277], %max3A_318 masked %and3A : memref<65536xf32, #tpu.memory_space<vmem>>[vector<16xi32>], vector<16xf32>, vector<16xi1>
      }
      %scan3A_112 = arith.constant 1000 : i32
      %add3A_113 = arith.constant 4 : i32
      %add3A_114 = arith.addi %add3A_113, %add3A : i32
      %rem3A_115 = arith.constant 10 : i32
      %rem3A_116 = arith.remsi %add3A_114, %rem3A_115 : i32
      %mul3A_117 = arith.constant 16000 : i32
      %mul3A_118 = arith.muli %rem3A_116, %mul3A_117 : i32
      %dma_start3A_119 = tpu.memref_slice %arg2[%mul3A_118] : memref<160000xi32, #tpu.memory_space<hbm>> -> memref<16000xi32, #tpu.memory_space<hbm>>
      %dma_start3A_120 = tpu.memref_slice %arg2[%mul3A_118] : memref<160000xi32, #tpu.memory_space<hbm>> -> memref<16000xi32, #tpu.memory_space<hbm>>
      tpu.enqueue_dma source(%dma_start3A_120 : memref<16000xi32, #tpu.memory_space<hbm>>) target(%arg7 : memref<16000xi32, #tpu.memory_space<vmem>>) target_semaphore(%arg11 : memref<!tpu.dma_semaphore, #tpu.memory_space<semaphore_mem>>)
      %mul3A_121 = arith.constant 160000 : i32
      %mul3A_122 = arith.muli %add3A_33, %mul3A_121 : i32
      %add3A_123 = arith.addi %mul3A_122, %mul3A_118 : i32
      %dma_start3A_124 = tpu.memref_slice %arg3[%add3A_123] : memref<40960000xf32, #tpu.memory_space<hbm>> -> memref<16000xf32, #tpu.memory_space<hbm>>
      %dma_start3A_125 = tpu.memref_slice %arg3[%add3A_123] : memref<40960000xf32, #tpu.memory_space<hbm>> -> memref<16000xf32, #tpu.memory_space<hbm>>
      tpu.enqueue_dma source(%dma_start3A_125 : memref<16000xf32, #tpu.memory_space<hbm>>) target(%arg8 : memref<16000xf32, #tpu.memory_space<vmem>>) target_semaphore(%arg12 : memref<!tpu.dma_semaphore, #tpu.memory_space<semaphore_mem>>)
      %dma_wait3A_126 = tpu.memref_slice %arg2[%mul3A_95] : memref<160000xi32, #tpu.memory_space<hbm>> -> memref<16000xi32, #tpu.memory_space<hbm>>
      %dma_wait3A_127 = tpu.memref_slice %arg2[%mul3A_95] : memref<160000xi32, #tpu.memory_space<hbm>> -> memref<16000xi32, #tpu.memory_space<hbm>>
      tpu.wait_dma2 semaphore(%arg13 : memref<!tpu.dma_semaphore, #tpu.memory_space<semaphore_mem>>) src(%dma_wait3A_127 : memref<16000xi32, #tpu.memory_space<hbm>>) dst(%arg9 : memref<16000xi32, #tpu.memory_space<vmem>>)
      %dma_wait3A_128 = tpu.memref_slice %arg3[%add3A_100] : memref<40960000xf32, #tpu.memory_space<hbm>> -> memref<16000xf32, #tpu.memory_space<hbm>>
      %dma_wait3A_129 = tpu.memref_slice %arg3[%add3A_100] : memref<40960000xf32, #tpu.memory_space<hbm>> -> memref<16000xf32, #tpu.memory_space<hbm>>
      tpu.wait_dma2 semaphore(%arg14 : memref<!tpu.dma_semaphore, #tpu.memory_space<semaphore_mem>>) src(%dma_wait3A_129 : memref<16000xf32, #tpu.memory_space<hbm>>) dst(%arg10 : memref<16000xf32, #tpu.memory_space<vmem>>)
      %scan3A_130 = arith.constant 0 : i32
      %scan3A_131 = arith.constant 0 : i32
      %scan3A_132 = arith.constant 1000 : i32
      %scan3A_133 = arith.addi %scan3A_131, %scan3A_132 : i32
      %scan3A_134 = arith.constant 1 : i32
      scf.for %scan3A_263 = %scan3A_131 to %scan3A_133 step %scan3A_134  : i32 {
        %mul3A_264 = arith.constant 16 : i32
        %mul3A_265 = arith.muli %scan3A_263, %mul3A_264 : i32
        %get3A = arith.index_cast %mul3A_265 : i32 to index
        %get3A_266 = tpu.vector_load %arg9[%get3A] {strides = array<i32>} : memref<16000xi32, #tpu.memory_space<vmem>>, vector<16xi32>,
        %mul3A_267 = arith.constant 16 : i32
        %mul3A_268 = arith.muli %scan3A_263, %mul3A_267 : i32
        %get3A_269 = arith.index_cast %mul3A_268 : i32 to index
        %get3A_270 = tpu.vector_load %arg10[%get3A_269] {strides = array<i32>} : memref<16000xf32, #tpu.memory_space<vmem>>, vector<16xf32>,
        %masked_sort3A = arith.constant dense<true> : vector<16xi1>
        %masked_sort3A_271 = arith.constant -2147483648 : i32
        %masked_sort3A_272 = vector.broadcast %masked_sort3A_271 : i32 to vector<16xi32>
        %masked_sort3A_273 = arith.xori %get3A_266, %masked_sort3A_272 : vector<16xi32>
        %masked_sort3A_274, %masked_sort3A_275, %masked_sort3A_276 = tpu.sort %masked_sort3A_273, %get3A_270 masked %masked_sort3A : (vector<16xi32>, vector<16xf32>, vector<16xi1>) -> (vector<16xi1>, vector<16xi32>, vector<16xf32>)
        %masked_sort3A_277 = arith.xori %masked_sort3A_275, %masked_sort3A_272 : vector<16xi32>
        %broadcast_in_dim3A_278 = vector.shape_cast %max3A : vector<16xi32> to vector<16x1xi32>
        %gather3A = vector.shape_cast %broadcast_in_dim3A_278 : vector<16x1xi32> to vector<16xi32>
        %gather3A_279 = tpu.dynamic_gather %masked_sort3A_277[%gather3A] in [0] : vector<16xi32>, vector<16xi32> -> vector<16xi32>
        %broadcast_in_dim3A_280 = vector.shape_cast %max3A : vector<16xi32> to vector<16x1xi32>
        %gather3A_281 = vector.shape_cast %broadcast_in_dim3A_280 : vector<16x1xi32> to vector<16xi32>
        %gather3A_282 = tpu.dynamic_gather %masked_sort3A_276[%gather3A_281] in [0] : vector<16xf32>, vector<16xi32> -> vector<16xf32>
        %eq3A_283 = arith.cmpi eq, %gather3A_279, %masked_sort3A_277 : vector<16xi32>
        %jit3A = arith.constant 0xFF800000 : f32
        %broadcast_in_dim3A_284 = vector.broadcast %jit3A : f32 to vector<16xf32>
        %select_n3A = arith.select %eq3A_283, %gather3A_282, %broadcast_in_dim3A_284 : vector<16xi1>, vector<16xf32>
        %max3A_285 = arith.maximumf %masked_sort3A_276, %select_n3A : vector<16xf32>
        %broadcast_in_dim3A_286 = vector.shape_cast %max3A_7 : vector<16xi32> to vector<16x1xi32>
        %gather3A_287 = vector.shape_cast %broadcast_in_dim3A_286 : vector<16x1xi32> to vector<16xi32>
        %gather3A_288 = tpu.dynamic_gather %masked_sort3A_277[%gather3A_287] in [0] : vector<16xi32>, vector<16xi32> -> vector<16xi32>
        %broadcast_in_dim3A_289 = vector.shape_cast %max3A_7 : vector<16xi32> to vector<16x1xi32>
        %gather3A_290 = vector.shape_cast %broadcast_in_dim3A_289 : vector<16x1xi32> to vector<16xi32>
        %gather3A_291 = tpu.dynamic_gather %max3A_285[%gather3A_290] in [0] : vector<16xf32>, vector<16xi32> -> vector<16xf32>
        %eq3A_292 = arith.cmpi eq, %gather3A_288, %masked_sort3A_277 : vector<16xi32>
        %jit3A_293 = arith.constant 0xFF800000 : f32
        %broadcast_in_dim3A_294 = vector.broadcast %jit3A_293 : f32 to vector<16xf32>
        %select_n3A_295 = arith.select %eq3A_292, %gather3A_291, %broadcast_in_dim3A_294 : vector<16xi1>, vector<16xf32>
        %max3A_296 = arith.maximumf %max3A_285, %select_n3A_295 : vector<16xf32>
        %broadcast_in_dim3A_297 = vector.shape_cast %max3A_11 : vector<16xi32> to vector<16x1xi32>
        %gather3A_298 = vector.shape_cast %broadcast_in_dim3A_297 : vector<16x1xi32> to vector<16xi32>
        %gather3A_299 = tpu.dynamic_gather %masked_sort3A_277[%gather3A_298] in [0] : vector<16xi32>, vector<16xi32> -> vector<16xi32>
        %broadcast_in_dim3A_300 = vector.shape_cast %max3A_11 : vector<16xi32> to vector<16x1xi32>
        %gather3A_301 = vector.shape_cast %broadcast_in_dim3A_300 : vector<16x1xi32> to vector<16xi32>
        %gather3A_302 = tpu.dynamic_gather %max3A_296[%gather3A_301] in [0] : vector<16xf32>, vector<16xi32> -> vector<16xf32>
        %eq3A_303 = arith.cmpi eq, %gather3A_299, %masked_sort3A_277 : vector<16xi32>
        %jit3A_304 = arith.constant 0xFF800000 : f32
        %broadcast_in_dim3A_305 = vector.broadcast %jit3A_304 : f32 to vector<16xf32>
        %select_n3A_306 = arith.select %eq3A_303, %gather3A_302, %broadcast_in_dim3A_305 : vector<16xi1>, vector<16xf32>
        %max3A_307 = arith.maximumf %max3A_296, %select_n3A_306 : vector<16xf32>
        %broadcast_in_dim3A_308 = vector.shape_cast %max3A_15 : vector<16xi32> to vector<16x1xi32>
        %gather3A_309 = vector.shape_cast %broadcast_in_dim3A_308 : vector<16x1xi32> to vector<16xi32>
        %gather3A_310 = tpu.dynamic_gather %masked_sort3A_277[%gather3A_309] in [0] : vector<16xi32>, vector<16xi32> -> vector<16xi32>
        %broadcast_in_dim3A_311 = vector.shape_cast %max3A_15 : vector<16xi32> to vector<16x1xi32>
        %gather3A_312 = vector.shape_cast %broadcast_in_dim3A_311 : vector<16x1xi32> to vector<16xi32>
        %gather3A_313 = tpu.dynamic_gather %max3A_307[%gather3A_312] in [0] : vector<16xf32>, vector<16xi32> -> vector<16xf32>
        %eq3A_314 = arith.cmpi eq, %gather3A_310, %masked_sort3A_277 : vector<16xi32>
        %jit3A_315 = arith.constant 0xFF800000 : f32
        %broadcast_in_dim3A_316 = vector.broadcast %jit3A_315 : f32 to vector<16xf32>
        %select_n3A_317 = arith.select %eq3A_314, %gather3A_313, %broadcast_in_dim3A_316 : vector<16xi1>, vector<16xf32>
        %max3A_318 = arith.maximumf %max3A_307, %select_n3A_317 : vector<16xf32>
        %broadcast_in_dim3A_319 = vector.shape_cast %min3A : vector<16xi32> to vector<16x1xi32>
        %gather3A_320 = vector.shape_cast %broadcast_in_dim3A_319 : vector<16x1xi32> to vector<16xi32>
        %gather3A_321 = tpu.dynamic_gather %masked_sort3A_277[%gather3A_320] in [0] : vector<16xi32>, vector<16xi32> -> vector<16xi32>
        %ne3A = arith.cmpi ne, %masked_sort3A_277, %gather3A_321 : vector<16xi32>
        %or3A = arith.ori %ne3A, %eq3A : vector<16xi1>
        %gather3A_322 = tpu.vector_load_idx %arg6[%masked_sort3A_277] : memref<65536xf32, #tpu.memory_space<vmem>>[vector<16xi32>], vector<16xf32>,
        %gt3A = arith.cmpf ogt, %max3A_318, %gather3A_322 : vector<16xf32>
        %and3A = arith.andi %or3A, %gt3A : vector<16xi1>
        tpu.vector_store_idx %arg6[%masked_sort3A_277], %max3A_318 masked %and3A : memref<65536xf32, #tpu.memory_space<vmem>>[vector<16xi32>], vector<16xf32>, vector<16xi1>
      }
      %scan3A_135 = arith.constant 1000 : i32
      %add3A_136 = arith.constant 5 : i32
      %add3A_137 = arith.addi %add3A_136, %add3A : i32
      %rem3A_138 = arith.constant 10 : i32
      %rem3A_139 = arith.remsi %add3A_137, %rem3A_138 : i32
      %mul3A_140 = arith.constant 16000 : i32
      %mul3A_141 = arith.muli %rem3A_139, %mul3A_140 : i32
      %dma_start3A_142 = tpu.memref_slice %arg2[%mul3A_141] : memref<160000xi32, #tpu.memory_space<hbm>> -> memref<16000xi32, #tpu.memory_space<hbm>>
      %dma_start3A_143 = tpu.memref_slice %arg2[%mul3A_141] : memref<160000xi32, #tpu.memory_space<hbm>> -> memref<16000xi32, #tpu.memory_space<hbm>>
      tpu.enqueue_dma source(%dma_start3A_143 : memref<16000xi32, #tpu.memory_space<hbm>>) target(%arg9 : memref<16000xi32, #tpu.memory_space<vmem>>) target_semaphore(%arg13 : memref<!tpu.dma_semaphore, #tpu.memory_space<semaphore_mem>>)
      %mul3A_144 = arith.constant 160000 : i32
      %mul3A_145 = arith.muli %add3A_33, %mul3A_144 : i32
      %add3A_146 = arith.addi %mul3A_145, %mul3A_141 : i32
      %dma_start3A_147 = tpu.memref_slice %arg3[%add3A_146] : memref<40960000xf32, #tpu.memory_space<hbm>> -> memref<16000xf32, #tpu.memory_space<hbm>>
      %dma_start3A_148 = tpu.memref_slice %arg3[%add3A_146] : memref<40960000xf32, #tpu.memory_space<hbm>> -> memref<16000xf32, #tpu.memory_space<hbm>>
      tpu.enqueue_dma source(%dma_start3A_148 : memref<16000xf32, #tpu.memory_space<hbm>>) target(%arg10 : memref<16000xf32, #tpu.memory_space<vmem>>) target_semaphore(%arg14 : memref<!tpu.dma_semaphore, #tpu.memory_space<semaphore_mem>>)
      %dma_wait3A_149 = tpu.memref_slice %arg2[%mul3A_118] : memref<160000xi32, #tpu.memory_space<hbm>> -> memref<16000xi32, #tpu.memory_space<hbm>>
      %dma_wait3A_150 = tpu.memref_slice %arg2[%mul3A_118] : memref<160000xi32, #tpu.memory_space<hbm>> -> memref<16000xi32, #tpu.memory_space<hbm>>
      tpu.wait_dma2 semaphore(%arg11 : memref<!tpu.dma_semaphore, #tpu.memory_space<semaphore_mem>>) src(%dma_wait3A_150 : memref<16000xi32, #tpu.memory_space<hbm>>) dst(%arg7 : memref<16000xi32, #tpu.memory_space<vmem>>)
      %dma_wait3A_151 = tpu.memref_slice %arg3[%add3A_123] : memref<40960000xf32, #tpu.memory_space<hbm>> -> memref<16000xf32, #tpu.memory_space<hbm>>
      %dma_wait3A_152 = tpu.memref_slice %arg3[%add3A_123] : memref<40960000xf32, #tpu.memory_space<hbm>> -> memref<16000xf32, #tpu.memory_space<hbm>>
      tpu.wait_dma2 semaphore(%arg12 : memref<!tpu.dma_semaphore, #tpu.memory_space<semaphore_mem>>) src(%dma_wait3A_152 : memref<16000xf32, #tpu.memory_space<hbm>>) dst(%arg8 : memref<16000xf32, #tpu.memory_space<vmem>>)
      %scan3A_153 = arith.constant 0 : i32
      %scan3A_154 = arith.constant 0 : i32
      %scan3A_155 = arith.constant 1000 : i32
      %scan3A_156 = arith.addi %scan3A_154, %scan3A_155 : i32
      %scan3A_157 = arith.constant 1 : i32
      scf.for %scan3A_263 = %scan3A_154 to %scan3A_156 step %scan3A_157  : i32 {
        %mul3A_264 = arith.constant 16 : i32
        %mul3A_265 = arith.muli %scan3A_263, %mul3A_264 : i32
        %get3A = arith.index_cast %mul3A_265 : i32 to index
        %get3A_266 = tpu.vector_load %arg7[%get3A] {strides = array<i32>} : memref<16000xi32, #tpu.memory_space<vmem>>, vector<16xi32>,
        %mul3A_267 = arith.constant 16 : i32
        %mul3A_268 = arith.muli %scan3A_263, %mul3A_267 : i32
        %get3A_269 = arith.index_cast %mul3A_268 : i32 to index
        %get3A_270 = tpu.vector_load %arg8[%get3A_269] {strides = array<i32>} : memref<16000xf32, #tpu.memory_space<vmem>>, vector<16xf32>,
        %masked_sort3A = arith.constant dense<true> : vector<16xi1>
        %masked_sort3A_271 = arith.constant -2147483648 : i32
        %masked_sort3A_272 = vector.broadcast %masked_sort3A_271 : i32 to vector<16xi32>
        %masked_sort3A_273 = arith.xori %get3A_266, %masked_sort3A_272 : vector<16xi32>
        %masked_sort3A_274, %masked_sort3A_275, %masked_sort3A_276 = tpu.sort %masked_sort3A_273, %get3A_270 masked %masked_sort3A : (vector<16xi32>, vector<16xf32>, vector<16xi1>) -> (vector<16xi1>, vector<16xi32>, vector<16xf32>)
        %masked_sort3A_277 = arith.xori %masked_sort3A_275, %masked_sort3A_272 : vector<16xi32>
        %broadcast_in_dim3A_278 = vector.shape_cast %max3A : vector<16xi32> to vector<16x1xi32>
        %gather3A = vector.shape_cast %broadcast_in_dim3A_278 : vector<16x1xi32> to vector<16xi32>
        %gather3A_279 = tpu.dynamic_gather %masked_sort3A_277[%gather3A] in [0] : vector<16xi32>, vector<16xi32> -> vector<16xi32>
        %broadcast_in_dim3A_280 = vector.shape_cast %max3A : vector<16xi32> to vector<16x1xi32>
        %gather3A_281 = vector.shape_cast %broadcast_in_dim3A_280 : vector<16x1xi32> to vector<16xi32>
        %gather3A_282 = tpu.dynamic_gather %masked_sort3A_276[%gather3A_281] in [0] : vector<16xf32>, vector<16xi32> -> vector<16xf32>
        %eq3A_283 = arith.cmpi eq, %gather3A_279, %masked_sort3A_277 : vector<16xi32>
        %jit3A = arith.constant 0xFF800000 : f32
        %broadcast_in_dim3A_284 = vector.broadcast %jit3A : f32 to vector<16xf32>
        %select_n3A = arith.select %eq3A_283, %gather3A_282, %broadcast_in_dim3A_284 : vector<16xi1>, vector<16xf32>
        %max3A_285 = arith.maximumf %masked_sort3A_276, %select_n3A : vector<16xf32>
        %broadcast_in_dim3A_286 = vector.shape_cast %max3A_7 : vector<16xi32> to vector<16x1xi32>
        %gather3A_287 = vector.shape_cast %broadcast_in_dim3A_286 : vector<16x1xi32> to vector<16xi32>
        %gather3A_288 = tpu.dynamic_gather %masked_sort3A_277[%gather3A_287] in [0] : vector<16xi32>, vector<16xi32> -> vector<16xi32>
        %broadcast_in_dim3A_289 = vector.shape_cast %max3A_7 : vector<16xi32> to vector<16x1xi32>
        %gather3A_290 = vector.shape_cast %broadcast_in_dim3A_289 : vector<16x1xi32> to vector<16xi32>
        %gather3A_291 = tpu.dynamic_gather %max3A_285[%gather3A_290] in [0] : vector<16xf32>, vector<16xi32> -> vector<16xf32>
        %eq3A_292 = arith.cmpi eq, %gather3A_288, %masked_sort3A_277 : vector<16xi32>
        %jit3A_293 = arith.constant 0xFF800000 : f32
        %broadcast_in_dim3A_294 = vector.broadcast %jit3A_293 : f32 to vector<16xf32>
        %select_n3A_295 = arith.select %eq3A_292, %gather3A_291, %broadcast_in_dim3A_294 : vector<16xi1>, vector<16xf32>
        %max3A_296 = arith.maximumf %max3A_285, %select_n3A_295 : vector<16xf32>
        %broadcast_in_dim3A_297 = vector.shape_cast %max3A_11 : vector<16xi32> to vector<16x1xi32>
        %gather3A_298 = vector.shape_cast %broadcast_in_dim3A_297 : vector<16x1xi32> to vector<16xi32>
        %gather3A_299 = tpu.dynamic_gather %masked_sort3A_277[%gather3A_298] in [0] : vector<16xi32>, vector<16xi32> -> vector<16xi32>
        %broadcast_in_dim3A_300 = vector.shape_cast %max3A_11 : vector<16xi32> to vector<16x1xi32>
        %gather3A_301 = vector.shape_cast %broadcast_in_dim3A_300 : vector<16x1xi32> to vector<16xi32>
        %gather3A_302 = tpu.dynamic_gather %max3A_296[%gather3A_301] in [0] : vector<16xf32>, vector<16xi32> -> vector<16xf32>
        %eq3A_303 = arith.cmpi eq, %gather3A_299, %masked_sort3A_277 : vector<16xi32>
        %jit3A_304 = arith.constant 0xFF800000 : f32
        %broadcast_in_dim3A_305 = vector.broadcast %jit3A_304 : f32 to vector<16xf32>
        %select_n3A_306 = arith.select %eq3A_303, %gather3A_302, %broadcast_in_dim3A_305 : vector<16xi1>, vector<16xf32>
        %max3A_307 = arith.maximumf %max3A_296, %select_n3A_306 : vector<16xf32>
        %broadcast_in_dim3A_308 = vector.shape_cast %max3A_15 : vector<16xi32> to vector<16x1xi32>
        %gather3A_309 = vector.shape_cast %broadcast_in_dim3A_308 : vector<16x1xi32> to vector<16xi32>
        %gather3A_310 = tpu.dynamic_gather %masked_sort3A_277[%gather3A_309] in [0] : vector<16xi32>, vector<16xi32> -> vector<16xi32>
        %broadcast_in_dim3A_311 = vector.shape_cast %max3A_15 : vector<16xi32> to vector<16x1xi32>
        %gather3A_312 = vector.shape_cast %broadcast_in_dim3A_311 : vector<16x1xi32> to vector<16xi32>
        %gather3A_313 = tpu.dynamic_gather %max3A_307[%gather3A_312] in [0] : vector<16xf32>, vector<16xi32> -> vector<16xf32>
        %eq3A_314 = arith.cmpi eq, %gather3A_310, %masked_sort3A_277 : vector<16xi32>
        %jit3A_315 = arith.constant 0xFF800000 : f32
        %broadcast_in_dim3A_316 = vector.broadcast %jit3A_315 : f32 to vector<16xf32>
        %select_n3A_317 = arith.select %eq3A_314, %gather3A_313, %broadcast_in_dim3A_316 : vector<16xi1>, vector<16xf32>
        %max3A_318 = arith.maximumf %max3A_307, %select_n3A_317 : vector<16xf32>
        %broadcast_in_dim3A_319 = vector.shape_cast %min3A : vector<16xi32> to vector<16x1xi32>
        %gather3A_320 = vector.shape_cast %broadcast_in_dim3A_319 : vector<16x1xi32> to vector<16xi32>
        %gather3A_321 = tpu.dynamic_gather %masked_sort3A_277[%gather3A_320] in [0] : vector<16xi32>, vector<16xi32> -> vector<16xi32>
        %ne3A = arith.cmpi ne, %masked_sort3A_277, %gather3A_321 : vector<16xi32>
        %or3A = arith.ori %ne3A, %eq3A : vector<16xi1>
        %gather3A_322 = tpu.vector_load_idx %arg6[%masked_sort3A_277] : memref<65536xf32, #tpu.memory_space<vmem>>[vector<16xi32>], vector<16xf32>,
        %gt3A = arith.cmpf ogt, %max3A_318, %gather3A_322 : vector<16xf32>
        %and3A = arith.andi %or3A, %gt3A : vector<16xi1>
        tpu.vector_store_idx %arg6[%masked_sort3A_277], %max3A_318 masked %and3A : memref<65536xf32, #tpu.memory_space<vmem>>[vector<16xi32>], vector<16xf32>, vector<16xi1>
      }
      %scan3A_158 = arith.constant 1000 : i32
      %add3A_159 = arith.constant 6 : i32
      %add3A_160 = arith.addi %add3A_159, %add3A : i32
      %rem3A_161 = arith.constant 10 : i32
      %rem3A_162 = arith.remsi %add3A_160, %rem3A_161 : i32
      %mul3A_163 = arith.constant 16000 : i32
      %mul3A_164 = arith.muli %rem3A_162, %mul3A_163 : i32
      %dma_start3A_165 = tpu.memref_slice %arg2[%mul3A_164] : memref<160000xi32, #tpu.memory_space<hbm>> -> memref<16000xi32, #tpu.memory_space<hbm>>
      %dma_start3A_166 = tpu.memref_slice %arg2[%mul3A_164] : memref<160000xi32, #tpu.memory_space<hbm>> -> memref<16000xi32, #tpu.memory_space<hbm>>
      tpu.enqueue_dma source(%dma_start3A_166 : memref<16000xi32, #tpu.memory_space<hbm>>) target(%arg7 : memref<16000xi32, #tpu.memory_space<vmem>>) target_semaphore(%arg11 : memref<!tpu.dma_semaphore, #tpu.memory_space<semaphore_mem>>)
      %mul3A_167 = arith.constant 160000 : i32
      %mul3A_168 = arith.muli %add3A_33, %mul3A_167 : i32
      %add3A_169 = arith.addi %mul3A_168, %mul3A_164 : i32
      %dma_start3A_170 = tpu.memref_slice %arg3[%add3A_169] : memref<40960000xf32, #tpu.memory_space<hbm>> -> memref<16000xf32, #tpu.memory_space<hbm>>
      %dma_start3A_171 = tpu.memref_slice %arg3[%add3A_169] : memref<40960000xf32, #tpu.memory_space<hbm>> -> memref<16000xf32, #tpu.memory_space<hbm>>
      tpu.enqueue_dma source(%dma_start3A_171 : memref<16000xf32, #tpu.memory_space<hbm>>) target(%arg8 : memref<16000xf32, #tpu.memory_space<vmem>>) target_semaphore(%arg12 : memref<!tpu.dma_semaphore, #tpu.memory_space<semaphore_mem>>)
      %dma_wait3A_172 = tpu.memref_slice %arg2[%mul3A_141] : memref<160000xi32, #tpu.memory_space<hbm>> -> memref<16000xi32, #tpu.memory_space<hbm>>
      %dma_wait3A_173 = tpu.memref_slice %arg2[%mul3A_141] : memref<160000xi32, #tpu.memory_space<hbm>> -> memref<16000xi32, #tpu.memory_space<hbm>>
      tpu.wait_dma2 semaphore(%arg13 : memref<!tpu.dma_semaphore, #tpu.memory_space<semaphore_mem>>) src(%dma_wait3A_173 : memref<16000xi32, #tpu.memory_space<hbm>>) dst(%arg9 : memref<16000xi32, #tpu.memory_space<vmem>>)
      %dma_wait3A_174 = tpu.memref_slice %arg3[%add3A_146] : memref<40960000xf32, #tpu.memory_space<hbm>> -> memref<16000xf32, #tpu.memory_space<hbm>>
      %dma_wait3A_175 = tpu.memref_slice %arg3[%add3A_146] : memref<40960000xf32, #tpu.memory_space<hbm>> -> memref<16000xf32, #tpu.memory_space<hbm>>
      tpu.wait_dma2 semaphore(%arg14 : memref<!tpu.dma_semaphore, #tpu.memory_space<semaphore_mem>>) src(%dma_wait3A_175 : memref<16000xf32, #tpu.memory_space<hbm>>) dst(%arg10 : memref<16000xf32, #tpu.memory_space<vmem>>)
      %scan3A_176 = arith.constant 0 : i32
      %scan3A_177 = arith.constant 0 : i32
      %scan3A_178 = arith.constant 1000 : i32
      %scan3A_179 = arith.addi %scan3A_177, %scan3A_178 : i32
      %scan3A_180 = arith.constant 1 : i32
      scf.for %scan3A_263 = %scan3A_177 to %scan3A_179 step %scan3A_180  : i32 {
        %mul3A_264 = arith.constant 16 : i32
        %mul3A_265 = arith.muli %scan3A_263, %mul3A_264 : i32
        %get3A = arith.index_cast %mul3A_265 : i32 to index
        %get3A_266 = tpu.vector_load %arg9[%get3A] {strides = array<i32>} : memref<16000xi32, #tpu.memory_space<vmem>>, vector<16xi32>,
        %mul3A_267 = arith.constant 16 : i32
        %mul3A_268 = arith.muli %scan3A_263, %mul3A_267 : i32
        %get3A_269 = arith.index_cast %mul3A_268 : i32 to index
        %get3A_270 = tpu.vector_load %arg10[%get3A_269] {strides = array<i32>} : memref<16000xf32, #tpu.memory_space<vmem>>, vector<16xf32>,
        %masked_sort3A = arith.constant dense<true> : vector<16xi1>
        %masked_sort3A_271 = arith.constant -2147483648 : i32
        %masked_sort3A_272 = vector.broadcast %masked_sort3A_271 : i32 to vector<16xi32>
        %masked_sort3A_273 = arith.xori %get3A_266, %masked_sort3A_272 : vector<16xi32>
        %masked_sort3A_274, %masked_sort3A_275, %masked_sort3A_276 = tpu.sort %masked_sort3A_273, %get3A_270 masked %masked_sort3A : (vector<16xi32>, vector<16xf32>, vector<16xi1>) -> (vector<16xi1>, vector<16xi32>, vector<16xf32>)
        %masked_sort3A_277 = arith.xori %masked_sort3A_275, %masked_sort3A_272 : vector<16xi32>
        %broadcast_in_dim3A_278 = vector.shape_cast %max3A : vector<16xi32> to vector<16x1xi32>
        %gather3A = vector.shape_cast %broadcast_in_dim3A_278 : vector<16x1xi32> to vector<16xi32>
        %gather3A_279 = tpu.dynamic_gather %masked_sort3A_277[%gather3A] in [0] : vector<16xi32>, vector<16xi32> -> vector<16xi32>
        %broadcast_in_dim3A_280 = vector.shape_cast %max3A : vector<16xi32> to vector<16x1xi32>
        %gather3A_281 = vector.shape_cast %broadcast_in_dim3A_280 : vector<16x1xi32> to vector<16xi32>
        %gather3A_282 = tpu.dynamic_gather %masked_sort3A_276[%gather3A_281] in [0] : vector<16xf32>, vector<16xi32> -> vector<16xf32>
        %eq3A_283 = arith.cmpi eq, %gather3A_279, %masked_sort3A_277 : vector<16xi32>
        %jit3A = arith.constant 0xFF800000 : f32
        %broadcast_in_dim3A_284 = vector.broadcast %jit3A : f32 to vector<16xf32>
        %select_n3A = arith.select %eq3A_283, %gather3A_282, %broadcast_in_dim3A_284 : vector<16xi1>, vector<16xf32>
        %max3A_285 = arith.maximumf %masked_sort3A_276, %select_n3A : vector<16xf32>
        %broadcast_in_dim3A_286 = vector.shape_cast %max3A_7 : vector<16xi32> to vector<16x1xi32>
        %gather3A_287 = vector.shape_cast %broadcast_in_dim3A_286 : vector<16x1xi32> to vector<16xi32>
        %gather3A_288 = tpu.dynamic_gather %masked_sort3A_277[%gather3A_287] in [0] : vector<16xi32>, vector<16xi32> -> vector<16xi32>
        %broadcast_in_dim3A_289 = vector.shape_cast %max3A_7 : vector<16xi32> to vector<16x1xi32>
        %gather3A_290 = vector.shape_cast %broadcast_in_dim3A_289 : vector<16x1xi32> to vector<16xi32>
        %gather3A_291 = tpu.dynamic_gather %max3A_285[%gather3A_290] in [0] : vector<16xf32>, vector<16xi32> -> vector<16xf32>
        %eq3A_292 = arith.cmpi eq, %gather3A_288, %masked_sort3A_277 : vector<16xi32>
        %jit3A_293 = arith.constant 0xFF800000 : f32
        %broadcast_in_dim3A_294 = vector.broadcast %jit3A_293 : f32 to vector<16xf32>
        %select_n3A_295 = arith.select %eq3A_292, %gather3A_291, %broadcast_in_dim3A_294 : vector<16xi1>, vector<16xf32>
        %max3A_296 = arith.maximumf %max3A_285, %select_n3A_295 : vector<16xf32>
        %broadcast_in_dim3A_297 = vector.shape_cast %max3A_11 : vector<16xi32> to vector<16x1xi32>
        %gather3A_298 = vector.shape_cast %broadcast_in_dim3A_297 : vector<16x1xi32> to vector<16xi32>
        %gather3A_299 = tpu.dynamic_gather %masked_sort3A_277[%gather3A_298] in [0] : vector<16xi32>, vector<16xi32> -> vector<16xi32>
        %broadcast_in_dim3A_300 = vector.shape_cast %max3A_11 : vector<16xi32> to vector<16x1xi32>
        %gather3A_301 = vector.shape_cast %broadcast_in_dim3A_300 : vector<16x1xi32> to vector<16xi32>
        %gather3A_302 = tpu.dynamic_gather %max3A_296[%gather3A_301] in [0] : vector<16xf32>, vector<16xi32> -> vector<16xf32>
        %eq3A_303 = arith.cmpi eq, %gather3A_299, %masked_sort3A_277 : vector<16xi32>
        %jit3A_304 = arith.constant 0xFF800000 : f32
        %broadcast_in_dim3A_305 = vector.broadcast %jit3A_304 : f32 to vector<16xf32>
        %select_n3A_306 = arith.select %eq3A_303, %gather3A_302, %broadcast_in_dim3A_305 : vector<16xi1>, vector<16xf32>
        %max3A_307 = arith.maximumf %max3A_296, %select_n3A_306 : vector<16xf32>
        %broadcast_in_dim3A_308 = vector.shape_cast %max3A_15 : vector<16xi32> to vector<16x1xi32>
        %gather3A_309 = vector.shape_cast %broadcast_in_dim3A_308 : vector<16x1xi32> to vector<16xi32>
        %gather3A_310 = tpu.dynamic_gather %masked_sort3A_277[%gather3A_309] in [0] : vector<16xi32>, vector<16xi32> -> vector<16xi32>
        %broadcast_in_dim3A_311 = vector.shape_cast %max3A_15 : vector<16xi32> to vector<16x1xi32>
        %gather3A_312 = vector.shape_cast %broadcast_in_dim3A_311 : vector<16x1xi32> to vector<16xi32>
        %gather3A_313 = tpu.dynamic_gather %max3A_307[%gather3A_312] in [0] : vector<16xf32>, vector<16xi32> -> vector<16xf32>
        %eq3A_314 = arith.cmpi eq, %gather3A_310, %masked_sort3A_277 : vector<16xi32>
        %jit3A_315 = arith.constant 0xFF800000 : f32
        %broadcast_in_dim3A_316 = vector.broadcast %jit3A_315 : f32 to vector<16xf32>
        %select_n3A_317 = arith.select %eq3A_314, %gather3A_313, %broadcast_in_dim3A_316 : vector<16xi1>, vector<16xf32>
        %max3A_318 = arith.maximumf %max3A_307, %select_n3A_317 : vector<16xf32>
        %broadcast_in_dim3A_319 = vector.shape_cast %min3A : vector<16xi32> to vector<16x1xi32>
        %gather3A_320 = vector.shape_cast %broadcast_in_dim3A_319 : vector<16x1xi32> to vector<16xi32>
        %gather3A_321 = tpu.dynamic_gather %masked_sort3A_277[%gather3A_320] in [0] : vector<16xi32>, vector<16xi32> -> vector<16xi32>
        %ne3A = arith.cmpi ne, %masked_sort3A_277, %gather3A_321 : vector<16xi32>
        %or3A = arith.ori %ne3A, %eq3A : vector<16xi1>
        %gather3A_322 = tpu.vector_load_idx %arg6[%masked_sort3A_277] : memref<65536xf32, #tpu.memory_space<vmem>>[vector<16xi32>], vector<16xf32>,
        %gt3A = arith.cmpf ogt, %max3A_318, %gather3A_322 : vector<16xf32>
        %and3A = arith.andi %or3A, %gt3A : vector<16xi1>
        tpu.vector_store_idx %arg6[%masked_sort3A_277], %max3A_318 masked %and3A : memref<65536xf32, #tpu.memory_space<vmem>>[vector<16xi32>], vector<16xf32>, vector<16xi1>
      }
      %scan3A_181 = arith.constant 1000 : i32
      %add3A_182 = arith.constant 7 : i32
      %add3A_183 = arith.addi %add3A_182, %add3A : i32
      %rem3A_184 = arith.constant 10 : i32
      %rem3A_185 = arith.remsi %add3A_183, %rem3A_184 : i32
      %mul3A_186 = arith.constant 16000 : i32
      %mul3A_187 = arith.muli %rem3A_185, %mul3A_186 : i32
      %dma_start3A_188 = tpu.memref_slice %arg2[%mul3A_187] : memref<160000xi32, #tpu.memory_space<hbm>> -> memref<16000xi32, #tpu.memory_space<hbm>>
      %dma_start3A_189 = tpu.memref_slice %arg2[%mul3A_187] : memref<160000xi32, #tpu.memory_space<hbm>> -> memref<16000xi32, #tpu.memory_space<hbm>>
      tpu.enqueue_dma source(%dma_start3A_189 : memref<16000xi32, #tpu.memory_space<hbm>>) target(%arg9 : memref<16000xi32, #tpu.memory_space<vmem>>) target_semaphore(%arg13 : memref<!tpu.dma_semaphore, #tpu.memory_space<semaphore_mem>>)
      %mul3A_190 = arith.constant 160000 : i32
      %mul3A_191 = arith.muli %add3A_33, %mul3A_190 : i32
      %add3A_192 = arith.addi %mul3A_191, %mul3A_187 : i32
      %dma_start3A_193 = tpu.memref_slice %arg3[%add3A_192] : memref<40960000xf32, #tpu.memory_space<hbm>> -> memref<16000xf32, #tpu.memory_space<hbm>>
      %dma_start3A_194 = tpu.memref_slice %arg3[%add3A_192] : memref<40960000xf32, #tpu.memory_space<hbm>> -> memref<16000xf32, #tpu.memory_space<hbm>>
      tpu.enqueue_dma source(%dma_start3A_194 : memref<16000xf32, #tpu.memory_space<hbm>>) target(%arg10 : memref<16000xf32, #tpu.memory_space<vmem>>) target_semaphore(%arg14 : memref<!tpu.dma_semaphore, #tpu.memory_space<semaphore_mem>>)
      %dma_wait3A_195 = tpu.memref_slice %arg2[%mul3A_164] : memref<160000xi32, #tpu.memory_space<hbm>> -> memref<16000xi32, #tpu.memory_space<hbm>>
      %dma_wait3A_196 = tpu.memref_slice %arg2[%mul3A_164] : memref<160000xi32, #tpu.memory_space<hbm>> -> memref<16000xi32, #tpu.memory_space<hbm>>
      tpu.wait_dma2 semaphore(%arg11 : memref<!tpu.dma_semaphore, #tpu.memory_space<semaphore_mem>>) src(%dma_wait3A_196 : memref<16000xi32, #tpu.memory_space<hbm>>) dst(%arg7 : memref<16000xi32, #tpu.memory_space<vmem>>)
      %dma_wait3A_197 = tpu.memref_slice %arg3[%add3A_169] : memref<40960000xf32, #tpu.memory_space<hbm>> -> memref<16000xf32, #tpu.memory_space<hbm>>
      %dma_wait3A_198 = tpu.memref_slice %arg3[%add3A_169] : memref<40960000xf32, #tpu.memory_space<hbm>> -> memref<16000xf32, #tpu.memory_space<hbm>>
      tpu.wait_dma2 semaphore(%arg12 : memref<!tpu.dma_semaphore, #tpu.memory_space<semaphore_mem>>) src(%dma_wait3A_198 : memref<16000xf32, #tpu.memory_space<hbm>>) dst(%arg8 : memref<16000xf32, #tpu.memory_space<vmem>>)
      %scan3A_199 = arith.constant 0 : i32
      %scan3A_200 = arith.constant 0 : i32
      %scan3A_201 = arith.constant 1000 : i32
      %scan3A_202 = arith.addi %scan3A_200, %scan3A_201 : i32
      %scan3A_203 = arith.constant 1 : i32
      scf.for %scan3A_263 = %scan3A_200 to %scan3A_202 step %scan3A_203  : i32 {
        %mul3A_264 = arith.constant 16 : i32
        %mul3A_265 = arith.muli %scan3A_263, %mul3A_264 : i32
        %get3A = arith.index_cast %mul3A_265 : i32 to index
        %get3A_266 = tpu.vector_load %arg7[%get3A] {strides = array<i32>} : memref<16000xi32, #tpu.memory_space<vmem>>, vector<16xi32>,
        %mul3A_267 = arith.constant 16 : i32
        %mul3A_268 = arith.muli %scan3A_263, %mul3A_267 : i32
        %get3A_269 = arith.index_cast %mul3A_268 : i32 to index
        %get3A_270 = tpu.vector_load %arg8[%get3A_269] {strides = array<i32>} : memref<16000xf32, #tpu.memory_space<vmem>>, vector<16xf32>,
        %masked_sort3A = arith.constant dense<true> : vector<16xi1>
        %masked_sort3A_271 = arith.constant -2147483648 : i32
        %masked_sort3A_272 = vector.broadcast %masked_sort3A_271 : i32 to vector<16xi32>
        %masked_sort3A_273 = arith.xori %get3A_266, %masked_sort3A_272 : vector<16xi32>
        %masked_sort3A_274, %masked_sort3A_275, %masked_sort3A_276 = tpu.sort %masked_sort3A_273, %get3A_270 masked %masked_sort3A : (vector<16xi32>, vector<16xf32>, vector<16xi1>) -> (vector<16xi1>, vector<16xi32>, vector<16xf32>)
        %masked_sort3A_277 = arith.xori %masked_sort3A_275, %masked_sort3A_272 : vector<16xi32>
        %broadcast_in_dim3A_278 = vector.shape_cast %max3A : vector<16xi32> to vector<16x1xi32>
        %gather3A = vector.shape_cast %broadcast_in_dim3A_278 : vector<16x1xi32> to vector<16xi32>
        %gather3A_279 = tpu.dynamic_gather %masked_sort3A_277[%gather3A] in [0] : vector<16xi32>, vector<16xi32> -> vector<16xi32>
        %broadcast_in_dim3A_280 = vector.shape_cast %max3A : vector<16xi32> to vector<16x1xi32>
        %gather3A_281 = vector.shape_cast %broadcast_in_dim3A_280 : vector<16x1xi32> to vector<16xi32>
        %gather3A_282 = tpu.dynamic_gather %masked_sort3A_276[%gather3A_281] in [0] : vector<16xf32>, vector<16xi32> -> vector<16xf32>
        %eq3A_283 = arith.cmpi eq, %gather3A_279, %masked_sort3A_277 : vector<16xi32>
        %jit3A = arith.constant 0xFF800000 : f32
        %broadcast_in_dim3A_284 = vector.broadcast %jit3A : f32 to vector<16xf32>
        %select_n3A = arith.select %eq3A_283, %gather3A_282, %broadcast_in_dim3A_284 : vector<16xi1>, vector<16xf32>
        %max3A_285 = arith.maximumf %masked_sort3A_276, %select_n3A : vector<16xf32>
        %broadcast_in_dim3A_286 = vector.shape_cast %max3A_7 : vector<16xi32> to vector<16x1xi32>
        %gather3A_287 = vector.shape_cast %broadcast_in_dim3A_286 : vector<16x1xi32> to vector<16xi32>
        %gather3A_288 = tpu.dynamic_gather %masked_sort3A_277[%gather3A_287] in [0] : vector<16xi32>, vector<16xi32> -> vector<16xi32>
        %broadcast_in_dim3A_289 = vector.shape_cast %max3A_7 : vector<16xi32> to vector<16x1xi32>
        %gather3A_290 = vector.shape_cast %broadcast_in_dim3A_289 : vector<16x1xi32> to vector<16xi32>
        %gather3A_291 = tpu.dynamic_gather %max3A_285[%gather3A_290] in [0] : vector<16xf32>, vector<16xi32> -> vector<16xf32>
        %eq3A_292 = arith.cmpi eq, %gather3A_288, %masked_sort3A_277 : vector<16xi32>
        %jit3A_293 = arith.constant 0xFF800000 : f32
        %broadcast_in_dim3A_294 = vector.broadcast %jit3A_293 : f32 to vector<16xf32>
        %select_n3A_295 = arith.select %eq3A_292, %gather3A_291, %broadcast_in_dim3A_294 : vector<16xi1>, vector<16xf32>
        %max3A_296 = arith.maximumf %max3A_285, %select_n3A_295 : vector<16xf32>
        %broadcast_in_dim3A_297 = vector.shape_cast %max3A_11 : vector<16xi32> to vector<16x1xi32>
        %gather3A_298 = vector.shape_cast %broadcast_in_dim3A_297 : vector<16x1xi32> to vector<16xi32>
        %gather3A_299 = tpu.dynamic_gather %masked_sort3A_277[%gather3A_298] in [0] : vector<16xi32>, vector<16xi32> -> vector<16xi32>
        %broadcast_in_dim3A_300 = vector.shape_cast %max3A_11 : vector<16xi32> to vector<16x1xi32>
        %gather3A_301 = vector.shape_cast %broadcast_in_dim3A_300 : vector<16x1xi32> to vector<16xi32>
        %gather3A_302 = tpu.dynamic_gather %max3A_296[%gather3A_301] in [0] : vector<16xf32>, vector<16xi32> -> vector<16xf32>
        %eq3A_303 = arith.cmpi eq, %gather3A_299, %masked_sort3A_277 : vector<16xi32>
        %jit3A_304 = arith.constant 0xFF800000 : f32
        %broadcast_in_dim3A_305 = vector.broadcast %jit3A_304 : f32 to vector<16xf32>
        %select_n3A_306 = arith.select %eq3A_303, %gather3A_302, %broadcast_in_dim3A_305 : vector<16xi1>, vector<16xf32>
        %max3A_307 = arith.maximumf %max3A_296, %select_n3A_306 : vector<16xf32>
        %broadcast_in_dim3A_308 = vector.shape_cast %max3A_15 : vector<16xi32> to vector<16x1xi32>
        %gather3A_309 = vector.shape_cast %broadcast_in_dim3A_308 : vector<16x1xi32> to vector<16xi32>
        %gather3A_310 = tpu.dynamic_gather %masked_sort3A_277[%gather3A_309] in [0] : vector<16xi32>, vector<16xi32> -> vector<16xi32>
        %broadcast_in_dim3A_311 = vector.shape_cast %max3A_15 : vector<16xi32> to vector<16x1xi32>
        %gather3A_312 = vector.shape_cast %broadcast_in_dim3A_311 : vector<16x1xi32> to vector<16xi32>
        %gather3A_313 = tpu.dynamic_gather %max3A_307[%gather3A_312] in [0] : vector<16xf32>, vector<16xi32> -> vector<16xf32>
        %eq3A_314 = arith.cmpi eq, %gather3A_310, %masked_sort3A_277 : vector<16xi32>
        %jit3A_315 = arith.constant 0xFF800000 : f32
        %broadcast_in_dim3A_316 = vector.broadcast %jit3A_315 : f32 to vector<16xf32>
        %select_n3A_317 = arith.select %eq3A_314, %gather3A_313, %broadcast_in_dim3A_316 : vector<16xi1>, vector<16xf32>
        %max3A_318 = arith.maximumf %max3A_307, %select_n3A_317 : vector<16xf32>
        %broadcast_in_dim3A_319 = vector.shape_cast %min3A : vector<16xi32> to vector<16x1xi32>
        %gather3A_320 = vector.shape_cast %broadcast_in_dim3A_319 : vector<16x1xi32> to vector<16xi32>
        %gather3A_321 = tpu.dynamic_gather %masked_sort3A_277[%gather3A_320] in [0] : vector<16xi32>, vector<16xi32> -> vector<16xi32>
        %ne3A = arith.cmpi ne, %masked_sort3A_277, %gather3A_321 : vector<16xi32>
        %or3A = arith.ori %ne3A, %eq3A : vector<16xi1>
        %gather3A_322 = tpu.vector_load_idx %arg6[%masked_sort3A_277] : memref<65536xf32, #tpu.memory_space<vmem>>[vector<16xi32>], vector<16xf32>,
        %gt3A = arith.cmpf ogt, %max3A_318, %gather3A_322 : vector<16xf32>
        %and3A = arith.andi %or3A, %gt3A : vector<16xi1>
        tpu.vector_store_idx %arg6[%masked_sort3A_277], %max3A_318 masked %and3A : memref<65536xf32, #tpu.memory_space<vmem>>[vector<16xi32>], vector<16xf32>, vector<16xi1>
      }
      %scan3A_204 = arith.constant 1000 : i32
      %add3A_205 = arith.constant 8 : i32
      %add3A_206 = arith.addi %add3A_205, %add3A : i32
      %rem3A_207 = arith.constant 10 : i32
      %rem3A_208 = arith.remsi %add3A_206, %rem3A_207 : i32
      %mul3A_209 = arith.constant 16000 : i32
      %mul3A_210 = arith.muli %rem3A_208, %mul3A_209 : i32
      %dma_start3A_211 = tpu.memref_slice %arg2[%mul3A_210] : memref<160000xi32, #tpu.memory_space<hbm>> -> memref<16000xi32, #tpu.memory_space<hbm>>
      %dma_start3A_212 = tpu.memref_slice %arg2[%mul3A_210] : memref<160000xi32, #tpu.memory_space<hbm>> -> memref<16000xi32, #tpu.memory_space<hbm>>
      tpu.enqueue_dma source(%dma_start3A_212 : memref<16000xi32, #tpu.memory_space<hbm>>) target(%arg7 : memref<16000xi32, #tpu.memory_space<vmem>>) target_semaphore(%arg11 : memref<!tpu.dma_semaphore, #tpu.memory_space<semaphore_mem>>)
      %mul3A_213 = arith.constant 160000 : i32
      %mul3A_214 = arith.muli %add3A_33, %mul3A_213 : i32
      %add3A_215 = arith.addi %mul3A_214, %mul3A_210 : i32
      %dma_start3A_216 = tpu.memref_slice %arg3[%add3A_215] : memref<40960000xf32, #tpu.memory_space<hbm>> -> memref<16000xf32, #tpu.memory_space<hbm>>
      %dma_start3A_217 = tpu.memref_slice %arg3[%add3A_215] : memref<40960000xf32, #tpu.memory_space<hbm>> -> memref<16000xf32, #tpu.memory_space<hbm>>
      tpu.enqueue_dma source(%dma_start3A_217 : memref<16000xf32, #tpu.memory_space<hbm>>) target(%arg8 : memref<16000xf32, #tpu.memory_space<vmem>>) target_semaphore(%arg12 : memref<!tpu.dma_semaphore, #tpu.memory_space<semaphore_mem>>)
      %dma_wait3A_218 = tpu.memref_slice %arg2[%mul3A_187] : memref<160000xi32, #tpu.memory_space<hbm>> -> memref<16000xi32, #tpu.memory_space<hbm>>
      %dma_wait3A_219 = tpu.memref_slice %arg2[%mul3A_187] : memref<160000xi32, #tpu.memory_space<hbm>> -> memref<16000xi32, #tpu.memory_space<hbm>>
      tpu.wait_dma2 semaphore(%arg13 : memref<!tpu.dma_semaphore, #tpu.memory_space<semaphore_mem>>) src(%dma_wait3A_219 : memref<16000xi32, #tpu.memory_space<hbm>>) dst(%arg9 : memref<16000xi32, #tpu.memory_space<vmem>>)
      %dma_wait3A_220 = tpu.memref_slice %arg3[%add3A_192] : memref<40960000xf32, #tpu.memory_space<hbm>> -> memref<16000xf32, #tpu.memory_space<hbm>>
      %dma_wait3A_221 = tpu.memref_slice %arg3[%add3A_192] : memref<40960000xf32, #tpu.memory_space<hbm>> -> memref<16000xf32, #tpu.memory_space<hbm>>
      tpu.wait_dma2 semaphore(%arg14 : memref<!tpu.dma_semaphore, #tpu.memory_space<semaphore_mem>>) src(%dma_wait3A_221 : memref<16000xf32, #tpu.memory_space<hbm>>) dst(%arg10 : memref<16000xf32, #tpu.memory_space<vmem>>)
      %scan3A_222 = arith.constant 0 : i32
      %scan3A_223 = arith.constant 0 : i32
      %scan3A_224 = arith.constant 1000 : i32
      %scan3A_225 = arith.addi %scan3A_223, %scan3A_224 : i32
      %scan3A_226 = arith.constant 1 : i32
      scf.for %scan3A_263 = %scan3A_223 to %scan3A_225 step %scan3A_226  : i32 {
        %mul3A_264 = arith.constant 16 : i32
        %mul3A_265 = arith.muli %scan3A_263, %mul3A_264 : i32
        %get3A = arith.index_cast %mul3A_265 : i32 to index
        %get3A_266 = tpu.vector_load %arg9[%get3A] {strides = array<i32>} : memref<16000xi32, #tpu.memory_space<vmem>>, vector<16xi32>,
        %mul3A_267 = arith.constant 16 : i32
        %mul3A_268 = arith.muli %scan3A_263, %mul3A_267 : i32
        %get3A_269 = arith.index_cast %mul3A_268 : i32 to index
        %get3A_270 = tpu.vector_load %arg10[%get3A_269] {strides = array<i32>} : memref<16000xf32, #tpu.memory_space<vmem>>, vector<16xf32>,
        %masked_sort3A = arith.constant dense<true> : vector<16xi1>
        %masked_sort3A_271 = arith.constant -2147483648 : i32
        %masked_sort3A_272 = vector.broadcast %masked_sort3A_271 : i32 to vector<16xi32>
        %masked_sort3A_273 = arith.xori %get3A_266, %masked_sort3A_272 : vector<16xi32>
        %masked_sort3A_274, %masked_sort3A_275, %masked_sort3A_276 = tpu.sort %masked_sort3A_273, %get3A_270 masked %masked_sort3A : (vector<16xi32>, vector<16xf32>, vector<16xi1>) -> (vector<16xi1>, vector<16xi32>, vector<16xf32>)
        %masked_sort3A_277 = arith.xori %masked_sort3A_275, %masked_sort3A_272 : vector<16xi32>
        %broadcast_in_dim3A_278 = vector.shape_cast %max3A : vector<16xi32> to vector<16x1xi32>
        %gather3A = vector.shape_cast %broadcast_in_dim3A_278 : vector<16x1xi32> to vector<16xi32>
        %gather3A_279 = tpu.dynamic_gather %masked_sort3A_277[%gather3A] in [0] : vector<16xi32>, vector<16xi32> -> vector<16xi32>
        %broadcast_in_dim3A_280 = vector.shape_cast %max3A : vector<16xi32> to vector<16x1xi32>
        %gather3A_281 = vector.shape_cast %broadcast_in_dim3A_280 : vector<16x1xi32> to vector<16xi32>
        %gather3A_282 = tpu.dynamic_gather %masked_sort3A_276[%gather3A_281] in [0] : vector<16xf32>, vector<16xi32> -> vector<16xf32>
        %eq3A_283 = arith.cmpi eq, %gather3A_279, %masked_sort3A_277 : vector<16xi32>
        %jit3A = arith.constant 0xFF800000 : f32
        %broadcast_in_dim3A_284 = vector.broadcast %jit3A : f32 to vector<16xf32>
        %select_n3A = arith.select %eq3A_283, %gather3A_282, %broadcast_in_dim3A_284 : vector<16xi1>, vector<16xf32>
        %max3A_285 = arith.maximumf %masked_sort3A_276, %select_n3A : vector<16xf32>
        %broadcast_in_dim3A_286 = vector.shape_cast %max3A_7 : vector<16xi32> to vector<16x1xi32>
        %gather3A_287 = vector.shape_cast %broadcast_in_dim3A_286 : vector<16x1xi32> to vector<16xi32>
        %gather3A_288 = tpu.dynamic_gather %masked_sort3A_277[%gather3A_287] in [0] : vector<16xi32>, vector<16xi32> -> vector<16xi32>
        %broadcast_in_dim3A_289 = vector.shape_cast %max3A_7 : vector<16xi32> to vector<16x1xi32>
        %gather3A_290 = vector.shape_cast %broadcast_in_dim3A_289 : vector<16x1xi32> to vector<16xi32>
        %gather3A_291 = tpu.dynamic_gather %max3A_285[%gather3A_290] in [0] : vector<16xf32>, vector<16xi32> -> vector<16xf32>
        %eq3A_292 = arith.cmpi eq, %gather3A_288, %masked_sort3A_277 : vector<16xi32>
        %jit3A_293 = arith.constant 0xFF800000 : f32
        %broadcast_in_dim3A_294 = vector.broadcast %jit3A_293 : f32 to vector<16xf32>
        %select_n3A_295 = arith.select %eq3A_292, %gather3A_291, %broadcast_in_dim3A_294 : vector<16xi1>, vector<16xf32>
        %max3A_296 = arith.maximumf %max3A_285, %select_n3A_295 : vector<16xf32>
        %broadcast_in_dim3A_297 = vector.shape_cast %max3A_11 : vector<16xi32> to vector<16x1xi32>
        %gather3A_298 = vector.shape_cast %broadcast_in_dim3A_297 : vector<16x1xi32> to vector<16xi32>
        %gather3A_299 = tpu.dynamic_gather %masked_sort3A_277[%gather3A_298] in [0] : vector<16xi32>, vector<16xi32> -> vector<16xi32>
        %broadcast_in_dim3A_300 = vector.shape_cast %max3A_11 : vector<16xi32> to vector<16x1xi32>
        %gather3A_301 = vector.shape_cast %broadcast_in_dim3A_300 : vector<16x1xi32> to vector<16xi32>
        %gather3A_302 = tpu.dynamic_gather %max3A_296[%gather3A_301] in [0] : vector<16xf32>, vector<16xi32> -> vector<16xf32>
        %eq3A_303 = arith.cmpi eq, %gather3A_299, %masked_sort3A_277 : vector<16xi32>
        %jit3A_304 = arith.constant 0xFF800000 : f32
        %broadcast_in_dim3A_305 = vector.broadcast %jit3A_304 : f32 to vector<16xf32>
        %select_n3A_306 = arith.select %eq3A_303, %gather3A_302, %broadcast_in_dim3A_305 : vector<16xi1>, vector<16xf32>
        %max3A_307 = arith.maximumf %max3A_296, %select_n3A_306 : vector<16xf32>
        %broadcast_in_dim3A_308 = vector.shape_cast %max3A_15 : vector<16xi32> to vector<16x1xi32>
        %gather3A_309 = vector.shape_cast %broadcast_in_dim3A_308 : vector<16x1xi32> to vector<16xi32>
        %gather3A_310 = tpu.dynamic_gather %masked_sort3A_277[%gather3A_309] in [0] : vector<16xi32>, vector<16xi32> -> vector<16xi32>
        %broadcast_in_dim3A_311 = vector.shape_cast %max3A_15 : vector<16xi32> to vector<16x1xi32>
        %gather3A_312 = vector.shape_cast %broadcast_in_dim3A_311 : vector<16x1xi32> to vector<16xi32>
        %gather3A_313 = tpu.dynamic_gather %max3A_307[%gather3A_312] in [0] : vector<16xf32>, vector<16xi32> -> vector<16xf32>
        %eq3A_314 = arith.cmpi eq, %gather3A_310, %masked_sort3A_277 : vector<16xi32>
        %jit3A_315 = arith.constant 0xFF800000 : f32
        %broadcast_in_dim3A_316 = vector.broadcast %jit3A_315 : f32 to vector<16xf32>
        %select_n3A_317 = arith.select %eq3A_314, %gather3A_313, %broadcast_in_dim3A_316 : vector<16xi1>, vector<16xf32>
        %max3A_318 = arith.maximumf %max3A_307, %select_n3A_317 : vector<16xf32>
        %broadcast_in_dim3A_319 = vector.shape_cast %min3A : vector<16xi32> to vector<16x1xi32>
        %gather3A_320 = vector.shape_cast %broadcast_in_dim3A_319 : vector<16x1xi32> to vector<16xi32>
        %gather3A_321 = tpu.dynamic_gather %masked_sort3A_277[%gather3A_320] in [0] : vector<16xi32>, vector<16xi32> -> vector<16xi32>
        %ne3A = arith.cmpi ne, %masked_sort3A_277, %gather3A_321 : vector<16xi32>
        %or3A = arith.ori %ne3A, %eq3A : vector<16xi1>
        %gather3A_322 = tpu.vector_load_idx %arg6[%masked_sort3A_277] : memref<65536xf32, #tpu.memory_space<vmem>>[vector<16xi32>], vector<16xf32>,
        %gt3A = arith.cmpf ogt, %max3A_318, %gather3A_322 : vector<16xf32>
        %and3A = arith.andi %or3A, %gt3A : vector<16xi1>
        tpu.vector_store_idx %arg6[%masked_sort3A_277], %max3A_318 masked %and3A : memref<65536xf32, #tpu.memory_space<vmem>>[vector<16xi32>], vector<16xf32>, vector<16xi1>
      }
      %scan3A_227 = arith.constant 1000 : i32
      %add3A_228 = arith.constant 9 : i32
      %add3A_229 = arith.addi %add3A_228, %add3A : i32
      %rem3A_230 = arith.constant 10 : i32
      %rem3A_231 = arith.remsi %add3A_229, %rem3A_230 : i32
      %mul3A_232 = arith.constant 16000 : i32
      %mul3A_233 = arith.muli %rem3A_231, %mul3A_232 : i32
      %dma_start3A_234 = tpu.memref_slice %arg2[%mul3A_233] : memref<160000xi32, #tpu.memory_space<hbm>> -> memref<16000xi32, #tpu.memory_space<hbm>>
      %dma_start3A_235 = tpu.memref_slice %arg2[%mul3A_233] : memref<160000xi32, #tpu.memory_space<hbm>> -> memref<16000xi32, #tpu.memory_space<hbm>>
      tpu.enqueue_dma source(%dma_start3A_235 : memref<16000xi32, #tpu.memory_space<hbm>>) target(%arg9 : memref<16000xi32, #tpu.memory_space<vmem>>) target_semaphore(%arg13 : memref<!tpu.dma_semaphore, #tpu.memory_space<semaphore_mem>>)
      %mul3A_236 = arith.constant 160000 : i32
      %mul3A_237 = arith.muli %add3A_33, %mul3A_236 : i32
      %add3A_238 = arith.addi %mul3A_237, %mul3A_233 : i32
      %dma_start3A_239 = tpu.memref_slice %arg3[%add3A_238] : memref<40960000xf32, #tpu.memory_space<hbm>> -> memref<16000xf32, #tpu.memory_space<hbm>>
      %dma_start3A_240 = tpu.memref_slice %arg3[%add3A_238] : memref<40960000xf32, #tpu.memory_space<hbm>> -> memref<16000xf32, #tpu.memory_space<hbm>>
      tpu.enqueue_dma source(%dma_start3A_240 : memref<16000xf32, #tpu.memory_space<hbm>>) target(%arg10 : memref<16000xf32, #tpu.memory_space<vmem>>) target_semaphore(%arg14 : memref<!tpu.dma_semaphore, #tpu.memory_space<semaphore_mem>>)
      %dma_wait3A_241 = tpu.memref_slice %arg2[%mul3A_210] : memref<160000xi32, #tpu.memory_space<hbm>> -> memref<16000xi32, #tpu.memory_space<hbm>>
      %dma_wait3A_242 = tpu.memref_slice %arg2[%mul3A_210] : memref<160000xi32, #tpu.memory_space<hbm>> -> memref<16000xi32, #tpu.memory_space<hbm>>
      tpu.wait_dma2 semaphore(%arg11 : memref<!tpu.dma_semaphore, #tpu.memory_space<semaphore_mem>>) src(%dma_wait3A_242 : memref<16000xi32, #tpu.memory_space<hbm>>) dst(%arg7 : memref<16000xi32, #tpu.memory_space<vmem>>)
      %dma_wait3A_243 = tpu.memref_slice %arg3[%add3A_215] : memref<40960000xf32, #tpu.memory_space<hbm>> -> memref<16000xf32, #tpu.memory_space<hbm>>
      %dma_wait3A_244 = tpu.memref_slice %arg3[%add3A_215] : memref<40960000xf32, #tpu.memory_space<hbm>> -> memref<16000xf32, #tpu.memory_space<hbm>>
      tpu.wait_dma2 semaphore(%arg12 : memref<!tpu.dma_semaphore, #tpu.memory_space<semaphore_mem>>) src(%dma_wait3A_244 : memref<16000xf32, #tpu.memory_space<hbm>>) dst(%arg8 : memref<16000xf32, #tpu.memory_space<vmem>>)
      %scan3A_245 = arith.constant 0 : i32
      %scan3A_246 = arith.constant 0 : i32
      %scan3A_247 = arith.constant 1000 : i32
      %scan3A_248 = arith.addi %scan3A_246, %scan3A_247 : i32
      %scan3A_249 = arith.constant 1 : i32
      scf.for %scan3A_263 = %scan3A_246 to %scan3A_248 step %scan3A_249  : i32 {
        %mul3A_264 = arith.constant 16 : i32
        %mul3A_265 = arith.muli %scan3A_263, %mul3A_264 : i32
        %get3A = arith.index_cast %mul3A_265 : i32 to index
        %get3A_266 = tpu.vector_load %arg7[%get3A] {strides = array<i32>} : memref<16000xi32, #tpu.memory_space<vmem>>, vector<16xi32>,
        %mul3A_267 = arith.constant 16 : i32
        %mul3A_268 = arith.muli %scan3A_263, %mul3A_267 : i32
        %get3A_269 = arith.index_cast %mul3A_268 : i32 to index
        %get3A_270 = tpu.vector_load %arg8[%get3A_269] {strides = array<i32>} : memref<16000xf32, #tpu.memory_space<vmem>>, vector<16xf32>,
        %masked_sort3A = arith.constant dense<true> : vector<16xi1>
        %masked_sort3A_271 = arith.constant -2147483648 : i32
        %masked_sort3A_272 = vector.broadcast %masked_sort3A_271 : i32 to vector<16xi32>
        %masked_sort3A_273 = arith.xori %get3A_266, %masked_sort3A_272 : vector<16xi32>
        %masked_sort3A_274, %masked_sort3A_275, %masked_sort3A_276 = tpu.sort %masked_sort3A_273, %get3A_270 masked %masked_sort3A : (vector<16xi32>, vector<16xf32>, vector<16xi1>) -> (vector<16xi1>, vector<16xi32>, vector<16xf32>)
        %masked_sort3A_277 = arith.xori %masked_sort3A_275, %masked_sort3A_272 : vector<16xi32>
        %broadcast_in_dim3A_278 = vector.shape_cast %max3A : vector<16xi32> to vector<16x1xi32>
        %gather3A = vector.shape_cast %broadcast_in_dim3A_278 : vector<16x1xi32> to vector<16xi32>
        %gather3A_279 = tpu.dynamic_gather %masked_sort3A_277[%gather3A] in [0] : vector<16xi32>, vector<16xi32> -> vector<16xi32>
        %broadcast_in_dim3A_280 = vector.shape_cast %max3A : vector<16xi32> to vector<16x1xi32>
        %gather3A_281 = vector.shape_cast %broadcast_in_dim3A_280 : vector<16x1xi32> to vector<16xi32>
        %gather3A_282 = tpu.dynamic_gather %masked_sort3A_276[%gather3A_281] in [0] : vector<16xf32>, vector<16xi32> -> vector<16xf32>
        %eq3A_283 = arith.cmpi eq, %gather3A_279, %masked_sort3A_277 : vector<16xi32>
        %jit3A = arith.constant 0xFF800000 : f32
        %broadcast_in_dim3A_284 = vector.broadcast %jit3A : f32 to vector<16xf32>
        %select_n3A = arith.select %eq3A_283, %gather3A_282, %broadcast_in_dim3A_284 : vector<16xi1>, vector<16xf32>
        %max3A_285 = arith.maximumf %masked_sort3A_276, %select_n3A : vector<16xf32>
        %broadcast_in_dim3A_286 = vector.shape_cast %max3A_7 : vector<16xi32> to vector<16x1xi32>
        %gather3A_287 = vector.shape_cast %broadcast_in_dim3A_286 : vector<16x1xi32> to vector<16xi32>
        %gather3A_288 = tpu.dynamic_gather %masked_sort3A_277[%gather3A_287] in [0] : vector<16xi32>, vector<16xi32> -> vector<16xi32>
        %broadcast_in_dim3A_289 = vector.shape_cast %max3A_7 : vector<16xi32> to vector<16x1xi32>
        %gather3A_290 = vector.shape_cast %broadcast_in_dim3A_289 : vector<16x1xi32> to vector<16xi32>
        %gather3A_291 = tpu.dynamic_gather %max3A_285[%gather3A_290] in [0] : vector<16xf32>, vector<16xi32> -> vector<16xf32>
        %eq3A_292 = arith.cmpi eq, %gather3A_288, %masked_sort3A_277 : vector<16xi32>
        %jit3A_293 = arith.constant 0xFF800000 : f32
        %broadcast_in_dim3A_294 = vector.broadcast %jit3A_293 : f32 to vector<16xf32>
        %select_n3A_295 = arith.select %eq3A_292, %gather3A_291, %broadcast_in_dim3A_294 : vector<16xi1>, vector<16xf32>
        %max3A_296 = arith.maximumf %max3A_285, %select_n3A_295 : vector<16xf32>
        %broadcast_in_dim3A_297 = vector.shape_cast %max3A_11 : vector<16xi32> to vector<16x1xi32>
        %gather3A_298 = vector.shape_cast %broadcast_in_dim3A_297 : vector<16x1xi32> to vector<16xi32>
        %gather3A_299 = tpu.dynamic_gather %masked_sort3A_277[%gather3A_298] in [0] : vector<16xi32>, vector<16xi32> -> vector<16xi32>
        %broadcast_in_dim3A_300 = vector.shape_cast %max3A_11 : vector<16xi32> to vector<16x1xi32>
        %gather3A_301 = vector.shape_cast %broadcast_in_dim3A_300 : vector<16x1xi32> to vector<16xi32>
        %gather3A_302 = tpu.dynamic_gather %max3A_296[%gather3A_301] in [0] : vector<16xf32>, vector<16xi32> -> vector<16xf32>
        %eq3A_303 = arith.cmpi eq, %gather3A_299, %masked_sort3A_277 : vector<16xi32>
        %jit3A_304 = arith.constant 0xFF800000 : f32
        %broadcast_in_dim3A_305 = vector.broadcast %jit3A_304 : f32 to vector<16xf32>
        %select_n3A_306 = arith.select %eq3A_303, %gather3A_302, %broadcast_in_dim3A_305 : vector<16xi1>, vector<16xf32>
        %max3A_307 = arith.maximumf %max3A_296, %select_n3A_306 : vector<16xf32>
        %broadcast_in_dim3A_308 = vector.shape_cast %max3A_15 : vector<16xi32> to vector<16x1xi32>
        %gather3A_309 = vector.shape_cast %broadcast_in_dim3A_308 : vector<16x1xi32> to vector<16xi32>
        %gather3A_310 = tpu.dynamic_gather %masked_sort3A_277[%gather3A_309] in [0] : vector<16xi32>, vector<16xi32> -> vector<16xi32>
        %broadcast_in_dim3A_311 = vector.shape_cast %max3A_15 : vector<16xi32> to vector<16x1xi32>
        %gather3A_312 = vector.shape_cast %broadcast_in_dim3A_311 : vector<16x1xi32> to vector<16xi32>
        %gather3A_313 = tpu.dynamic_gather %max3A_307[%gather3A_312] in [0] : vector<16xf32>, vector<16xi32> -> vector<16xf32>
        %eq3A_314 = arith.cmpi eq, %gather3A_310, %masked_sort3A_277 : vector<16xi32>
        %jit3A_315 = arith.constant 0xFF800000 : f32
        %broadcast_in_dim3A_316 = vector.broadcast %jit3A_315 : f32 to vector<16xf32>
        %select_n3A_317 = arith.select %eq3A_314, %gather3A_313, %broadcast_in_dim3A_316 : vector<16xi1>, vector<16xf32>
        %max3A_318 = arith.maximumf %max3A_307, %select_n3A_317 : vector<16xf32>
        %broadcast_in_dim3A_319 = vector.shape_cast %min3A : vector<16xi32> to vector<16x1xi32>
        %gather3A_320 = vector.shape_cast %broadcast_in_dim3A_319 : vector<16x1xi32> to vector<16xi32>
        %gather3A_321 = tpu.dynamic_gather %masked_sort3A_277[%gather3A_320] in [0] : vector<16xi32>, vector<16xi32> -> vector<16xi32>
        %ne3A = arith.cmpi ne, %masked_sort3A_277, %gather3A_321 : vector<16xi32>
        %or3A = arith.ori %ne3A, %eq3A : vector<16xi1>
        %gather3A_322 = tpu.vector_load_idx %arg6[%masked_sort3A_277] : memref<65536xf32, #tpu.memory_space<vmem>>[vector<16xi32>], vector<16xf32>,
        %gt3A = arith.cmpf ogt, %max3A_318, %gather3A_322 : vector<16xf32>
        %and3A = arith.andi %or3A, %gt3A : vector<16xi1>
        tpu.vector_store_idx %arg6[%masked_sort3A_277], %max3A_318 masked %and3A : memref<65536xf32, #tpu.memory_space<vmem>>[vector<16xi32>], vector<16xf32>, vector<16xi1>
      }
      %scan3A_250 = arith.constant 1000 : i32
      %dma_wait3A_251 = tpu.memref_slice %arg2[%mul3A_233] : memref<160000xi32, #tpu.memory_space<hbm>> -> memref<16000xi32, #tpu.memory_space<hbm>>
      %dma_wait3A_252 = tpu.memref_slice %arg2[%mul3A_233] : memref<160000xi32, #tpu.memory_space<hbm>> -> memref<16000xi32, #tpu.memory_space<hbm>>
      tpu.wait_dma2 semaphore(%arg13 : memref<!tpu.dma_semaphore, #tpu.memory_space<semaphore_mem>>) src(%dma_wait3A_252 : memref<16000xi32, #tpu.memory_space<hbm>>) dst(%arg9 : memref<16000xi32, #tpu.memory_space<vmem>>)
      %dma_wait3A_253 = tpu.memref_slice %arg3[%add3A_238] : memref<40960000xf32, #tpu.memory_space<hbm>> -> memref<16000xf32, #tpu.memory_space<hbm>>
      %dma_wait3A_254 = tpu.memref_slice %arg3[%add3A_238] : memref<40960000xf32, #tpu.memory_space<hbm>> -> memref<16000xf32, #tpu.memory_space<hbm>>
      tpu.wait_dma2 semaphore(%arg14 : memref<!tpu.dma_semaphore, #tpu.memory_space<semaphore_mem>>) src(%dma_wait3A_254 : memref<16000xf32, #tpu.memory_space<hbm>>) dst(%arg10 : memref<16000xf32, #tpu.memory_space<vmem>>)
      %scan3A_255 = arith.constant 0 : i32
      %scan3A_256 = arith.constant 0 : i32
      %scan3A_257 = arith.constant 1000 : i32
      %scan3A_258 = arith.addi %scan3A_256, %scan3A_257 : i32
      %scan3A_259 = arith.constant 1 : i32
      scf.for %scan3A_263 = %scan3A_256 to %scan3A_258 step %scan3A_259  : i32 {
        %mul3A_264 = arith.constant 16 : i32
        %mul3A_265 = arith.muli %scan3A_263, %mul3A_264 : i32
        %get3A = arith.index_cast %mul3A_265 : i32 to index
        %get3A_266 = tpu.vector_load %arg9[%get3A] {strides = array<i32>} : memref<16000xi32, #tpu.memory_space<vmem>>, vector<16xi32>,
        %mul3A_267 = arith.constant 16 : i32
        %mul3A_268 = arith.muli %scan3A_263, %mul3A_267 : i32
        %get3A_269 = arith.index_cast %mul3A_268 : i32 to index
        %get3A_270 = tpu.vector_load %arg10[%get3A_269] {strides = array<i32>} : memref<16000xf32, #tpu.memory_space<vmem>>, vector<16xf32>,
        %masked_sort3A = arith.constant dense<true> : vector<16xi1>
        %masked_sort3A_271 = arith.constant -2147483648 : i32
        %masked_sort3A_272 = vector.broadcast %masked_sort3A_271 : i32 to vector<16xi32>
        %masked_sort3A_273 = arith.xori %get3A_266, %masked_sort3A_272 : vector<16xi32>
        %masked_sort3A_274, %masked_sort3A_275, %masked_sort3A_276 = tpu.sort %masked_sort3A_273, %get3A_270 masked %masked_sort3A : (vector<16xi32>, vector<16xf32>, vector<16xi1>) -> (vector<16xi1>, vector<16xi32>, vector<16xf32>)
        %masked_sort3A_277 = arith.xori %masked_sort3A_275, %masked_sort3A_272 : vector<16xi32>
        %broadcast_in_dim3A_278 = vector.shape_cast %max3A : vector<16xi32> to vector<16x1xi32>
        %gather3A = vector.shape_cast %broadcast_in_dim3A_278 : vector<16x1xi32> to vector<16xi32>
        %gather3A_279 = tpu.dynamic_gather %masked_sort3A_277[%gather3A] in [0] : vector<16xi32>, vector<16xi32> -> vector<16xi32>
        %broadcast_in_dim3A_280 = vector.shape_cast %max3A : vector<16xi32> to vector<16x1xi32>
        %gather3A_281 = vector.shape_cast %broadcast_in_dim3A_280 : vector<16x1xi32> to vector<16xi32>
        %gather3A_282 = tpu.dynamic_gather %masked_sort3A_276[%gather3A_281] in [0] : vector<16xf32>, vector<16xi32> -> vector<16xf32>
        %eq3A_283 = arith.cmpi eq, %gather3A_279, %masked_sort3A_277 : vector<16xi32>
        %jit3A = arith.constant 0xFF800000 : f32
        %broadcast_in_dim3A_284 = vector.broadcast %jit3A : f32 to vector<16xf32>
        %select_n3A = arith.select %eq3A_283, %gather3A_282, %broadcast_in_dim3A_284 : vector<16xi1>, vector<16xf32>
        %max3A_285 = arith.maximumf %masked_sort3A_276, %select_n3A : vector<16xf32>
        %broadcast_in_dim3A_286 = vector.shape_cast %max3A_7 : vector<16xi32> to vector<16x1xi32>
        %gather3A_287 = vector.shape_cast %broadcast_in_dim3A_286 : vector<16x1xi32> to vector<16xi32>
        %gather3A_288 = tpu.dynamic_gather %masked_sort3A_277[%gather3A_287] in [0] : vector<16xi32>, vector<16xi32> -> vector<16xi32>
        %broadcast_in_dim3A_289 = vector.shape_cast %max3A_7 : vector<16xi32> to vector<16x1xi32>
        %gather3A_290 = vector.shape_cast %broadcast_in_dim3A_289 : vector<16x1xi32> to vector<16xi32>
        %gather3A_291 = tpu.dynamic_gather %max3A_285[%gather3A_290] in [0] : vector<16xf32>, vector<16xi32> -> vector<16xf32>
        %eq3A_292 = arith.cmpi eq, %gather3A_288, %masked_sort3A_277 : vector<16xi32>
        %jit3A_293 = arith.constant 0xFF800000 : f32
        %broadcast_in_dim3A_294 = vector.broadcast %jit3A_293 : f32 to vector<16xf32>
        %select_n3A_295 = arith.select %eq3A_292, %gather3A_291, %broadcast_in_dim3A_294 : vector<16xi1>, vector<16xf32>
        %max3A_296 = arith.maximumf %max3A_285, %select_n3A_295 : vector<16xf32>
        %broadcast_in_dim3A_297 = vector.shape_cast %max3A_11 : vector<16xi32> to vector<16x1xi32>
        %gather3A_298 = vector.shape_cast %broadcast_in_dim3A_297 : vector<16x1xi32> to vector<16xi32>
        %gather3A_299 = tpu.dynamic_gather %masked_sort3A_277[%gather3A_298] in [0] : vector<16xi32>, vector<16xi32> -> vector<16xi32>
        %broadcast_in_dim3A_300 = vector.shape_cast %max3A_11 : vector<16xi32> to vector<16x1xi32>
        %gather3A_301 = vector.shape_cast %broadcast_in_dim3A_300 : vector<16x1xi32> to vector<16xi32>
        %gather3A_302 = tpu.dynamic_gather %max3A_296[%gather3A_301] in [0] : vector<16xf32>, vector<16xi32> -> vector<16xf32>
        %eq3A_303 = arith.cmpi eq, %gather3A_299, %masked_sort3A_277 : vector<16xi32>
        %jit3A_304 = arith.constant 0xFF800000 : f32
        %broadcast_in_dim3A_305 = vector.broadcast %jit3A_304 : f32 to vector<16xf32>
        %select_n3A_306 = arith.select %eq3A_303, %gather3A_302, %broadcast_in_dim3A_305 : vector<16xi1>, vector<16xf32>
        %max3A_307 = arith.maximumf %max3A_296, %select_n3A_306 : vector<16xf32>
        %broadcast_in_dim3A_308 = vector.shape_cast %max3A_15 : vector<16xi32> to vector<16x1xi32>
        %gather3A_309 = vector.shape_cast %broadcast_in_dim3A_308 : vector<16x1xi32> to vector<16xi32>
        %gather3A_310 = tpu.dynamic_gather %masked_sort3A_277[%gather3A_309] in [0] : vector<16xi32>, vector<16xi32> -> vector<16xi32>
        %broadcast_in_dim3A_311 = vector.shape_cast %max3A_15 : vector<16xi32> to vector<16x1xi32>
        %gather3A_312 = vector.shape_cast %broadcast_in_dim3A_311 : vector<16x1xi32> to vector<16xi32>
        %gather3A_313 = tpu.dynamic_gather %max3A_307[%gather3A_312] in [0] : vector<16xf32>, vector<16xi32> -> vector<16xf32>
        %eq3A_314 = arith.cmpi eq, %gather3A_310, %masked_sort3A_277 : vector<16xi32>
        %jit3A_315 = arith.constant 0xFF800000 : f32
        %broadcast_in_dim3A_316 = vector.broadcast %jit3A_315 : f32 to vector<16xf32>
        %select_n3A_317 = arith.select %eq3A_314, %gather3A_313, %broadcast_in_dim3A_316 : vector<16xi1>, vector<16xf32>
        %max3A_318 = arith.maximumf %max3A_307, %select_n3A_317 : vector<16xf32>
        %broadcast_in_dim3A_319 = vector.shape_cast %min3A : vector<16xi32> to vector<16x1xi32>
        %gather3A_320 = vector.shape_cast %broadcast_in_dim3A_319 : vector<16x1xi32> to vector<16xi32>
        %gather3A_321 = tpu.dynamic_gather %masked_sort3A_277[%gather3A_320] in [0] : vector<16xi32>, vector<16xi32> -> vector<16xi32>
        %ne3A = arith.cmpi ne, %masked_sort3A_277, %gather3A_321 : vector<16xi32>
        %or3A = arith.ori %ne3A, %eq3A : vector<16xi1>
        %gather3A_322 = tpu.vector_load_idx %arg6[%masked_sort3A_277] : memref<65536xf32, #tpu.memory_space<vmem>>[vector<16xi32>], vector<16xf32>,
        %gt3A = arith.cmpf ogt, %max3A_318, %gather3A_322 : vector<16xf32>
        %and3A = arith.andi %or3A, %gt3A : vector<16xi1>
        tpu.vector_store_idx %arg6[%masked_sort3A_277], %max3A_318 masked %and3A : memref<65536xf32, #tpu.memory_space<vmem>>[vector<16xi32>], vector<16xf32>, vector<16xi1>
      }
      %scan3A_260 = arith.constant 1000 : i32
      %mul3A_261 = arith.constant 65536 : i32
      %mul3A_262 = arith.muli %add3A_33, %mul3A_261 : i32
      "tpu.region"() ({
        %run_scoped3A = tpu.sem_alloc : memref<!tpu.dma_semaphore, #tpu.memory_space<semaphore_mem>>
        %dma_start3A_263 = tpu.memref_slice %arg5[%mul3A_262] : memref<16777216xf32, #tpu.memory_space<hbm>> -> memref<65536xf32, #tpu.memory_space<hbm>>
        %dma_start3A_264 = tpu.memref_slice %arg5[%mul3A_262] : memref<16777216xf32, #tpu.memory_space<hbm>> -> memref<65536xf32, #tpu.memory_space<hbm>>
        tpu.enqueue_dma source(%arg6 : memref<65536xf32, #tpu.memory_space<vmem>>) target(%dma_start3A_264 : memref<65536xf32, #tpu.memory_space<hbm>>) target_semaphore(%run_scoped3A : memref<!tpu.dma_semaphore, #tpu.memory_space<semaphore_mem>>)
        %dma_wait3A_265 = tpu.memref_slice %arg5[%mul3A_262] : memref<16777216xf32, #tpu.memory_space<hbm>> -> memref<65536xf32, #tpu.memory_space<hbm>>
        %dma_wait3A_266 = tpu.memref_slice %arg5[%mul3A_262] : memref<16777216xf32, #tpu.memory_space<hbm>> -> memref<65536xf32, #tpu.memory_space<hbm>>
        tpu.wait_dma2 semaphore(%run_scoped3A : memref<!tpu.dma_semaphore, #tpu.memory_space<semaphore_mem>>) src(%arg6 : memref<65536xf32, #tpu.memory_space<vmem>>) dst(%dma_wait3A_266 : memref<65536xf32, #tpu.memory_space<hbm>>)
        tpu.yield
      }) : () -> ()
    }
    %scan3A_29 = arith.constant 8 : i32
    return
  }
}

module attributes {stable_mosaic.version = 14 : i64} {
  func.func @_kb_body(%arg0: i32, %arg1: memref<4x6400xf32, #tpu.memory_space<vmem>>, %arg2: memref<4x1xf32, #tpu.memory_space<vmem>>, %arg3: memref<4x1xf32, #tpu.memory_space<vmem>>, %arg4: memref<4x1xf32, #tpu.memory_space<vmem>>, %arg5: memref<64x4xf32, #tpu.memory_space<vmem>>, %arg6: memref<64x128xf32, #tpu.memory_space<vmem>>, %arg7: memref<64x128xf32, #tpu.memory_space<vmem>>) attributes {dimension_semantics = [#tpu.dimension_semantics<arbitrary>], iteration_bounds = array<i64: 25>, scalar_prefetch = 0 : i64, scratch_operands = 1 : i64, tpu.core_type = #tpu.core_type<tc>, window_params = [{transform_indices = @transform_0, window_bounds = array<i64: 4, 6400>}, {pipeline_mode = #tpu.pipeline_mode<synchronous>, transform_indices = @transform_1, window_bounds = array<i64: 4, 1>}, {pipeline_mode = #tpu.pipeline_mode<synchronous>, transform_indices = @transform_2, window_bounds = array<i64: 4, 1>}, {pipeline_mode = #tpu.pipeline_mode<synchronous>, transform_indices = @transform_3, window_bounds = array<i64: 4, 1>}, {pipeline_mode = #tpu.pipeline_mode<synchronous>, transform_indices = @transform_4, window_bounds = array<i64: 64, 4>}, {pipeline_mode = #tpu.pipeline_mode<synchronous>, transform_indices = @transform_5, window_bounds = array<i64: 64, 128>}]} {
    %eq3A = arith.constant 0 : i32
    %eq3A_0 = arith.cmpi eq, %arg0, %eq3A : i32
    %convert_element_type3A = arith.extui %eq3A_0 : i1 to i32
    %cond3A = arith.constant 0 : i32
    %cond3A_1 = arith.cmpi ne, %convert_element_type3A, %cond3A : i32
    scf.if %cond3A_1 {
      %broadcast_in_dim3A_44 = arith.constant 0.000000e+00 : f32
      %broadcast_in_dim3A_45 = vector.broadcast %broadcast_in_dim3A_44 : f32 to vector<64x128xf32>
      %swap3A_46 = arith.constant 0 : index
      %swap3A_47 = arith.constant 0 : index
      %swap3A_48 = vector.load %arg7[%swap3A_46, %swap3A_47] : memref<64x128xf32, #tpu.memory_space<vmem>>, vector<64x128xf32>
      tpu.vector_store %arg7[%swap3A_46, %swap3A_47], %broadcast_in_dim3A_45 {strides = array<i32>} : memref<64x128xf32, #tpu.memory_space<vmem>>, vector<64x128xf32>,
    } else {
    }
    %get3A = arith.constant 0 : index
    %get3A_2 = arith.constant 0 : index
    %get3A_3 = vector.load %arg1[%get3A, %get3A_2] : memref<4x6400xf32, #tpu.memory_space<vmem>>, vector<4x6400xf32>
    %get3A_4 = arith.constant 0 : index
    %get3A_5 = arith.constant 0 : index
    %get3A_6 = vector.load %arg2[%get3A_4, %get3A_5] : memref<4x1xf32, #tpu.memory_space<vmem>>, vector<4x1xf32>
    %sub3A = vector.broadcast %get3A_6 : vector<4x1xf32> to vector<4x6400xf32>
    %sub3A_7 = arith.subf %get3A_3, %sub3A : vector<4x6400xf32>
    %get3A_8 = arith.constant 0 : index
    %get3A_9 = arith.constant 0 : index
    %get3A_10 = vector.load %arg3[%get3A_8, %get3A_9] : memref<4x1xf32, #tpu.memory_space<vmem>>, vector<4x1xf32>
    %mul3A = vector.broadcast %get3A_10 : vector<4x1xf32> to vector<4x6400xf32>
    %mul3A_11 = arith.mulf %sub3A_7, %mul3A : vector<4x6400xf32>
    %get3A_12 = arith.constant 0 : index
    %get3A_13 = arith.constant 0 : index
    %get3A_14 = vector.load %arg4[%get3A_12, %get3A_13] : memref<4x1xf32, #tpu.memory_space<vmem>>, vector<4x1xf32>
    %add3A = vector.broadcast %get3A_14 : vector<4x1xf32> to vector<4x6400xf32>
    %add3A_15 = arith.addf %mul3A_11, %add3A : vector<4x6400xf32>
    %get3A_16 = arith.constant 0 : index
    %get3A_17 = arith.constant 0 : index
    %get3A_18 = vector.load %arg5[%get3A_16, %get3A_17] : memref<64x4xf32, #tpu.memory_space<vmem>>, vector<64x4xf32>
    %dot_general3A = arith.constant dense<0.000000e+00> : vector<64x6400xf32>
    %dot_general3A_19 = tpu.matmul %get3A_18, %add3A_15, %dot_general3A {dimension_numbers = #tpu.dot_dimension_numbers<[1], [0], [0], [1], [0, 0, 1, 1], [], []>, precision = #tpu.contract_precision<fp32>, transpose_lhs_hint = false} : vector<64x4xf32>, vector<4x6400xf32>, vector<64x6400xf32> -> vector<64x6400xf32>
    %get3A_20 = arith.constant 0 : index
    %get3A_21 = arith.constant 0 : index
    %get3A_22 = vector.load %arg7[%get3A_20, %get3A_21] : memref<64x128xf32, #tpu.memory_space<vmem>>, vector<64x1xf32>
    %reduce_sum3A = arith.constant dense<0.000000e+00> : vector<64xf32>
    %reduce_sum3A_23 = vector.multi_reduction <add>, %dot_general3A_19, %reduce_sum3A [1] : vector<64x6400xf32> to vector<64xf32>
    %broadcast_in_dim3A = vector.shape_cast %reduce_sum3A_23 : vector<64xf32> to vector<64x1xf32>
    %add3A_24 = arith.addf %get3A_22, %broadcast_in_dim3A : vector<64x1xf32>
    %swap3A = arith.constant 0 : index
    %swap3A_25 = arith.constant 0 : index
    %swap3A_26 = vector.load %arg7[%swap3A, %swap3A_25] : memref<64x128xf32, #tpu.memory_space<vmem>>, vector<64x1xf32>
    tpu.vector_store %arg7[%swap3A, %swap3A_25], %add3A_24 {strides = array<i32>} : memref<64x128xf32, #tpu.memory_space<vmem>>, vector<64x1xf32>,
    %get3A_27 = arith.constant 0 : index
    %get3A_28 = arith.constant 1 : index
    %get3A_29 = vector.load %arg7[%get3A_27, %get3A_28] : memref<64x128xf32, #tpu.memory_space<vmem>>, vector<64x1xf32>
    %mul3A_30 = arith.mulf %dot_general3A_19, %dot_general3A_19 : vector<64x6400xf32>
    %reduce_sum3A_31 = arith.constant dense<0.000000e+00> : vector<64xf32>
    %reduce_sum3A_32 = vector.multi_reduction <add>, %mul3A_30, %reduce_sum3A_31 [1] : vector<64x6400xf32> to vector<64xf32>
    %broadcast_in_dim3A_33 = vector.shape_cast %reduce_sum3A_32 : vector<64xf32> to vector<64x1xf32>
    %add3A_34 = arith.addf %get3A_29, %broadcast_in_dim3A_33 : vector<64x1xf32>
    %swap3A_35 = arith.constant 0 : index
    %swap3A_36 = arith.constant 1 : index
    %swap3A_37 = vector.load %arg7[%swap3A_35, %swap3A_36] : memref<64x128xf32, #tpu.memory_space<vmem>>, vector<64x1xf32>
    tpu.vector_store %arg7[%swap3A_35, %swap3A_36], %add3A_34 {strides = array<i32>} : memref<64x128xf32, #tpu.memory_space<vmem>>, vector<64x1xf32>,
    %get3A_38 = arith.constant 0 : index
    %get3A_39 = arith.constant 0 : index
    %get3A_40 = vector.load %arg7[%get3A_38, %get3A_39] : memref<64x128xf32, #tpu.memory_space<vmem>>, vector<64x128xf32>
    %swap3A_41 = arith.constant 0 : index
    %swap3A_42 = arith.constant 0 : index
    %swap3A_43 = vector.load %arg6[%swap3A_41, %swap3A_42] : memref<64x128xf32, #tpu.memory_space<vmem>>, vector<64x128xf32>
    tpu.vector_store %arg6[%swap3A_41, %swap3A_42], %get3A_40 {strides = array<i32>} : memref<64x128xf32, #tpu.memory_space<vmem>>, vector<64x128xf32>,
    return
  }
  func.func @transform_0(%arg0: i32) -> (i32, i32) {
    %c0_i32 = arith.constant 0 : i32
    %c0_i32_0 = arith.constant 0 : i32
    return %c0_i32, %arg0 : i32, i32
  }
  func.func @transform_1(%arg0: i32) -> (i32, i32) {
    %c0_i32 = arith.constant 0 : i32
    %c0_i32_0 = arith.constant 0 : i32
    %c0_i32_1 = arith.constant 0 : i32
    return %c0_i32, %c0_i32_0 : i32, i32
  }
  func.func @transform_2(%arg0: i32) -> (i32, i32) {
    %c0_i32 = arith.constant 0 : i32
    %c0_i32_0 = arith.constant 0 : i32
    %c0_i32_1 = arith.constant 0 : i32
    return %c0_i32, %c0_i32_0 : i32, i32
  }
  func.func @transform_3(%arg0: i32) -> (i32, i32) {
    %c0_i32 = arith.constant 0 : i32
    %c0_i32_0 = arith.constant 0 : i32
    %c0_i32_1 = arith.constant 0 : i32
    return %c0_i32, %c0_i32_0 : i32, i32
  }
  func.func @transform_4(%arg0: i32) -> (i32, i32) {
    %c0_i32 = arith.constant 0 : i32
    %c0_i32_0 = arith.constant 0 : i32
    %c0_i32_1 = arith.constant 0 : i32
    return %c0_i32, %c0_i32_0 : i32, i32
  }
  func.func @transform_5(%arg0: i32) -> (i32, i32) {
    %c0_i32 = arith.constant 0 : i32
    %c0_i32_0 = arith.constant 0 : i32
    %c0_i32_1 = arith.constant 0 : i32
    return %c0_i32, %c0_i32_0 : i32, i32
  }
}

module attributes {stable_mosaic.version = 14 : i64} {
  func.func @_ka_body(%arg0: i32, %arg1: memref<4x6400xi32, #tpu.memory_space<vmem>>, %arg2: memref<4x6400xf32, #tpu.memory_space<vmem>>, %arg3: memref<1x6400xi32, #tpu.memory_space<vmem>>, %arg4: memref<8x128xf32, #tpu.memory_space<vmem>>, %arg5: memref<8x128xf32, #tpu.memory_space<vmem>>) attributes {dimension_semantics = [#tpu.dimension_semantics<arbitrary>], iteration_bounds = array<i64: 25>, scalar_prefetch = 0 : i64, scratch_operands = 1 : i64, tpu.core_type = #tpu.core_type<tc>, window_params = [{transform_indices = @transform_0, window_bounds = array<i64: 4, 6400>}, {transform_indices = @transform_1, window_bounds = array<i64: 4, 6400>}, {transform_indices = @transform_2, window_bounds = array<i64: 1, 6400>}, {pipeline_mode = #tpu.pipeline_mode<synchronous>, transform_indices = @transform_3, window_bounds = array<i64: 8, 128>}]} {
    %eq3A = arith.constant 0 : i32
    %eq3A_0 = arith.cmpi eq, %arg0, %eq3A : i32
    %convert_element_type3A = arith.extui %eq3A_0 : i1 to i32
    %cond3A = arith.constant 0 : i32
    %cond3A_1 = arith.cmpi ne, %convert_element_type3A, %cond3A : i32
    scf.if %cond3A_1 {
      %broadcast_in_dim3A_47 = arith.constant 0.000000e+00 : f32
      %broadcast_in_dim3A_48 = vector.broadcast %broadcast_in_dim3A_47 : f32 to vector<8x128xf32>
      %swap3A_49 = arith.constant 0 : index
      %swap3A_50 = arith.constant 0 : index
      %swap3A_51 = vector.load %arg5[%swap3A_49, %swap3A_50] : memref<8x128xf32, #tpu.memory_space<vmem>>, vector<8x128xf32>
      tpu.vector_store %arg5[%swap3A_49, %swap3A_50], %broadcast_in_dim3A_48 {strides = array<i32>} : memref<8x128xf32, #tpu.memory_space<vmem>>, vector<8x128xf32>,
    } else {
    }
    %get3A = arith.constant 0 : index
    %get3A_2 = arith.constant 0 : index
    %get3A_3 = vector.load %arg1[%get3A, %get3A_2] : memref<4x6400xi32, #tpu.memory_space<vmem>>, vector<4x6400xi32>
    %slice3A = vector.extract_strided_slice %get3A_3 {offsets = [0, 0], sizes = [1, 6400], strides = [1, 1]} : vector<4x6400xi32> to vector<1x6400xi32>
    %mul3A = arith.constant 16 : i32
    %mul3A_4 = vector.broadcast %mul3A : i32 to vector<1x6400xi32>
    %mul3A_5 = arith.muli %slice3A, %mul3A_4 : vector<1x6400xi32>
    %slice3A_6 = vector.extract_strided_slice %get3A_3 {offsets = [1, 0], sizes = [1, 6400], strides = [1, 1]} : vector<4x6400xi32> to vector<1x6400xi32>
    %add3A = arith.addi %mul3A_5, %slice3A_6 : vector<1x6400xi32>
    %mul3A_7 = arith.constant 16 : i32
    %mul3A_8 = vector.broadcast %mul3A_7 : i32 to vector<1x6400xi32>
    %mul3A_9 = arith.muli %add3A, %mul3A_8 : vector<1x6400xi32>
    %slice3A_10 = vector.extract_strided_slice %get3A_3 {offsets = [2, 0], sizes = [1, 6400], strides = [1, 1]} : vector<4x6400xi32> to vector<1x6400xi32>
    %add3A_11 = arith.addi %mul3A_9, %slice3A_10 : vector<1x6400xi32>
    %mul3A_12 = arith.constant 16 : i32
    %mul3A_13 = vector.broadcast %mul3A_12 : i32 to vector<1x6400xi32>
    %mul3A_14 = arith.muli %add3A_11, %mul3A_13 : vector<1x6400xi32>
    %slice3A_15 = vector.extract_strided_slice %get3A_3 {offsets = [3, 0], sizes = [1, 6400], strides = [1, 1]} : vector<4x6400xi32> to vector<1x6400xi32>
    %add3A_16 = arith.addi %mul3A_14, %slice3A_15 : vector<1x6400xi32>
    %swap3A = arith.constant 0 : index
    %swap3A_17 = arith.constant 0 : index
    %swap3A_18 = vector.load %arg3[%swap3A, %swap3A_17] : memref<1x6400xi32, #tpu.memory_space<vmem>>, vector<1x6400xi32>
    tpu.vector_store %arg3[%swap3A, %swap3A_17], %add3A_16 {strides = array<i32>} : memref<1x6400xi32, #tpu.memory_space<vmem>>, vector<1x6400xi32>,
    %get3A_19 = arith.constant 0 : index
    %get3A_20 = arith.constant 0 : index
    %get3A_21 = vector.load %arg2[%get3A_19, %get3A_20] : memref<4x6400xf32, #tpu.memory_space<vmem>>, vector<4x6400xf32>
    %get3A_22 = arith.constant 0 : index
    %get3A_23 = arith.constant 0 : index
    %get3A_24 = vector.load %arg5[%get3A_22, %get3A_23] : memref<8x128xf32, #tpu.memory_space<vmem>>, vector<4x1xf32>
    %reduce_sum3A = arith.constant dense<0.000000e+00> : vector<4xf32>
    %reduce_sum3A_25 = vector.multi_reduction <add>, %get3A_21, %reduce_sum3A [1] : vector<4x6400xf32> to vector<4xf32>
    %broadcast_in_dim3A = vector.shape_cast %reduce_sum3A_25 : vector<4xf32> to vector<4x1xf32>
    %add3A_26 = arith.addf %get3A_24, %broadcast_in_dim3A : vector<4x1xf32>
    %swap3A_27 = arith.constant 0 : index
    %swap3A_28 = arith.constant 0 : index
    %swap3A_29 = vector.load %arg5[%swap3A_27, %swap3A_28] : memref<8x128xf32, #tpu.memory_space<vmem>>, vector<4x1xf32>
    tpu.vector_store %arg5[%swap3A_27, %swap3A_28], %add3A_26 {strides = array<i32>} : memref<8x128xf32, #tpu.memory_space<vmem>>, vector<4x1xf32>,
    %get3A_30 = arith.constant 4 : index
    %get3A_31 = arith.constant 0 : index
    %get3A_32 = vector.load %arg5[%get3A_30, %get3A_31] : memref<8x128xf32, #tpu.memory_space<vmem>>, vector<4x1xf32>
    %mul3A_33 = arith.mulf %get3A_21, %get3A_21 : vector<4x6400xf32>
    %reduce_sum3A_34 = arith.constant dense<0.000000e+00> : vector<4xf32>
    %reduce_sum3A_35 = vector.multi_reduction <add>, %mul3A_33, %reduce_sum3A_34 [1] : vector<4x6400xf32> to vector<4xf32>
    %broadcast_in_dim3A_36 = vector.shape_cast %reduce_sum3A_35 : vector<4xf32> to vector<4x1xf32>
    %add3A_37 = arith.addf %get3A_32, %broadcast_in_dim3A_36 : vector<4x1xf32>
    %swap3A_38 = arith.constant 4 : index
    %swap3A_39 = arith.constant 0 : index
    %swap3A_40 = vector.load %arg5[%swap3A_38, %swap3A_39] : memref<8x128xf32, #tpu.memory_space<vmem>>, vector<4x1xf32>
    tpu.vector_store %arg5[%swap3A_38, %swap3A_39], %add3A_37 {strides = array<i32>} : memref<8x128xf32, #tpu.memory_space<vmem>>, vector<4x1xf32>,
    %get3A_41 = arith.constant 0 : index
    %get3A_42 = arith.constant 0 : index
    %get3A_43 = vector.load %arg5[%get3A_41, %get3A_42] : memref<8x128xf32, #tpu.memory_space<vmem>>, vector<8x128xf32>
    %swap3A_44 = arith.constant 0 : index
    %swap3A_45 = arith.constant 0 : index
    %swap3A_46 = vector.load %arg4[%swap3A_44, %swap3A_45] : memref<8x128xf32, #tpu.memory_space<vmem>>, vector<8x128xf32>
    tpu.vector_store %arg4[%swap3A_44, %swap3A_45], %get3A_43 {strides = array<i32>} : memref<8x128xf32, #tpu.memory_space<vmem>>, vector<8x128xf32>,
    return
  }
  func.func @transform_0(%arg0: i32) -> (i32, i32) {
    %c0_i32 = arith.constant 0 : i32
    %c0_i32_0 = arith.constant 0 : i32
    return %c0_i32, %arg0 : i32, i32
  }
  func.func @transform_1(%arg0: i32) -> (i32, i32) {
    %c0_i32 = arith.constant 0 : i32
    %c0_i32_0 = arith.constant 0 : i32
    return %c0_i32, %arg0 : i32, i32
  }
  func.func @transform_2(%arg0: i32) -> (i32, i32) {
    %c0_i32 = arith.constant 0 : i32
    %c0_i32_0 = arith.constant 0 : i32
    return %c0_i32, %arg0 : i32, i32
  }
  func.func @transform_3(%arg0: i32) -> (i32, i32) {
    %c0_i32 = arith.constant 0 : i32
    %c0_i32_0 = arith.constant 0 : i32
    %c0_i32_1 = arith.constant 0 : i32
    return %c0_i32, %c0_i32_0 : i32, i32
  }
}

module attributes {stable_mosaic.version = 14 : i64} {
  func.func @_kd_body(%arg0: i32, %arg1: memref<4x6400xf32, #tpu.memory_space<vmem>>, %arg2: memref<4x1xf32, #tpu.memory_space<vmem>>, %arg3: memref<4x1xf32, #tpu.memory_space<vmem>>, %arg4: memref<4x1xf32, #tpu.memory_space<vmem>>, %arg5: memref<64x4xf32, #tpu.memory_space<vmem>>, %arg6: memref<64x1xf32, #tpu.memory_space<vmem>>, %arg7: memref<64x1xf32, #tpu.memory_space<vmem>>, %arg8: memref<128x64xf32, #tpu.memory_space<vmem>>, %arg9: memref<128x1xf32, #tpu.memory_space<vmem>>, %arg10: memref<128x1xf32, #tpu.memory_space<vmem>>, %arg11: memref<256x128xf32, #tpu.memory_space<vmem>>, %arg12: memref<256x1xf32, #tpu.memory_space<vmem>>, %arg13: memref<256x6400xf32, #tpu.memory_space<vmem>>) attributes {dimension_semantics = [#tpu.dimension_semantics<arbitrary>], iteration_bounds = array<i64: 25>, scalar_prefetch = 0 : i64, scratch_operands = 0 : i64, tpu.core_type = #tpu.core_type<tc>, window_params = [{transform_indices = @transform_0, window_bounds = array<i64: 4, 6400>}, {pipeline_mode = #tpu.pipeline_mode<synchronous>, transform_indices = @transform_1, window_bounds = array<i64: 4, 1>}, {pipeline_mode = #tpu.pipeline_mode<synchronous>, transform_indices = @transform_2, window_bounds = array<i64: 4, 1>}, {pipeline_mode = #tpu.pipeline_mode<synchronous>, transform_indices = @transform_3, window_bounds = array<i64: 4, 1>}, {pipeline_mode = #tpu.pipeline_mode<synchronous>, transform_indices = @transform_4, window_bounds = array<i64: 64, 4>}, {pipeline_mode = #tpu.pipeline_mode<synchronous>, transform_indices = @transform_5, window_bounds = array<i64: 64, 1>}, {pipeline_mode = #tpu.pipeline_mode<synchronous>, transform_indices = @transform_6, window_bounds = array<i64: 64, 1>}, {pipeline_mode = #tpu.pipeline_mode<synchronous>, transform_indices = @transform_7, window_bounds = array<i64: 128, 64>}, {pipeline_mode = #tpu.pipeline_mode<synchronous>, transform_indices = @transform_8, window_bounds = array<i64: 128, 1>}, {pipeline_mode = #tpu.pipeline_mode<synchronous>, transform_indices = @transform_9, window_bounds = array<i64: 128, 1>}, {pipeline_mode = #tpu.pipeline_mode<synchronous>, transform_indices = @transform_10, window_bounds = array<i64: 256, 128>}, {pipeline_mode = #tpu.pipeline_mode<synchronous>, transform_indices = @transform_11, window_bounds = array<i64: 256, 1>}, {transform_indices = @transform_12, window_bounds = array<i64: 256, 6400>}]} {
    %get3A = arith.constant 0 : index
    %get3A_0 = arith.constant 0 : index
    %get3A_1 = vector.load %arg1[%get3A, %get3A_0] : memref<4x6400xf32, #tpu.memory_space<vmem>>, vector<4x6400xf32>
    %get3A_2 = arith.constant 0 : index
    %get3A_3 = arith.constant 0 : index
    %get3A_4 = vector.load %arg2[%get3A_2, %get3A_3] : memref<4x1xf32, #tpu.memory_space<vmem>>, vector<4x1xf32>
    %sub3A = vector.broadcast %get3A_4 : vector<4x1xf32> to vector<4x6400xf32>
    %sub3A_5 = arith.subf %get3A_1, %sub3A : vector<4x6400xf32>
    %get3A_6 = arith.constant 0 : index
    %get3A_7 = arith.constant 0 : index
    %get3A_8 = vector.load %arg3[%get3A_6, %get3A_7] : memref<4x1xf32, #tpu.memory_space<vmem>>, vector<4x1xf32>
    %mul3A = vector.broadcast %get3A_8 : vector<4x1xf32> to vector<4x6400xf32>
    %mul3A_9 = arith.mulf %sub3A_5, %mul3A : vector<4x6400xf32>
    %get3A_10 = arith.constant 0 : index
    %get3A_11 = arith.constant 0 : index
    %get3A_12 = vector.load %arg4[%get3A_10, %get3A_11] : memref<4x1xf32, #tpu.memory_space<vmem>>, vector<4x1xf32>
    %add3A = vector.broadcast %get3A_12 : vector<4x1xf32> to vector<4x6400xf32>
    %add3A_13 = arith.addf %mul3A_9, %add3A : vector<4x6400xf32>
    %get3A_14 = arith.constant 0 : index
    %get3A_15 = arith.constant 0 : index
    %get3A_16 = vector.load %arg5[%get3A_14, %get3A_15] : memref<64x4xf32, #tpu.memory_space<vmem>>, vector<64x4xf32>
    %dot_general3A = arith.constant dense<0.000000e+00> : vector<64x6400xf32>
    %dot_general3A_17 = tpu.matmul %get3A_16, %add3A_13, %dot_general3A {dimension_numbers = #tpu.dot_dimension_numbers<[1], [0], [0], [1], [0, 0, 1, 1], [], []>, precision = #tpu.contract_precision<fp32>, transpose_lhs_hint = false} : vector<64x4xf32>, vector<4x6400xf32>, vector<64x6400xf32> -> vector<64x6400xf32>
    %get3A_18 = arith.constant 0 : index
    %get3A_19 = arith.constant 0 : index
    %get3A_20 = vector.load %arg6[%get3A_18, %get3A_19] : memref<64x1xf32, #tpu.memory_space<vmem>>, vector<64x1xf32>
    %mul3A_21 = vector.broadcast %get3A_20 : vector<64x1xf32> to vector<64x6400xf32>
    %mul3A_22 = arith.mulf %dot_general3A_17, %mul3A_21 : vector<64x6400xf32>
    %get3A_23 = arith.constant 0 : index
    %get3A_24 = arith.constant 0 : index
    %get3A_25 = vector.load %arg7[%get3A_23, %get3A_24] : memref<64x1xf32, #tpu.memory_space<vmem>>, vector<64x1xf32>
    %add3A_26 = vector.broadcast %get3A_25 : vector<64x1xf32> to vector<64x6400xf32>
    %add3A_27 = arith.addf %mul3A_22, %add3A_26 : vector<64x6400xf32>
    %add3A_28 = arith.constant 3.000000e+00 : f32
    %add3A_29 = vector.broadcast %add3A_28 : f32 to vector<64x6400xf32>
    %add3A_30 = arith.addf %add3A_27, %add3A_29 : vector<64x6400xf32>
    %jit3A = arith.constant 0.000000e+00 : f32
    %jit3A_31 = arith.constant 6.000000e+00 : f32
    %max3A = vector.broadcast %jit3A : f32 to vector<64x6400xf32>
    %max3A_32 = arith.maximumf %max3A, %add3A_30 : vector<64x6400xf32>
    %min3A = vector.broadcast %jit3A_31 : f32 to vector<64x6400xf32>
    %min3A_33 = arith.minimumf %min3A, %max3A_32 : vector<64x6400xf32>
    %mul3A_34 = arith.mulf %add3A_27, %min3A_33 : vector<64x6400xf32>
    %mul3A_35 = arith.constant 0.166666672 : f32
    %mul3A_36 = vector.broadcast %mul3A_35 : f32 to vector<64x6400xf32>
    %mul3A_37 = arith.mulf %mul3A_34, %mul3A_36 : vector<64x6400xf32>
    %get3A_38 = arith.constant 0 : index
    %get3A_39 = arith.constant 0 : index
    %get3A_40 = vector.load %arg8[%get3A_38, %get3A_39] : memref<128x64xf32, #tpu.memory_space<vmem>>, vector<128x64xf32>
    %dot_general3A_41 = arith.constant dense<0.000000e+00> : vector<128x6400xf32>
    %dot_general3A_42 = tpu.matmul %get3A_40, %mul3A_37, %dot_general3A_41 {dimension_numbers = #tpu.dot_dimension_numbers<[1], [0], [0], [1], [0, 0, 1, 1], [], []>, precision = #tpu.contract_precision<fp32>, transpose_lhs_hint = false} : vector<128x64xf32>, vector<64x6400xf32>, vector<128x6400xf32> -> vector<128x6400xf32>
    %get3A_43 = arith.constant 0 : index
    %get3A_44 = arith.constant 0 : index
    %get3A_45 = vector.load %arg9[%get3A_43, %get3A_44] : memref<128x1xf32, #tpu.memory_space<vmem>>, vector<128x1xf32>
    %mul3A_46 = vector.broadcast %get3A_45 : vector<128x1xf32> to vector<128x6400xf32>
    %mul3A_47 = arith.mulf %dot_general3A_42, %mul3A_46 : vector<128x6400xf32>
    %get3A_48 = arith.constant 0 : index
    %get3A_49 = arith.constant 0 : index
    %get3A_50 = vector.load %arg10[%get3A_48, %get3A_49] : memref<128x1xf32, #tpu.memory_space<vmem>>, vector<128x1xf32>
    %add3A_51 = vector.broadcast %get3A_50 : vector<128x1xf32> to vector<128x6400xf32>
    %add3A_52 = arith.addf %mul3A_47, %add3A_51 : vector<128x6400xf32>
    %add3A_53 = arith.constant 3.000000e+00 : f32
    %add3A_54 = vector.broadcast %add3A_53 : f32 to vector<128x6400xf32>
    %add3A_55 = arith.addf %add3A_52, %add3A_54 : vector<128x6400xf32>
    %jit3A_56 = arith.constant 0.000000e+00 : f32
    %jit3A_57 = arith.constant 6.000000e+00 : f32
    %max3A_58 = vector.broadcast %jit3A_56 : f32 to vector<128x6400xf32>
    %max3A_59 = arith.maximumf %max3A_58, %add3A_55 : vector<128x6400xf32>
    %min3A_60 = vector.broadcast %jit3A_57 : f32 to vector<128x6400xf32>
    %min3A_61 = arith.minimumf %min3A_60, %max3A_59 : vector<128x6400xf32>
    %mul3A_62 = arith.mulf %add3A_52, %min3A_61 : vector<128x6400xf32>
    %mul3A_63 = arith.constant 0.166666672 : f32
    %mul3A_64 = vector.broadcast %mul3A_63 : f32 to vector<128x6400xf32>
    %mul3A_65 = arith.mulf %mul3A_62, %mul3A_64 : vector<128x6400xf32>
    %get3A_66 = arith.constant 0 : index
    %get3A_67 = arith.constant 0 : index
    %get3A_68 = vector.load %arg11[%get3A_66, %get3A_67] : memref<256x128xf32, #tpu.memory_space<vmem>>, vector<256x128xf32>
    %dot_general3A_69 = arith.constant dense<0.000000e+00> : vector<256x6400xf32>
    %dot_general3A_70 = tpu.matmul %get3A_68, %mul3A_65, %dot_general3A_69 {dimension_numbers = #tpu.dot_dimension_numbers<[1], [0], [0], [1], [0, 0, 1, 1], [], []>, precision = #tpu.contract_precision<fp32>, transpose_lhs_hint = false} : vector<256x128xf32>, vector<128x6400xf32>, vector<256x6400xf32> -> vector<256x6400xf32>
    %get3A_71 = arith.constant 0 : index
    %get3A_72 = arith.constant 0 : index
    %get3A_73 = vector.load %arg12[%get3A_71, %get3A_72] : memref<256x1xf32, #tpu.memory_space<vmem>>, vector<256x1xf32>
    %add3A_74 = vector.broadcast %get3A_73 : vector<256x1xf32> to vector<256x6400xf32>
    %add3A_75 = arith.addf %dot_general3A_70, %add3A_74 : vector<256x6400xf32>
    %swap3A = arith.constant 0 : index
    %swap3A_76 = arith.constant 0 : index
    %swap3A_77 = vector.load %arg13[%swap3A, %swap3A_76] : memref<256x6400xf32, #tpu.memory_space<vmem>>, vector<256x6400xf32>
    tpu.vector_store %arg13[%swap3A, %swap3A_76], %add3A_75 {strides = array<i32>} : memref<256x6400xf32, #tpu.memory_space<vmem>>, vector<256x6400xf32>,
    return
  }
  func.func @transform_0(%arg0: i32) -> (i32, i32) {
    %c0_i32 = arith.constant 0 : i32
    %c0_i32_0 = arith.constant 0 : i32
    return %c0_i32, %arg0 : i32, i32
  }
  func.func @transform_1(%arg0: i32) -> (i32, i32) {
    %c0_i32 = arith.constant 0 : i32
    %c0_i32_0 = arith.constant 0 : i32
    %c0_i32_1 = arith.constant 0 : i32
    return %c0_i32, %c0_i32_0 : i32, i32
  }
  func.func @transform_2(%arg0: i32) -> (i32, i32) {
    %c0_i32 = arith.constant 0 : i32
    %c0_i32_0 = arith.constant 0 : i32
    %c0_i32_1 = arith.constant 0 : i32
    return %c0_i32, %c0_i32_0 : i32, i32
  }
  func.func @transform_3(%arg0: i32) -> (i32, i32) {
    %c0_i32 = arith.constant 0 : i32
    %c0_i32_0 = arith.constant 0 : i32
    %c0_i32_1 = arith.constant 0 : i32
    return %c0_i32, %c0_i32_0 : i32, i32
  }
  func.func @transform_4(%arg0: i32) -> (i32, i32) {
    %c0_i32 = arith.constant 0 : i32
    %c0_i32_0 = arith.constant 0 : i32
    %c0_i32_1 = arith.constant 0 : i32
    return %c0_i32, %c0_i32_0 : i32, i32
  }
  func.func @transform_5(%arg0: i32) -> (i32, i32) {
    %c0_i32 = arith.constant 0 : i32
    %c0_i32_0 = arith.constant 0 : i32
    %c0_i32_1 = arith.constant 0 : i32
    return %c0_i32, %c0_i32_0 : i32, i32
  }
  func.func @transform_6(%arg0: i32) -> (i32, i32) {
    %c0_i32 = arith.constant 0 : i32
    %c0_i32_0 = arith.constant 0 : i32
    %c0_i32_1 = arith.constant 0 : i32
    return %c0_i32, %c0_i32_0 : i32, i32
  }
  func.func @transform_7(%arg0: i32) -> (i32, i32) {
    %c0_i32 = arith.constant 0 : i32
    %c0_i32_0 = arith.constant 0 : i32
    %c0_i32_1 = arith.constant 0 : i32
    return %c0_i32, %c0_i32_0 : i32, i32
  }
  func.func @transform_8(%arg0: i32) -> (i32, i32) {
    %c0_i32 = arith.constant 0 : i32
    %c0_i32_0 = arith.constant 0 : i32
    %c0_i32_1 = arith.constant 0 : i32
    return %c0_i32, %c0_i32_0 : i32, i32
  }
  func.func @transform_9(%arg0: i32) -> (i32, i32) {
    %c0_i32 = arith.constant 0 : i32
    %c0_i32_0 = arith.constant 0 : i32
    %c0_i32_1 = arith.constant 0 : i32
    return %c0_i32, %c0_i32_0 : i32, i32
  }
  func.func @transform_10(%arg0: i32) -> (i32, i32) {
    %c0_i32 = arith.constant 0 : i32
    %c0_i32_0 = arith.constant 0 : i32
    %c0_i32_1 = arith.constant 0 : i32
    return %c0_i32, %c0_i32_0 : i32, i32
  }
  func.func @transform_11(%arg0: i32) -> (i32, i32) {
    %c0_i32 = arith.constant 0 : i32
    %c0_i32_0 = arith.constant 0 : i32
    %c0_i32_1 = arith.constant 0 : i32
    return %c0_i32, %c0_i32_0 : i32, i32
  }
  func.func @transform_12(%arg0: i32) -> (i32, i32) {
    %c0_i32 = arith.constant 0 : i32
    %c0_i32_0 = arith.constant 0 : i32
    return %c0_i32, %arg0 : i32, i32
  }
}

module attributes {stable_mosaic.version = 14 : i64} {
  func.func @_kc_body(%arg0: i32, %arg1: memref<4x6400xf32, #tpu.memory_space<vmem>>, %arg2: memref<4x1xf32, #tpu.memory_space<vmem>>, %arg3: memref<4x1xf32, #tpu.memory_space<vmem>>, %arg4: memref<4x1xf32, #tpu.memory_space<vmem>>, %arg5: memref<64x4xf32, #tpu.memory_space<vmem>>, %arg6: memref<64x1xf32, #tpu.memory_space<vmem>>, %arg7: memref<64x1xf32, #tpu.memory_space<vmem>>, %arg8: memref<128x64xf32, #tpu.memory_space<vmem>>, %arg9: memref<128x128xf32, #tpu.memory_space<vmem>>, %arg10: memref<128x128xf32, #tpu.memory_space<vmem>>) attributes {dimension_semantics = [#tpu.dimension_semantics<arbitrary>], iteration_bounds = array<i64: 25>, scalar_prefetch = 0 : i64, scratch_operands = 1 : i64, tpu.core_type = #tpu.core_type<tc>, window_params = [{transform_indices = @transform_0, window_bounds = array<i64: 4, 6400>}, {pipeline_mode = #tpu.pipeline_mode<synchronous>, transform_indices = @transform_1, window_bounds = array<i64: 4, 1>}, {pipeline_mode = #tpu.pipeline_mode<synchronous>, transform_indices = @transform_2, window_bounds = array<i64: 4, 1>}, {pipeline_mode = #tpu.pipeline_mode<synchronous>, transform_indices = @transform_3, window_bounds = array<i64: 4, 1>}, {pipeline_mode = #tpu.pipeline_mode<synchronous>, transform_indices = @transform_4, window_bounds = array<i64: 64, 4>}, {pipeline_mode = #tpu.pipeline_mode<synchronous>, transform_indices = @transform_5, window_bounds = array<i64: 64, 1>}, {pipeline_mode = #tpu.pipeline_mode<synchronous>, transform_indices = @transform_6, window_bounds = array<i64: 64, 1>}, {pipeline_mode = #tpu.pipeline_mode<synchronous>, transform_indices = @transform_7, window_bounds = array<i64: 128, 64>}, {pipeline_mode = #tpu.pipeline_mode<synchronous>, transform_indices = @transform_8, window_bounds = array<i64: 128, 128>}]} {
    %eq3A = arith.constant 0 : i32
    %eq3A_0 = arith.cmpi eq, %arg0, %eq3A : i32
    %convert_element_type3A = arith.extui %eq3A_0 : i1 to i32
    %cond3A = arith.constant 0 : i32
    %cond3A_1 = arith.cmpi ne, %convert_element_type3A, %cond3A : i32
    scf.if %cond3A_1 {
      %broadcast_in_dim3A_69 = arith.constant 0.000000e+00 : f32
      %broadcast_in_dim3A_70 = vector.broadcast %broadcast_in_dim3A_69 : f32 to vector<128x128xf32>
      %swap3A_71 = arith.constant 0 : index
      %swap3A_72 = arith.constant 0 : index
      %swap3A_73 = vector.load %arg10[%swap3A_71, %swap3A_72] : memref<128x128xf32, #tpu.memory_space<vmem>>, vector<128x128xf32>
      tpu.vector_store %arg10[%swap3A_71, %swap3A_72], %broadcast_in_dim3A_70 {strides = array<i32>} : memref<128x128xf32, #tpu.memory_space<vmem>>, vector<128x128xf32>,
    } else {
    }
    %get3A = arith.constant 0 : index
    %get3A_2 = arith.constant 0 : index
    %get3A_3 = vector.load %arg1[%get3A, %get3A_2] : memref<4x6400xf32, #tpu.memory_space<vmem>>, vector<4x6400xf32>
    %get3A_4 = arith.constant 0 : index
    %get3A_5 = arith.constant 0 : index
    %get3A_6 = vector.load %arg2[%get3A_4, %get3A_5] : memref<4x1xf32, #tpu.memory_space<vmem>>, vector<4x1xf32>
    %sub3A = vector.broadcast %get3A_6 : vector<4x1xf32> to vector<4x6400xf32>
    %sub3A_7 = arith.subf %get3A_3, %sub3A : vector<4x6400xf32>
    %get3A_8 = arith.constant 0 : index
    %get3A_9 = arith.constant 0 : index
    %get3A_10 = vector.load %arg3[%get3A_8, %get3A_9] : memref<4x1xf32, #tpu.memory_space<vmem>>, vector<4x1xf32>
    %mul3A = vector.broadcast %get3A_10 : vector<4x1xf32> to vector<4x6400xf32>
    %mul3A_11 = arith.mulf %sub3A_7, %mul3A : vector<4x6400xf32>
    %get3A_12 = arith.constant 0 : index
    %get3A_13 = arith.constant 0 : index
    %get3A_14 = vector.load %arg4[%get3A_12, %get3A_13] : memref<4x1xf32, #tpu.memory_space<vmem>>, vector<4x1xf32>
    %add3A = vector.broadcast %get3A_14 : vector<4x1xf32> to vector<4x6400xf32>
    %add3A_15 = arith.addf %mul3A_11, %add3A : vector<4x6400xf32>
    %get3A_16 = arith.constant 0 : index
    %get3A_17 = arith.constant 0 : index
    %get3A_18 = vector.load %arg5[%get3A_16, %get3A_17] : memref<64x4xf32, #tpu.memory_space<vmem>>, vector<64x4xf32>
    %dot_general3A = arith.constant dense<0.000000e+00> : vector<64x6400xf32>
    %dot_general3A_19 = tpu.matmul %get3A_18, %add3A_15, %dot_general3A {dimension_numbers = #tpu.dot_dimension_numbers<[1], [0], [0], [1], [0, 0, 1, 1], [], []>, precision = #tpu.contract_precision<fp32>, transpose_lhs_hint = false} : vector<64x4xf32>, vector<4x6400xf32>, vector<64x6400xf32> -> vector<64x6400xf32>
    %get3A_20 = arith.constant 0 : index
    %get3A_21 = arith.constant 0 : index
    %get3A_22 = vector.load %arg6[%get3A_20, %get3A_21] : memref<64x1xf32, #tpu.memory_space<vmem>>, vector<64x1xf32>
    %mul3A_23 = vector.broadcast %get3A_22 : vector<64x1xf32> to vector<64x6400xf32>
    %mul3A_24 = arith.mulf %dot_general3A_19, %mul3A_23 : vector<64x6400xf32>
    %get3A_25 = arith.constant 0 : index
    %get3A_26 = arith.constant 0 : index
    %get3A_27 = vector.load %arg7[%get3A_25, %get3A_26] : memref<64x1xf32, #tpu.memory_space<vmem>>, vector<64x1xf32>
    %add3A_28 = vector.broadcast %get3A_27 : vector<64x1xf32> to vector<64x6400xf32>
    %add3A_29 = arith.addf %mul3A_24, %add3A_28 : vector<64x6400xf32>
    %add3A_30 = arith.constant 3.000000e+00 : f32
    %add3A_31 = vector.broadcast %add3A_30 : f32 to vector<64x6400xf32>
    %add3A_32 = arith.addf %add3A_29, %add3A_31 : vector<64x6400xf32>
    %jit3A = arith.constant 0.000000e+00 : f32
    %jit3A_33 = arith.constant 6.000000e+00 : f32
    %max3A = vector.broadcast %jit3A : f32 to vector<64x6400xf32>
    %max3A_34 = arith.maximumf %max3A, %add3A_32 : vector<64x6400xf32>
    %min3A = vector.broadcast %jit3A_33 : f32 to vector<64x6400xf32>
    %min3A_35 = arith.minimumf %min3A, %max3A_34 : vector<64x6400xf32>
    %mul3A_36 = arith.mulf %add3A_29, %min3A_35 : vector<64x6400xf32>
    %mul3A_37 = arith.constant 0.166666672 : f32
    %mul3A_38 = vector.broadcast %mul3A_37 : f32 to vector<64x6400xf32>
    %mul3A_39 = arith.mulf %mul3A_36, %mul3A_38 : vector<64x6400xf32>
    %get3A_40 = arith.constant 0 : index
    %get3A_41 = arith.constant 0 : index
    %get3A_42 = vector.load %arg8[%get3A_40, %get3A_41] : memref<128x64xf32, #tpu.memory_space<vmem>>, vector<128x64xf32>
    %dot_general3A_43 = arith.constant dense<0.000000e+00> : vector<128x6400xf32>
    %dot_general3A_44 = tpu.matmul %get3A_42, %mul3A_39, %dot_general3A_43 {dimension_numbers = #tpu.dot_dimension_numbers<[1], [0], [0], [1], [0, 0, 1, 1], [], []>, precision = #tpu.contract_precision<fp32>, transpose_lhs_hint = false} : vector<128x64xf32>, vector<64x6400xf32>, vector<128x6400xf32> -> vector<128x6400xf32>
    %get3A_45 = arith.constant 0 : index
    %get3A_46 = arith.constant 0 : index
    %get3A_47 = vector.load %arg10[%get3A_45, %get3A_46] : memref<128x128xf32, #tpu.memory_space<vmem>>, vector<128x1xf32>
    %reduce_sum3A = arith.constant dense<0.000000e+00> : vector<128xf32>
    %reduce_sum3A_48 = vector.multi_reduction <add>, %dot_general3A_44, %reduce_sum3A [1] : vector<128x6400xf32> to vector<128xf32>
    %broadcast_in_dim3A = vector.shape_cast %reduce_sum3A_48 : vector<128xf32> to vector<128x1xf32>
    %add3A_49 = arith.addf %get3A_47, %broadcast_in_dim3A : vector<128x1xf32>
    %swap3A = arith.constant 0 : index
    %swap3A_50 = arith.constant 0 : index
    %swap3A_51 = vector.load %arg10[%swap3A, %swap3A_50] : memref<128x128xf32, #tpu.memory_space<vmem>>, vector<128x1xf32>
    tpu.vector_store %arg10[%swap3A, %swap3A_50], %add3A_49 {strides = array<i32>} : memref<128x128xf32, #tpu.memory_space<vmem>>, vector<128x1xf32>,
    %get3A_52 = arith.constant 0 : index
    %get3A_53 = arith.constant 1 : index
    %get3A_54 = vector.load %arg10[%get3A_52, %get3A_53] : memref<128x128xf32, #tpu.memory_space<vmem>>, vector<128x1xf32>
    %mul3A_55 = arith.mulf %dot_general3A_44, %dot_general3A_44 : vector<128x6400xf32>
    %reduce_sum3A_56 = arith.constant dense<0.000000e+00> : vector<128xf32>
    %reduce_sum3A_57 = vector.multi_reduction <add>, %mul3A_55, %reduce_sum3A_56 [1] : vector<128x6400xf32> to vector<128xf32>
    %broadcast_in_dim3A_58 = vector.shape_cast %reduce_sum3A_57 : vector<128xf32> to vector<128x1xf32>
    %add3A_59 = arith.addf %get3A_54, %broadcast_in_dim3A_58 : vector<128x1xf32>
    %swap3A_60 = arith.constant 0 : index
    %swap3A_61 = arith.constant 1 : index
    %swap3A_62 = vector.load %arg10[%swap3A_60, %swap3A_61] : memref<128x128xf32, #tpu.memory_space<vmem>>, vector<128x1xf32>
    tpu.vector_store %arg10[%swap3A_60, %swap3A_61], %add3A_59 {strides = array<i32>} : memref<128x128xf32, #tpu.memory_space<vmem>>, vector<128x1xf32>,
    %get3A_63 = arith.constant 0 : index
    %get3A_64 = arith.constant 0 : index
    %get3A_65 = vector.load %arg10[%get3A_63, %get3A_64] : memref<128x128xf32, #tpu.memory_space<vmem>>, vector<128x128xf32>
    %swap3A_66 = arith.constant 0 : index
    %swap3A_67 = arith.constant 0 : index
    %swap3A_68 = vector.load %arg9[%swap3A_66, %swap3A_67] : memref<128x128xf32, #tpu.memory_space<vmem>>, vector<128x128xf32>
    tpu.vector_store %arg9[%swap3A_66, %swap3A_67], %get3A_65 {strides = array<i32>} : memref<128x128xf32, #tpu.memory_space<vmem>>, vector<128x128xf32>,
    return
  }
  func.func @transform_0(%arg0: i32) -> (i32, i32) {
    %c0_i32 = arith.constant 0 : i32
    %c0_i32_0 = arith.constant 0 : i32
    return %c0_i32, %arg0 : i32, i32
  }
  func.func @transform_1(%arg0: i32) -> (i32, i32) {
    %c0_i32 = arith.constant 0 : i32
    %c0_i32_0 = arith.constant 0 : i32
    %c0_i32_1 = arith.constant 0 : i32
    return %c0_i32, %c0_i32_0 : i32, i32
  }
  func.func @transform_2(%arg0: i32) -> (i32, i32) {
    %c0_i32 = arith.constant 0 : i32
    %c0_i32_0 = arith.constant 0 : i32
    %c0_i32_1 = arith.constant 0 : i32
    return %c0_i32, %c0_i32_0 : i32, i32
  }
  func.func @transform_3(%arg0: i32) -> (i32, i32) {
    %c0_i32 = arith.constant 0 : i32
    %c0_i32_0 = arith.constant 0 : i32
    %c0_i32_1 = arith.constant 0 : i32
    return %c0_i32, %c0_i32_0 : i32, i32
  }
  func.func @transform_4(%arg0: i32) -> (i32, i32) {
    %c0_i32 = arith.constant 0 : i32
    %c0_i32_0 = arith.constant 0 : i32
    %c0_i32_1 = arith.constant 0 : i32
    return %c0_i32, %c0_i32_0 : i32, i32
  }
  func.func @transform_5(%arg0: i32) -> (i32, i32) {
    %c0_i32 = arith.constant 0 : i32
    %c0_i32_0 = arith.constant 0 : i32
    %c0_i32_1 = arith.constant 0 : i32
    return %c0_i32, %c0_i32_0 : i32, i32
  }
  func.func @transform_6(%arg0: i32) -> (i32, i32) {
    %c0_i32 = arith.constant 0 : i32
    %c0_i32_0 = arith.constant 0 : i32
    %c0_i32_1 = arith.constant 0 : i32
    return %c0_i32, %c0_i32_0 : i32, i32
  }
  func.func @transform_7(%arg0: i32) -> (i32, i32) {
    %c0_i32 = arith.constant 0 : i32
    %c0_i32_0 = arith.constant 0 : i32
    %c0_i32_1 = arith.constant 0 : i32
    return %c0_i32, %c0_i32_0 : i32, i32
  }
  func.func @transform_8(%arg0: i32) -> (i32, i32) {
    %c0_i32 = arith.constant 0 : i32
    %c0_i32_0 = arith.constant 0 : i32
    %c0_i32_1 = arith.constant 0 : i32
    return %c0_i32, %c0_i32_0 : i32, i32
  }
}

module attributes {stable_mosaic.version = 14 : i64} {
  func.func @_ke_body(%arg0: i32, %arg1: memref<256x4096xf32, #tpu.memory_space<vmem>>, %arg2: memref<16x256xf32, #tpu.memory_space<vmem>>, %arg3: memref<16x1xf32, #tpu.memory_space<vmem>>, %arg4: memref<16x4096xf32, #tpu.memory_space<vmem>>) attributes {dimension_semantics = [#tpu.dimension_semantics<arbitrary>], iteration_bounds = array<i64: 16>, scalar_prefetch = 0 : i64, scratch_operands = 0 : i64, tpu.core_type = #tpu.core_type<tc>, window_params = [{transform_indices = @transform_0, window_bounds = array<i64: 256, 4096>}, {pipeline_mode = #tpu.pipeline_mode<synchronous>, transform_indices = @transform_1, window_bounds = array<i64: 16, 256>}, {pipeline_mode = #tpu.pipeline_mode<synchronous>, transform_indices = @transform_2, window_bounds = array<i64: 16, 1>}, {transform_indices = @transform_3, window_bounds = array<i64: 16, 4096>}]} {
    %get3A = arith.constant 0 : index
    %get3A_0 = arith.constant 0 : index
    %get3A_1 = vector.load %arg1[%get3A, %get3A_0] : memref<256x4096xf32, #tpu.memory_space<vmem>>, vector<256x4096xf32>
    %slice3A = vector.extract_strided_slice %get3A_1 {offsets = [0, 0], sizes = [1, 4096], strides = [1, 1]} : vector<256x4096xf32> to vector<1x4096xf32>
    %gt3A = arith.constant 0xFF800000 : f32
    %gt3A_2 = vector.broadcast %gt3A : f32 to vector<1x4096xf32>
    %gt3A_3 = arith.cmpf ogt, %slice3A, %gt3A_2 : vector<1x4096xf32>
    %jit3A = arith.constant 0.000000e+00 : f32
    %broadcast_in_dim3A = vector.shape_cast %gt3A_3 : vector<1x4096xi1> to vector<1x4096xi1>
    %broadcast_in_dim3A_4 = vector.broadcast %broadcast_in_dim3A : vector<1x4096xi1> to vector<256x4096xi1>
    %broadcast_in_dim3A_5 = vector.broadcast %jit3A : f32 to vector<256x4096xf32>
    %select_n3A = arith.select %broadcast_in_dim3A_4, %get3A_1, %broadcast_in_dim3A_5 : vector<256x4096xi1>, vector<256x4096xf32>
    %get3A_6 = arith.constant 0 : index
    %get3A_7 = arith.constant 0 : index
    %get3A_8 = vector.load %arg2[%get3A_6, %get3A_7] : memref<16x256xf32, #tpu.memory_space<vmem>>, vector<16x256xf32>
    %dot_general3A = arith.constant dense<0.000000e+00> : vector<16x4096xf32>
    %dot_general3A_9 = tpu.matmul %get3A_8, %select_n3A, %dot_general3A {dimension_numbers = #tpu.dot_dimension_numbers<[1], [0], [0], [1], [0, 0, 1, 1], [], []>, precision = #tpu.contract_precision<fp32>, transpose_lhs_hint = false} : vector<16x256xf32>, vector<256x4096xf32>, vector<16x4096xf32> -> vector<16x4096xf32>
    %get3A_10 = arith.constant 0 : index
    %get3A_11 = arith.constant 0 : index
    %get3A_12 = vector.load %arg3[%get3A_10, %get3A_11] : memref<16x1xf32, #tpu.memory_space<vmem>>, vector<16x1xf32>
    %add3A = vector.broadcast %get3A_12 : vector<16x1xf32> to vector<16x4096xf32>
    %add3A_13 = arith.addf %dot_general3A_9, %add3A : vector<16x4096xf32>
    %add3A_14 = arith.constant 3.000000e+00 : f32
    %add3A_15 = vector.broadcast %add3A_14 : f32 to vector<16x4096xf32>
    %add3A_16 = arith.addf %add3A_13, %add3A_15 : vector<16x4096xf32>
    %jit3A_17 = arith.constant 0.000000e+00 : f32
    %jit3A_18 = arith.constant 6.000000e+00 : f32
    %max3A = vector.broadcast %jit3A_17 : f32 to vector<16x4096xf32>
    %max3A_19 = arith.maximumf %max3A, %add3A_16 : vector<16x4096xf32>
    %min3A = vector.broadcast %jit3A_18 : f32 to vector<16x4096xf32>
    %min3A_20 = arith.minimumf %min3A, %max3A_19 : vector<16x4096xf32>
    %mul3A = arith.mulf %add3A_13, %min3A_20 : vector<16x4096xf32>
    %mul3A_21 = arith.constant 0.166666672 : f32
    %mul3A_22 = vector.broadcast %mul3A_21 : f32 to vector<16x4096xf32>
    %mul3A_23 = arith.mulf %mul3A, %mul3A_22 : vector<16x4096xf32>
    %jit3A_24 = arith.constant 0.000000e+00 : f32
    %broadcast_in_dim3A_25 = vector.shape_cast %gt3A_3 : vector<1x4096xi1> to vector<1x4096xi1>
    %broadcast_in_dim3A_26 = vector.broadcast %broadcast_in_dim3A_25 : vector<1x4096xi1> to vector<16x4096xi1>
    %broadcast_in_dim3A_27 = vector.broadcast %jit3A_24 : f32 to vector<16x4096xf32>
    %select_n3A_28 = arith.select %broadcast_in_dim3A_26, %mul3A_23, %broadcast_in_dim3A_27 : vector<16x4096xi1>, vector<16x4096xf32>
    %swap3A = arith.constant 0 : index
    %swap3A_29 = arith.constant 0 : index
    %swap3A_30 = vector.load %arg4[%swap3A, %swap3A_29] : memref<16x4096xf32, #tpu.memory_space<vmem>>, vector<16x4096xf32>
    tpu.vector_store %arg4[%swap3A, %swap3A_29], %select_n3A_28 {strides = array<i32>} : memref<16x4096xf32, #tpu.memory_space<vmem>>, vector<16x4096xf32>,
    return
  }
  func.func @transform_0(%arg0: i32) -> (i32, i32) {
    %c0_i32 = arith.constant 0 : i32
    %c0_i32_0 = arith.constant 0 : i32
    return %c0_i32, %arg0 : i32, i32
  }
  func.func @transform_1(%arg0: i32) -> (i32, i32) {
    %c0_i32 = arith.constant 0 : i32
    %c0_i32_0 = arith.constant 0 : i32
    %c0_i32_1 = arith.constant 0 : i32
    return %c0_i32, %c0_i32_0 : i32, i32
  }
  func.func @transform_2(%arg0: i32) -> (i32, i32) {
    %c0_i32 = arith.constant 0 : i32
    %c0_i32_0 = arith.constant 0 : i32
    %c0_i32_1 = arith.constant 0 : i32
    return %c0_i32, %c0_i32_0 : i32, i32
  }
  func.func @transform_3(%arg0: i32) -> (i32, i32) {
    %c0_i32 = arith.constant 0 : i32
    %c0_i32_0 = arith.constant 0 : i32
    return %c0_i32, %arg0 : i32, i32
  }
}

</mosaic_0001>

<sc_bundles>
// kernel: kernel.8.cloned.1.call-start
scs
__scs_entry_jumppad:
0x0: {  	(pc) =	sbr.rel $0x88, $3  }
0x1: {  	(tag) =	ssettag $0x0;
	lr =	simm.s32 $0x1  }
0x2: {  	[smem:$0x3F93] =	sst lr;
	_ =	strace $0xD0000000  }
0x3: {  	_ = 	snop  }
0x4: {  	_ = 	snop  }
0x5: {  	_ = 	snop  }
0x6: {  	_ = 	snop  }
0x7: {  	_ = 	snop  }
__scs_overlays_trampoline_lowered:
0x8: {  	[smem:$0x3FA2] =	sst s0  }
0x9: {  	[smem:$0x3FA3] =	sst s1  }
0xa: {  	[smem:$0x3FA4] =	sst s2  }
0xb: {  	[smem:$0x3FA5] =	sst s3  }
0xc: {  	[smem:$0x3FA6] =	sst s4  }
0xd: {  	[smem:$0x3FA7] =	sst s5  }
0xe: {  	[smem:$0x3FA8] =	sst s6  }
0xf: {  	[smem:$0x3FA9] =	sst s7  }
0x10: {  	[smem:$0x3FAA] =	sst s8  }
0x11: {  	[smem:$0x3FAB] =	sst s9;
	s0 =	simm.s32 @!p0 $0x0  }
0x12: {  	s1 =	sld [smem:$0x3F91];
	s0 =	simm.s32 @p0 $0x1  }
0x13: {  	[smem:$0x3FAC] =	sst s0;
	s0 =	simm.s32 @!p1 $0x0  }
0x14: {  	s2 =	sld [smem:$0x3F90];
	s0 =	simm.s32 @p1 $0x1  }
0x15: {  	[smem:$0x3FAD] =	sst s0;
	s0 =	simm.s32 @!p2 $0x0  }
0x16: {  	s3 =	sld [smem:$0x3FDB];
	s0 =	simm.s32 @p2 $0x1  }
0x17: {  	s4 =	simm.s32 $0x1BF5;
	[smem:$0x3FAF] =	sst s0  }
0x18: {  	s0 =	sld [smem:$0x3F92];
	_ =	swait.ge [sflag:s4], $0x0  }
0x19: {  	s7 =	sld [smem:$0x3F93]  }
0x1a: {  	s8 =	sadd.s32 $0xFFFFE003, lr  }
0x1b: {  	s9 =	sadd.s32 $0xFFFFFEF7, lr;
	s5 =	simm.s32 $0xFFFFFFFF;
	p2 =	slt.u32 s8, $0xFFFFF086  }
0x1c: {  	p1 =	slt.u32 s9, $0xF7A;
	s5 =	simm.s32 @!p2 $0x0  }
0x1d: {  	s5 =	simm.s32 @p1 $0x1;
	p0 =	seq.s32 s7, s2  }
0x1e: {  	s7 =	smul.u32 @!p0 $0xF7A, s2;
	p2 =	seq.s32 @!p0 s5, $0x0  }
0x1f: {  	s9 =	smul.u32 $0xF7A, s1;
	s8 =	simm.s32 @!p0 $0x1BF5;
	p2 =	por !p2, p0  }
0x20: {  	[sflag:s8] =	ssyncset.s32 @!p0 $0xFFFFF086;
	s6 =	sadd.s32 @!p0 s3, s7;
	s7 =	simm.s32 @!p0 $0x108  }
0x21: {  	s3 =	sadd.s32 s3, s9;
	s6 =	sadd.s32 @!p0 $0x88, s6;
	s7 =	simm.s32 @p2 $0x1082  }
0x22: {  	[simem:s7], [sflag:s8] =	dma.local @!p0 [hbm:s6], $0xF7A  }
0x23: {  	s9 =	sor.u32 $0xD0000000, s2;
	s6 =	simm.s32 $0x108;
	_ =	swait.ge @!p0 [sflag:s8], $0x0  }
0x24: {  	s3 =	sadd.s32 $0x88, s3;
	s6 =	simm.s32 @!p1 $0x1082;
	[sflag:s4] =	ssyncset.s32 $0xFFFFF086  }
0x25: {  	[simem:s6], [sflag:s4] =	dma.local [hbm:s3], $0xF7A  }
0x26: {  	[smem:$0x3F93] =	sst s1;
	(tag) =	ssettag s2;
	_ =	strace s9  }
0x27: {  	s1 =	sld [smem:$0x3FA3]  }
0x28: {  	s2 =	sld [smem:$0x3FA4]  }
0x29: {  	s4 =	sld [smem:$0x3FA6]  }
0x2a: {  	p0 =	seq.s32 s5, $0x0;
	s5 =	sld [smem:$0x3FA7]  }
0x2b: {  	s6 =	sld [smem:$0x3FA8]  }
0x2c: {  	s7 =	sld [smem:$0x3FA9]  }
0x2d: {  	s3 =	simm.s32 $0x108;
	s8 =	sld [smem:$0x3FAA]  }
0x2e: {  	s3 =	simm.s32 @!p0 $0x1082;
	s9 =	sld [smem:$0x3FAB]  }
0x2f: {  	lr =	sadd.s32 s0, s3;
	s0 =	sld [smem:$0x3FA2]  }
0x30: {  	s3 =	sld [smem:$0x3FA5]  }
0x31: {  	[smem:$0x3FAE] =	sst s10  }
0x32: {  	s10 =	sld [smem:$0x3FAC];
	_ =	sdelay $0x3  }
0x33: {  	p0 =	seq.s32 s10, $0x1;
	s10 =	sld [smem:$0x3FAE];
	_ =	sdelay $0x3  }
0x34: {  	[smem:$0x3FAE] =	sst s10  }
0x35: {  	s10 =	sld [smem:$0x3FAD];
	_ =	sdelay $0x3  }
0x36: {  	p1 =	seq.s32 s10, $0x1;
	s10 =	sld [smem:$0x3FAE];
	_ =	sdelay $0x3  }
0x37: {  	[smem:$0x3FAE] =	sst s10  }
0x38: {  	s10 =	sld [smem:$0x3FAF]  }
0x39: {  	_ = 	snop;
	(pc) =	sbr.ind lr, $3  }
0x3a: {  	_ = 	snop  }
0x3b: {  	_ = 	snop  }
0x3c: {  	p2 =	seq.s32 s10, $0x1;
	s10 =	sld [smem:$0x3FAE]  }
0x3d: {  	_ =	shalt  }
0x3e: {  	_ =	shalt  }
0x3f: {  	_ =	shalt  }
0x40: {  	_ =	shalt  }
0x41: {  	_ =	shalt  }
0x42: {  	_ =	shalt  }
0x43: {  	_ =	shalt  }
0x44: {  	_ =	shalt  }
0x45: {  	_ =	shalt  }
0x46: {  	_ =	shalt  }
0x47: {  	_ =	shalt  }
0x48: {  	_ =	shalt  }
0x49: {  	_ =	shalt  }
0x4a: {  	_ =	shalt  }
0x4b: {  	_ =	shalt  }
0x4c: {  	_ =	shalt  }
0x4d: {  	_ =	shalt  }
0x4e: {  	_ =	shalt  }
0x4f: {  	_ =	shalt  }
0x50: {  	_ =	shalt  }
0x51: {  	_ =	shalt  }
0x52: {  	_ =	shalt  }
0x53: {  	_ =	shalt  }
0x54: {  	_ =	shalt  }
0x55: {  	_ =	shalt  }
0x56: {  	_ =	shalt  }
0x57: {  	_ =	shalt  }
0x58: {  	_ =	shalt  }
0x59: {  	_ =	shalt  }
0x5a: {  	_ =	shalt  }
0x5b: {  	_ =	shalt  }
0x5c: {  	_ =	shalt  }
0x5d: {  	_ =	shalt  }
0x5e: {  	_ =	shalt  }
0x5f: {  	_ =	shalt  }
0x60: {  	_ =	shalt  }
0x61: {  	_ =	shalt  }
0x62: {  	_ =	shalt  }
0x63: {  	_ =	shalt  }
0x64: {  	_ =	shalt  }
0x65: {  	_ =	shalt  }
0x66: {  	_ =	shalt  }
0x67: {  	_ =	shalt  }
0x68: {  	_ =	shalt  }
0x69: {  	_ =	shalt  }
0x6a: {  	_ =	shalt  }
0x6b: {  	_ =	shalt  }
0x6c: {  	_ =	shalt  }
0x6d: {  	_ =	shalt  }
0x6e: {  	_ =	shalt  }
0x6f: {  	_ =	shalt  }
0x70: {  	_ =	shalt  }
0x71: {  	_ =	shalt  }
0x72: {  	_ =	shalt  }
0x73: {  	_ =	shalt  }
0x74: {  	_ =	shalt  }
0x75: {  	_ =	shalt  }
0x76: {  	_ =	shalt  }
0x77: {  	_ =	shalt  }
0x78: {  	_ =	shalt  }
0x79: {  	_ =	shalt  }
0x7a: {  	_ =	shalt  }
0x7b: {  	_ =	shalt  }
0x7c: {  	_ =	shalt  }
0x7d: {  	_ =	shalt  }
0x7e: {  	_ =	shalt  }
0x7f: {  	_ =	shalt  }
0x80: {  	_ =	shalt  }
0x81: {  	_ =	shalt  }
0x82: {  	_ =	shalt  }
0x83: {  	_ =	shalt  }
0x84: {  	_ =	shalt  }
0x85: {  	_ =	shalt  }
0x86: {  	_ =	shalt  }
0x87: {  	_ =	shalt  }
.Lfunc_end0:
.L_simem_size_0:
called_computation_lowered:
.L_overlay_start_0:
0x88: {  	s2 =	sld [smem:$0x3FD9]  }
0x89: {  	s3 =	sld [smem:$0x3FFE];
	_ =	sdelay $0x1  }
0x8a: {  	s1 =	srdreg.scid  }
0x8b: {  	s0 =	sand.u32 $0x1, s1  }
0x8c: {  	s17 =	sshll.u32 s0, $0xA;
	s2 =	sadd.s32 s3, s2  }
0x8d: {  	s2 =	sadd.s32 s2, s17  }
0x8e: {  	[smem:$0x3FBA] =	sst s2  }
0x8f: {  	_ = 	snop  }
0x90: {  	s2 =	sld [smem:$0x3FD0];
	(tm) =	ssettm $0x1  }
0x91: {  	s18 =	sld [smem:$0x3FFB];
	_ =	sdelay $0x3  }
0x92: {  	_ =	strace s18  }
0x93: {  	s3 =	sld [smem:$0x3FFC];
	_ =	sdelay $0x3  }
0x94: {  	_ =	strace s3  }
0x95: {  	s3 =	sld [smem:$0x3FFD];
	_ =	sdelay $0x3  }
0x96: {  	_ =	strace s3  }
0x97: {  	_ =	strace $0x8FFFFFFF  }
0x98: {  	s19 =	sld [smem:$0x3FDB];
	_ =	sdelay $0x1  }
0x99: {  	s4 =	simm.s32 $_scs_section_size  }
0x9a: {  	s5 =	simm.s32 $_size__tile_overlayer_lowered;
	s6 =	simm.s32 $_tile_overlayer_lowered  }
0x9b: {  	s22 =	simm.s32 $0x1BFF;
	s21 =	sshll.u32 s6, $0x1;
	s3 =	sadd.s32 s4, s19  }
0x9c: {  	s7 =	simm.s32 $0x0;
	s20 =	sshll.u32 s5, $0x1;
	s5 =	sadd.s32 s21, s3  }
0x9d: {  	[timem:s7], [sflag:s22] =	dma.local [hbm:s5], s20  }
0x9e: {  	_ =	swait.ge [sflag:s22], s20  }
0x9f: {  	s4 =	ssub.s32 $0x0, s20;
	[sflag:s22] =	ssyncset.done $0x0  }
0xa0: {  	[sflag:s22] =	ssyncadd.s32 s4;
	_ =	sdelay $0x1  }
0xa1: {  	s23 =	simm.s32 $0x1B8B  }
0xa2: {  	_ =	swait.ge [sflag:s23], $0x1  }
0xa3: {  	[sflag:s23] =	ssyncset.done $0x0  }
0xa4: {  	s25 =	simm.s32 $0x1B8E;
	s24 =	sld [smem:$0x3FFE];
	[sflag:s23] =	ssyncadd.s32 $0xFFFFFFFF  }
0xa5: {  	s26 =	simm.s32 $execute0_lowered;
	[smem:$0x3FD2] =	sst s25  }
0xa6: {  	s5 =	sshll.u32 s26, $0x1;
	_ =	strace $0x80000046;
	[dreg:$0x1] =	wrdreg $0xFFFFFFFF  }
0xa7: {  	s28 =	simm.s32 $_size_execute0_lowered;
	s3 =	sadd.s32 s3, s5;
	[dreg:$0x0] =	wrdreg $0x0  }
0xa8: {  	s5 =	sshll.u32 s28, $0x1;
	[dreg:$0x2] =	wrdreg s3  }
0xa9: {  	[dreg:$0x3] =	wrdreg s5  }
0xaa: {  	[dreg:$0x4] =	wrdreg $0xC0  }
0xab: {  	_ =	task [dreg:s7], $0x5FFFF  }
0xac: {  	[dreg:$0x1] =	wrdreg $0xFFFFFFFF  }
0xad: {  	[dreg:$0x0] =	wrdreg $0x60  }
0xae: {  	[dreg:$0x2] =	wrdreg s2  }
0xaf: {  	[dreg:$0x3] =	wrdreg s24  }
0xb0: {  	[dreg:$0x4] =	wrdreg $0x9  }
0xb1: {  	_ =	task.clear_ibuf [dreg:s7], $0x5FFFF;
	_ =	strace $0x90000046  }
0xb2: {  	s29 =	simm.s32 $0x9;
	_ =	strace $0x80000048  }
0xb3: {  	_ =	swait.ge [sflag:s29], $0x1  }
0xb4: {  	[sflag:s29] =	ssyncadd.s32 $0xFFFFFFFF  }
0xb5: {  	_ =	strace $0x90000048  }
0xb6: {  	_ =	sfence  }
0xb7: {  	s30 =	sld [smem:$0x0];
	_ =	sdelay $0x2  }
0xb8: {  	s31 =	sshll.u32 s1, $0xD;
	s1 =	sshrl.u32 s1, $0x2  }
0xb9: {  	s3 =	sand.u32 $0x4000, s31;
	s1 =	sadd.s32 s1, s30  }
0xba: {  	s0 =	sor.u32 s3, s0;
	s1 =	sshll.u32 s1, $0x11  }
0xbb: {  	s0 =	sor.u32 s1, s0  }
0xbc: {  	s0 =	sadd.s32 $0x8F2B, s0  }
0xbd: {  	[sflag:s0] =	ssyncadd.remote.s32 $0x1  }
0xbe: {  	_ =	sfence.sel $0xFFFF  }
0xbf: {  	[dreg:$0x0] =	wrdreg $0xFFFFFFFF;
	(pc) =	sbr.abs _section_cstart, $3  }
0xc0: {  	[dreg:$0x1] =	wrdreg $0xFFFFFFFF  }
0xc1: {  	_ =	task.clear_ibuf [dreg:s7], $0x2FFFF;
	_ =	strace $0x9FFFFFFF  }
0xc2: {  	(tm) =	ssettm $0x7FFFFFFF  }
0xc3: {  	_ =	shalt  }
tec
execute0_lowered:
.L_overlay_start_1:
0x0: {  	(tag) =	ssettag $0x1  }
0x1: {  	s0 =	srdreg.scid  }
0x2: {  	s1 =	stileid.u32;
	s9 =	rddreg [dreg:$0x1]  }
0x3: {  	s29 =	simm.s32 $0x5;
	s2 =	sand.u32 $0x1, s0;
	s16 =	sshll.u32 s1, $0x1  }
0x4: {  	s30 =	simm.s32 $0x10000;
	s0 =	sor.u32 s2, s16;
	s2 =	ssub.s32 $0x2, s2  }
0x5: {  	s31 =	simm.s32 $0x13E80;
	s4 =	smul.u32 $0x1A, s0;
	s7 =	sshrl.u32 s2, $0x1  }
0x6: {  	s1 =	rddreg [dreg:$0x0];
	s28 =	sadd.s32 $0x2000, s9;
	s2 =	ssub.s32 s2, s7  }
0x7: {  	s3 =	sshrl.u32 s4, $0x8;
	s5 =	sadd.s32 $0x1A, s4;
	s8 =	sadd.s32 $0x34, s4  }
0x8: {  	s19 =	sadd.s32 $0x4E, s4;
	s23 =	sadd.s32 $0x68, s4;
	s26 =	sadd.s32 $0x82, s4  }
0x9: {  	s6 =	smul.u32 $0xA, s3;
	s17 =	sshrl.u32 s5, $0x8;
	s3 =	simm.s32 $0x0  }
0xa: {  	s18 =	sshrl.u32 s8, $0x8;
	s20 =	sshrl.u32 s19, $0x8;
	s5 =	smul.u32 $0xA, s17  }
0xb: {  	s25 =	sshrl.u32 s23, $0x8;
	s8 =	sshrl.u32 s26, $0x8;
	s6 =	ssub.s32 s0, s6  }
0xc: {  	s26 =	smax.u32 s2, $0x1;
	s6 =	sand.u32 $0xFF, s6;
	s5 =	ssub.s32 s0, s5  }
0xd: {  	s2 =	simm.s32 $0x2;
	s10 =	smul.u32 $0x3E80, s6;
	s5 =	sadd.s32 $0x1, s5  }
0xe: {  	[smem:$0x7FF] =	sst s3;
	s6 =	smul.u32 $0xA, s18;
	s5 =	sand.u32 $0xFF, s5  }
0xf: {  	s11 =	smul.u32 $0x3E80, s5;
	[dreg:$0x3] =	wrdreg s10;
	s21 =	sshrl.u32 s10, $0x3  }
0x10: {  	s6 =	ssub.s32 s0, s6;
	s5 =	smul.u32 $0xA, s20;
	s7 =	sadd.s32 s1, s21  }
0x11: {  	s17 =	sadd.s32 $0xB6, s4;
	s6 =	sadd.s32 $0x2, s6;
	[dreg:$0x5] =	wrdreg s7  }
0x12: {  	[dreg:$0x4] =	wrdreg s11;
	s6 =	sand.u32 $0xFF, s6;
	s5 =	ssub.s32 s0, s5  }
0x13: {  	s22 =	sshrl.u32 s11, $0x3;
	s24 =	smul.u32 $0x3E80, s6;
	s5 =	sadd.s32 $0x3, s5  }
0x14: {  	s6 =	smul.u32 $0xA, s25;
	s7 =	sadd.s32 s1, s22;
	s5 =	sand.u32 $0xFF, s5  }
0x15: {  	s18 =	sadd.s32 $0xD0, s4;
	[dreg:$0x6] =	wrdreg s7;
	s13 =	smul.u32 $0x3E80, s5  }
0x16: {  	[dreg:$0x8] =	wrdreg s24;
	s10 =	sshrl.u32 s24, $0x3;
	s6 =	ssub.s32 s0, s6  }
0x17: {  	s5 =	smul.u32 $0xA, s8;
	s8 =	sshrl.u32 s18, $0x8;
	s7 =	sadd.s32 s1, s10  }
0x18: {  	s6 =	sadd.s32 $0x4, s6;
	s8 =	smul.u32 $0xA, s8;
	[dreg:$0x7] =	wrdreg s7  }
0x19: {  	s12 =	smov.u32 s13;
	s11 =	sshrl.u32 s13, $0x3;
	s6 =	sand.u32 $0xFF, s6  }
0x1a: {  	s5 =	ssub.s32 s0, s5;
	s13 =	sadd.s32 $0x9C, s4;
	s4 =	sadd.s32 $0xEA, s4  }
0x1b: {  	s14 =	smul.u32 $0x3E80, s6;
	s5 =	sadd.s32 $0x5, s5;
	s15 =	sshrl.u32 s13, $0x8  }
0x1c: {  	s7 =	sadd.s32 s1, s11;
	s4 =	sshrl.u32 s4, $0x8;
	s19 =	ssub.s32 s0, s8  }
0x1d: {  	v0 =	vimm.s32 $0xEDCBA987;
	[dreg:$0x9] =	wrdreg s7;
	s5 =	sand.u32 $0xFF, s5;
	s6 =	smul.u32 $0xA, s15  }
0x1e: {  	v1 =	vimm.s32 $0x65432100;
	v0 =	vunpack.c.l.s4.s8 v0;
	s4 =	smul.u32 $0xA, s4;
	s7 =	simm.s32 $0x0;
	s11 =	smov.u32 s14  }
0x1f: {  	v2 =	vimm.s32 $0xDCBA9876;
	v1 =	vunpack.c.l.s4.s8 v1;
	s16 =	sshrl.u32 s14, $0x3;
	s13 =	smul.u32 $0x3E80, s5;
	s5 =	sshrl.u32 s17, $0x8  }
0x20: {  	v3 =	vimm.s32 $0x54321000;
	v4 =	vimm.s32 $0xE40000;
	v0 =	vunpack.c.0.s8.s32 v0;
	_ =	strace $0x80000047;
	[dreg:$0xa] =	wrdreg s26;
	s26 =	sadd.s32 $0x4E2000, s9  }
0x21: {  	v5 =	vimm.s32 $0x32100000;
	v2 =	vunpack.c.l.s4.s8 v2;
	v1 =	vunpack.c.0.s8.s32 v1;
	s6 =	ssub.s32 s0, s6;
	s5 =	smul.u32 $0xA, s5;
	s4 =	ssub.s32 s0, s4  }
0x22: {  	v6 =	vimm.s32 $0x87654321;
	v3 =	vunpack.c.l.s4.s8 v3;
	v0 =	vand.u32 $0xF, v0;
	s16 =	sadd.s32 s1, s16;
	s6 =	sadd.s32 $0x6, s6;
	s4 =	sadd.s32 $0x9, s4  }
0x23: {  	v4 =	vunpack.c.l.s2.s4 v4;
	v0 =	vcombine.low v1, v0;
	v1 =	vunpack.c.0.s8.s32 v2;
	s21 =	sshrl.u32 s13, $0x3;
	s6 =	sand.u32 $0xFF, s6;
	s5 =	ssub.s32 s0, s5  }
0x24: {  	v7 =	vimm.s32 $0x7060504;
	v3 =	vunpack.c.0.s8.s32 v3;
	v2 =	vimm.s32 $0xBA987654;
	s4 =	sand.u32 $0xFF, s4;
	s14 =	smul.u32 $0x3E80, s6;
	s5 =	sadd.s32 $0x7, s5  }
0x25: {  	v4 =	vunpack.c.l.s4.s8 v4;
	v2 =	vunpack.c.l.s4.s8 v2;
	v1 =	vand.u32 $0xF, v1;
	s6 =	sadd.s32 $0x8, s19;
	s18 =	smul.u32 $0x3E80, s4;
	s5 =	sand.u32 $0xFF, s5  }
0x26: {  	v1 =	vcombine.low v3, v1;
	v3 =	vunpack.c.l.s4.s8 v5;
	v5 =	vimm.s32 $0xFFEDCBA9;
	s19 =	sadd.s32 s1, s21;
	s20 =	sand.u32 $0xFF, s6;
	s15 =	smul.u32 $0x3E80, s5  }
0x27: {  	v6 =	vunpack.c.l.s4.s8 v6;
	v2 =	vunpack.c.0.s8.s32 v2;
	v5 =	vunpack.c.l.s4.s8 v5;
	s4 =	simm.s32 $0x3;
	s17 =	smul.u32 $0x3E80, s20;
	s22 =	sshrl.u32 s14, $0x3  }
0x28: {  	v7 =	vunpack.c.0.s8.s32 v7;
	v4 =	vunpack.c.0.s8.s32 v4;
	v3 =	vunpack.c.0.s8.s32 v3;
	s25 =	sshrl.u32 s18, $0x3;
	s5 =	simm.s32 $0x4;
	s23 =	sshrl.u32 s15, $0x3  }
0x29: {  	v6 =	vunpack.c.0.s8.s32 v6;
	v2 =	vand.u32 $0xF, v2;
	v5 =	vunpack.c.0.s8.s32 v5;
	s20 =	sadd.s32 s1, s22;
	s24 =	sshrl.u32 s17, $0x3;
	s21 =	sadd.s32 s1, s23  }
0x2a: {  	vm0 =	vcmask $0x3F30;
	v2 =	vcombine.low v3, v2;
	v3 =	vand.u32 $0x3, v4;
	s22 =	sadd.s32 s1, s24;
	s23 =	sadd.s32 s1, s25;
	s24 =	sshll.u32 s0, $0x3  }
0x2b: {  	v3 =	vsel vm0, v7, v3;
	v4 =	vcombine.low v6, v5;
	vm0 =	vcmask $0x3F3C;
	s1 =	simm.s32 $0x17D00;
	s0 =	simm.s32 $0x1BB80;
	s25 =	simm.s32 $0x1  }
.LBB2_1:
0x2c: {  	[dreg:$0xb] =	wrdreg s7;
	s6 =	simm.s32 $0x0  }
.LBB2_2:
0x2d: {  	s9 =	simm.s32 $0x0;
	s7 =	rddreg [dreg:$0x1]  }
0x2e: {  	[tilespmem:s9], [sflag:$0x5] =	stream.linear.gather [hbm4b:s7+s9], $0x10000, $0x38;
	[tilespmem:$0x1FA00] =	vst v63  }
0x2f: {  	_ =	swait.ge [sflag:s29], $0x10000  }
0x30: {  	s7 =	sadd.s32 s24, s6;
	[sflag:s29] =	ssyncset.done $0x0  }
0x31: {  	s8 =	smul.u32 $0x27100, s7;
	s10 =	rddreg [dreg:$0x5];
	[sflag:s29] =	ssyncadd.s32 $0xFFFF0000  }
0x32: {  	[tilespmem:s30], [sflag:$0x1] =	stream.linear.gather [hbm4b:s10+s9], $0x3E80, $0x38;
	[tilespmem:$0x1FA00] =	vst v63  }
0x33: {  	s10 =	rddreg [dreg:$0x3]  }
0x34: {  	s10 =	sadd.s32 s10, s8  }
0x35: {  	s10 =	sshrl.u32 s10, $0x3  }
0x36: {  	s10 =	sadd.s32 s26, s10  }
0x37: {  	[tilespmem:s31], [sflag:$0x2] =	stream.linear.gather [hbm4b:s10+s9], $0x3E80, $0x38;
	[tilespmem:$0x1FA00] =	vst v63  }
0x38: {  	s10 =	rddreg [dreg:$0x6]  }
0x39: {  	[tilespmem:s1], [sflag:$0x3] =	stream.linear.gather [hbm4b:s10+s9], $0x3E80, $0x38;
	[tilespmem:$0x1FA00] =	vst v63  }
0x3a: {  	s10 =	rddreg [dreg:$0x4]  }
0x3b: {  	s10 =	sadd.s32 s10, s8  }
0x3c: {  	s10 =	sshrl.u32 s10, $0x3  }
0x3d: {  	s10 =	sadd.s32 s26, s10  }
0x3e: {  	[tilespmem:s0], [sflag:$0x4] =	stream.linear.gather [hbm4b:s10+s9], $0x3E80, $0x38;
	[tilespmem:$0x1FA00] =	vst v63  }
0x3f: {  	_ =	swait.ge [sflag:s25], $0x3E80  }
0x40: {  	[sflag:s25] =	ssyncset.done $0x0  }
0x41: {  	[sflag:s25] =	ssyncadd.s32 $0xFFFFC180  }
0x42: {  	_ =	swait.ge [sflag:s2], $0x3E80  }
0x43: {  	[sflag:s2] =	ssyncset.done $0x0  }
0x44: {  	s10 =	simm.s32 $0x0;
	s9 =	simm.s32 $0x40;
	[sflag:s2] =	ssyncadd.s32 $0xFFFFC180  }
.LBB2_3:
0x45: {  	p0 =	sne.s32 s9, $0xF9C0;
	v5 =	vld [tilespmem:s10+$0x10000]  }
0x46: {  	v6 =	vld [tilespmem:s10+$0x13E80];
	_ =	sdelay $0x3  }
0x47: {  	v5 =	vxor.u32 $0x80000000, v5  }
0x48: {  	(xrf1) =	vsort.ascd.msk.u32 $0xffff, v5, v6;
	_ =	sdelay $0xd  }
0x49: {  	v5, v6, _ =	vpop (xrf1)  }
0x4a: {  	v5 =	vxor.u32 $0x80000000, v5  }
0x4b: {  	v8 =	vperm.xlane v6, v0;
	v7 =	vperm.xlane v5, v0;
	_ =	sdelay $0x1  }
0x4c: {  	vm1 =	veq.s32 v7, v5;
	v7 =	vmax.f32 v6, v8  }
0x4d: {  	v6 =	vsel vm1, v7, v6  }
0x4e: {  	v7 =	vperm.xlane v5, v1;
	v8 =	vperm.xlane v6, v1;
	_ =	sdelay $0x1  }
0x4f: {  	vm1 =	veq.s32 v7, v5;
	v7 =	vmax.f32 v6, v8  }
0x50: {  	v6 =	vsel vm1, v7, v6  }
0x51: {  	v7 =	vperm.xlane v5, v2;
	v8 =	vperm.xlane v6, v2;
	_ =	sdelay $0x1  }
0x52: {  	vm1 =	veq.s32 v7, v5;
	v7 =	vmax.f32 v6, v8;
	v8 =	vld.idx.msk [tilespmem:v5+s3+$0x0], $0xffff  }
0x53: {  	v6 =	vsel vm1, v7, v6  }
0x54: {  	v7 =	vperm.xlane v5, v3;
	v9 =	vperm.xlane v6, v3  }
0x55: {  	v10 =	vperm.xlane v5, v4  }
0x56: {  	vm1 =	veq.s32 v7, v5;
	v7 =	vmax.f32 v6, v9  }
0x57: {  	v6 =	vsel vm1, v7, v6;
	vm1 =	vne.s32 v5, v10  }
0x58: {  	vm1 =	vmor vm1, vm0;
	vm2 =	vgt.f32 v6, v8  }
0x59: {  	vm1 =	vmand vm1, vm2;
	_ =	sdelay $0x1  }
.Ltmp0:
0x5a: {  	(pc) =	sbr.rel @p0 .LBB2_3-.Ltmp0, $2  }
0x5b: {  	_ =	sdelay $0x2  }
0x5c: {  	s10 =	sshra.s32 s9, $0x2;
	s9 =	sadd.s32 $0x40, s9;
	[tilespmem:v5+s3+$0x0] =	vst.idx.msk vm1, v6  }
0x5d: {  	v5 =	vld [tilespmem:s10+$0x10000]  }
0x5e: {  	v6 =	vld [tilespmem:s10+$0x13E80];
	_ =	sdelay $0x3  }
0x5f: {  	v5 =	vxor.u32 $0x80000000, v5  }
0x60: {  	(xrf1) =	vsort.ascd.msk.u32 $0xffff, v5, v6;
	_ =	sdelay $0xd  }
0x61: {  	v5, v6, _ =	vpop (xrf1)  }
0x62: {  	v5 =	vxor.u32 $0x80000000, v5  }
0x63: {  	v8 =	vperm.xlane v6, v0;
	v7 =	vperm.xlane v5, v0;
	_ =	sdelay $0x1  }
0x64: {  	vm1 =	veq.s32 v7, v5;
	v7 =	vmax.f32 v6, v8  }
0x65: {  	v6 =	vsel vm1, v7, v6  }
0x66: {  	v7 =	vperm.xlane v5, v1;
	v61 =	vperm.xlane v6, v1;
	_ =	sdelay $0x1  }
0x67: {  	vm1 =	veq.s32 v7, v5;
	v7 =	vmax.f32 v6, v61  }
0x68: {  	v6 =	vsel vm1, v7, v6  }
0x69: {  	v7 =	vperm.xlane v5, v2;
	v62 =	vperm.xlane v6, v2;
	_ =	sdelay $0x1  }
0x6a: {  	vm1 =	veq.s32 v7, v5;
	v7 =	vmax.f32 v6, v62  }
0x6b: {  	v63 =	vld.idx.msk [tilespmem:v5+s3+$0x0], $0xffff;
	v6 =	vsel vm1, v7, v6  }
0x6c: {  	v7 =	vperm.xlane v5, v3;
	v9 =	vperm.xlane v6, v3  }
0x6d: {  	v10 =	vperm.xlane v5, v4  }
0x6e: {  	vm1 =	veq.s32 v7, v5;
	v7 =	vmax.f32 v6, v9  }
0x6f: {  	v6 =	vsel vm1, v7, v6;
	vm1 =	vne.s32 v5, v10  }
0x70: {  	vm1 =	vmor vm1, vm0;
	vm2 =	vgt.f32 v6, v63  }
0x71: {  	vm1 =	vmand vm1, vm2;
	_ =	sdelay $0x5  }
0x72: {  	s9 =	simm.s32 $0x0;
	s10 =	rddreg [dreg:$0x7];
	[tilespmem:v5+s3+$0x0] =	vst.idx.msk vm1, v6  }
0x73: {  	[tilespmem:s30], [sflag:$0x1] =	stream.linear.gather [hbm4b:s10+s9], $0x3E80, $0x38;
	[tilespmem:$0x1FA00] =	vst v63  }
0x74: {  	s10 =	rddreg [dreg:$0x8]  }
0x75: {  	s10 =	sadd.s32 s10, s8  }
0x76: {  	s10 =	sshrl.u32 s10, $0x3  }
0x77: {  	s10 =	sadd.s32 s26, s10  }
0x78: {  	[tilespmem:s31], [sflag:$0x2] =	stream.linear.gather [hbm4b:s10+s9], $0x3E80, $0x38;
	[tilespmem:$0x1FA00] =	vst v63  }
0x79: {  	_ =	swait.ge [sflag:s4], $0x3E80  }
0x7a: {  	[sflag:s4] =	ssyncset.done $0x0  }
0x7b: {  	[sflag:s4] =	ssyncadd.s32 $0xFFFFC180  }
0x7c: {  	_ =	swait.ge [sflag:s5], $0x3E80  }
0x7d: {  	[sflag:s5] =	ssyncset.done $0x0  }
0x7e: {  	s10 =	simm.s32 $0x0;
	s9 =	simm.s32 $0x40;
	[sflag:s5] =	ssyncadd.s32 $0xFFFFC180  }
.LBB2_5:
0x7f: {  	p0 =	sne.s32 s9, $0xF9C0;
	v5 =	vld [tilespmem:s10+$0x17D00]  }
0x80: {  	v6 =	vld [tilespmem:s10+$0x1BB80];
	_ =	sdelay $0x3  }
0x81: {  	v5 =	vxor.u32 $0x80000000, v5  }
0x82: {  	(xrf1) =	vsort.ascd.msk.u32 $0xffff, v5, v6;
	_ =	sdelay $0xd  }
0x83: {  	v5, v6, _ =	vpop (xrf1)  }
0x84: {  	v5 =	vxor.u32 $0x80000000, v5  }
0x85: {  	v8 =	vperm.xlane v6, v0;
	v7 =	vperm.xlane v5, v0;
	_ =	sdelay $0x1  }
0x86: {  	vm1 =	veq.s32 v7, v5;
	v7 =	vmax.f32 v6, v8  }
0x87: {  	v6 =	vsel vm1, v7, v6  }
0x88: {  	v7 =	vperm.xlane v5, v1;
	v8 =	vperm.xlane v6, v1;
	_ =	sdelay $0x1  }
0x89: {  	vm1 =	veq.s32 v7, v5;
	v7 =	vmax.f32 v6, v8  }
0x8a: {  	v6 =	vsel vm1, v7, v6  }
0x8b: {  	v7 =	vperm.xlane v5, v2;
	v8 =	vperm.xlane v6, v2;
	_ =	sdelay $0x1  }
0x8c: {  	vm1 =	veq.s32 v7, v5;
	v7 =	vmax.f32 v6, v8;
	v8 =	vld.idx.msk [tilespmem:v5+s3+$0x0], $0xffff  }
0x8d: {  	v6 =	vsel vm1, v7, v6  }
0x8e: {  	v7 =	vperm.xlane v5, v3;
	v9 =	vperm.xlane v6, v3  }
0x8f: {  	v10 =	vperm.xlane v5, v4  }
0x90: {  	vm1 =	veq.s32 v7, v5;
	v7 =	vmax.f32 v6, v9  }
0x91: {  	v6 =	vsel vm1, v7, v6;
	vm1 =	vne.s32 v5, v10  }
0x92: {  	vm1 =	vmor vm1, vm0;
	vm2 =	vgt.f32 v6, v8  }
0x93: {  	vm1 =	vmand vm1, vm2;
	_ =	sdelay $0x1  }
.Ltmp1:
0x94: {  	(pc) =	sbr.rel @p0 .LBB2_5-.Ltmp1, $2  }
0x95: {  	_ =	sdelay $0x2  }
0x96: {  	s10 =	sshra.s32 s9, $0x2;
	s9 =	sadd.s32 $0x40, s9;
	[tilespmem:v5+s3+$0x0] =	vst.idx.msk vm1, v6  }
0x97: {  	v5 =	vld [tilespmem:s10+$0x17D00]  }
0x98: {  	v6 =	vld [tilespmem:s10+$0x1BB80];
	_ =	sdelay $0x3  }
0x99: {  	v5 =	vxor.u32 $0x80000000, v5  }
0x9a: {  	(xrf1) =	vsort.ascd.msk.u32 $0xffff, v5, v6;
	_ =	sdelay $0xd  }
0x9b: {  	v5, v6, _ =	vpop (xrf1)  }
0x9c: {  	v5 =	vxor.u32 $0x80000000, v5  }
0x9d: {  	v8 =	vperm.xlane v6, v0;
	v7 =	vperm.xlane v5, v0;
	_ =	sdelay $0x1  }
0x9e: {  	vm1 =	veq.s32 v7, v5;
	v7 =	vmax.f32 v6, v8  }
0x9f: {  	v6 =	vsel vm1, v7, v6  }
0xa0: {  	v7 =	vperm.xlane v5, v1;
	v61 =	vperm.xlane v6, v1;
	_ =	sdelay $0x1  }
0xa1: {  	vm1 =	veq.s32 v7, v5;
	v7 =	vmax.f32 v6, v61  }
0xa2: {  	v6 =	vsel vm1, v7, v6  }
0xa3: {  	v7 =	vperm.xlane v5, v2;
	v62 =	vperm.xlane v6, v2;
	_ =	sdelay $0x1  }
0xa4: {  	vm1 =	veq.s32 v7, v5;
	v7 =	vmax.f32 v6, v62  }
0xa5: {  	v63 =	vld.idx.msk [tilespmem:v5+s3+$0x0], $0xffff;
	v6 =	vsel vm1, v7, v6  }
0xa6: {  	v7 =	vperm.xlane v5, v3;
	v9 =	vperm.xlane v6, v3  }
0xa7: {  	v10 =	vperm.xlane v5, v4  }
0xa8: {  	vm1 =	veq.s32 v7, v5;
	v7 =	vmax.f32 v6, v9  }
0xa9: {  	v6 =	vsel vm1, v7, v6;
	vm1 =	vne.s32 v5, v10  }
0xaa: {  	vm1 =	vmor vm1, vm0;
	vm2 =	vgt.f32 v6, v63  }
0xab: {  	vm1 =	vmand vm1, vm2;
	_ =	sdelay $0x5  }
0xac: {  	s9 =	simm.s32 $0x0;
	s10 =	rddreg [dreg:$0x9];
	[tilespmem:v5+s3+$0x0] =	vst.idx.msk vm1, v6  }
0xad: {  	[tilespmem:s1], [sflag:$0x3] =	stream.linear.gather [hbm4b:s10+s9], $0x3E80, $0x38;
	[tilespmem:$0x1FA00] =	vst v63  }
0xae: {  	s10 =	sadd.s32 s12, s8  }
0xaf: {  	s10 =	sshrl.u32 s10, $0x3  }
0xb0: {  	s10 =	sadd.s32 s26, s10  }
0xb1: {  	[tilespmem:s0], [sflag:$0x4] =	stream.linear.gather [hbm4b:s10+s9], $0x3E80, $0x38;
	[tilespmem:$0x1FA00] =	vst v63  }
0xb2: {  	_ =	swait.ge [sflag:s25], $0x3E80  }
0xb3: {  	[sflag:s25] =	ssyncset.done $0x0  }
0xb4: {  	[sflag:s25] =	ssyncadd.s32 $0xFFFFC180  }
0xb5: {  	_ =	swait.ge [sflag:s2], $0x3E80  }
0xb6: {  	[sflag:s2] =	ssyncset.done $0x0  }
0xb7: {  	s10 =	simm.s32 $0x0;
	s9 =	simm.s32 $0x40;
	[sflag:s2] =	ssyncadd.s32 $0xFFFFC180  }
.LBB2_7:
0xb8: {  	p0 =	sne.s32 s9, $0xF9C0;
	v5 =	vld [tilespmem:s10+$0x10000]  }
0xb9: {  	v6 =	vld [tilespmem:s10+$0x13E80];
	_ =	sdelay $0x3  }
0xba: {  	v5 =	vxor.u32 $0x80000000, v5  }
0xbb: {  	(xrf1) =	vsort.ascd.msk.u32 $0xffff, v5, v6;
	_ =	sdelay $0xd  }
0xbc: {  	v5, v6, _ =	vpop (xrf1)  }
0xbd: {  	v5 =	vxor.u32 $0x80000000, v5  }
0xbe: {  	v8 =	vperm.xlane v6, v0;
	v7 =	vperm.xlane v5, v0;
	_ =	sdelay $0x1  }
0xbf: {  	vm1 =	veq.s32 v7, v5;
	v7 =	vmax.f32 v6, v8  }
0xc0: {  	v6 =	vsel vm1, v7, v6  }
0xc1: {  	v7 =	vperm.xlane v5, v1;
	v8 =	vperm.xlane v6, v1;
	_ =	sdelay $0x1  }
0xc2: {  	vm1 =	veq.s32 v7, v5;
	v7 =	vmax.f32 v6, v8  }
0xc3: {  	v6 =	vsel vm1, v7, v6  }
0xc4: {  	v7 =	vperm.xlane v5, v2;
	v8 =	vperm.xlane v6, v2;
	_ =	sdelay $0x1  }
0xc5: {  	vm1 =	veq.s32 v7, v5;
	v7 =	vmax.f32 v6, v8;
	v8 =	vld.idx.msk [tilespmem:v5+s3+$0x0], $0xffff  }
0xc6: {  	v6 =	vsel vm1, v7, v6  }
0xc7: {  	v7 =	vperm.xlane v5, v3;
	v9 =	vperm.xlane v6, v3  }
0xc8: {  	v10 =	vperm.xlane v5, v4  }
0xc9: {  	vm1 =	veq.s32 v7, v5;
	v7 =	vmax.f32 v6, v9  }
0xca: {  	v6 =	vsel vm1, v7, v6;
	vm1 =	vne.s32 v5, v10  }
0xcb: {  	vm1 =	vmor vm1, vm0;
	vm2 =	vgt.f32 v6, v8  }
0xcc: {  	vm1 =	vmand vm1, vm2;
	_ =	sdelay $0x1  }
.Ltmp2:
0xcd: {  	(pc) =	sbr.rel @p0 .LBB2_7-.Ltmp2, $2  }
0xce: {  	_ =	sdelay $0x2  }
0xcf: {  	s10 =	sshra.s32 s9, $0x2;
	s9 =	sadd.s32 $0x40, s9;
	[tilespmem:v5+s3+$0x0] =	vst.idx.msk vm1, v6  }
0xd0: {  	v5 =	vld [tilespmem:s10+$0x10000]  }
0xd1: {  	v6 =	vld [tilespmem:s10+$0x13E80];
	_ =	sdelay $0x3  }
0xd2: {  	v5 =	vxor.u32 $0x80000000, v5  }
0xd3: {  	(xrf1) =	vsort.ascd.msk.u32 $0xffff, v5, v6;
	_ =	sdelay $0xd  }
0xd4: {  	v5, v6, _ =	vpop (xrf1)  }
0xd5: {  	v5 =	vxor.u32 $0x80000000, v5  }
0xd6: {  	v8 =	vperm.xlane v6, v0;
	v7 =	vperm.xlane v5, v0;
	_ =	sdelay $0x1  }
0xd7: {  	vm1 =	veq.s32 v7, v5;
	v7 =	vmax.f32 v6, v8  }
0xd8: {  	v6 =	vsel vm1, v7, v6  }
0xd9: {  	v7 =	vperm.xlane v5, v1;
	v61 =	vperm.xlane v6, v1;
	_ =	sdelay $0x1  }
0xda: {  	vm1 =	veq.s32 v7, v5;
	v7 =	vmax.f32 v6, v61  }
0xdb: {  	v6 =	vsel vm1, v7, v6  }
0xdc: {  	v7 =	vperm.xlane v5, v2;
	v62 =	vperm.xlane v6, v2;
	_ =	sdelay $0x1  }
0xdd: {  	vm1 =	veq.s32 v7, v5;
	v7 =	vmax.f32 v6, v62  }
0xde: {  	v63 =	vld.idx.msk [tilespmem:v5+s3+$0x0], $0xffff;
	v6 =	vsel vm1, v7, v6  }
0xdf: {  	v7 =	vperm.xlane v5, v3;
	v9 =	vperm.xlane v6, v3  }
0xe0: {  	v10 =	vperm.xlane v5, v4  }
0xe1: {  	vm1 =	veq.s32 v7, v5;
	v7 =	vmax.f32 v6, v9  }
0xe2: {  	v6 =	vsel vm1, v7, v6;
	vm1 =	vne.s32 v5, v10  }
0xe3: {  	vm1 =	vmor vm1, vm0;
	vm2 =	vgt.f32 v6, v63  }
0xe4: {  	vm1 =	vmand vm1, vm2;
	_ =	sdelay $0x4  }
0xe5: {  	s10 =	sadd.s32 s11, s8  }
0xe6: {  	s9 =	simm.s32 $0x0;
	s10 =	sshrl.u32 s10, $0x3;
	[tilespmem:v5+s3+$0x0] =	vst.idx.msk vm1, v6  }
0xe7: {  	[tilespmem:s30], [sflag:$0x1] =	stream.linear.gather [hbm4b:s16+s9], $0x3E80, $0x38;
	[tilespmem:$0x1FA00] =	vst v63  }
0xe8: {  	s10 =	sadd.s32 s26, s10  }
0xe9: {  	[tilespmem:s31], [sflag:$0x2] =	stream.linear.gather [hbm4b:s10+s9], $0x3E80, $0x38;
	[tilespmem:$0x1FA00] =	vst v63  }
0xea: {  	_ =	swait.ge [sflag:s4], $0x3E80  }
0xeb: {  	[sflag:s4] =	ssyncset.done $0x0  }
0xec: {  	[sflag:s4] =	ssyncadd.s32 $0xFFFFC180  }
0xed: {  	_ =	swait.ge [sflag:s5], $0x3E80  }
0xee: {  	[sflag:s5] =	ssyncset.done $0x0  }
0xef: {  	s10 =	simm.s32 $0x0;
	s9 =	simm.s32 $0x40;
	[sflag:s5] =	ssyncadd.s32 $0xFFFFC180  }
.LBB2_9:
0xf0: {  	p0 =	sne.s32 s9, $0xF9C0;
	v5 =	vld [tilespmem:s10+$0x17D00]  }
0xf1: {  	v6 =	vld [tilespmem:s10+$0x1BB80];
	_ =	sdelay $0x3  }
0xf2: {  	v5 =	vxor.u32 $0x80000000, v5  }
0xf3: {  	(xrf1) =	vsort.ascd.msk.u32 $0xffff, v5, v6;
	_ =	sdelay $0xd  }
0xf4: {  	v5, v6, _ =	vpop (xrf1)  }
0xf5: {  	v5 =	vxor.u32 $0x80000000, v5  }
0xf6: {  	v8 =	vperm.xlane v6, v0;
	v7 =	vperm.xlane v5, v0;
	_ =	sdelay $0x1  }
0xf7: {  	vm1 =	veq.s32 v7, v5;
	v7 =	vmax.f32 v6, v8  }
0xf8: {  	v6 =	vsel vm1, v7, v6  }
0xf9: {  	v7 =	vperm.xlane v5, v1;
	v8 =	vperm.xlane v6, v1;
	_ =	sdelay $0x1  }
0xfa: {  	vm1 =	veq.s32 v7, v5;
	v7 =	vmax.f32 v6, v8  }
0xfb: {  	v6 =	vsel vm1, v7, v6  }
0xfc: {  	v7 =	vperm.xlane v5, v2;
	v8 =	vperm.xlane v6, v2;
	_ =	sdelay $0x1  }
0xfd: {  	vm1 =	veq.s32 v7, v5;
	v7 =	vmax.f32 v6, v8;
	v8 =	vld.idx.msk [tilespmem:v5+s3+$0x0], $0xffff  }
0xfe: {  	v6 =	vsel vm1, v7, v6  }
0xff: {  	v7 =	vperm.xlane v5, v3;
	v9 =	vperm.xlane v6, v3  }
0x100: {  	v10 =	vperm.xlane v5, v4  }
0x101: {  	vm1 =	veq.s32 v7, v5;
	v7 =	vmax.f32 v6, v9  }
0x102: {  	v6 =	vsel vm1, v7, v6;
	vm1 =	vne.s32 v5, v10  }
0x103: {  	vm1 =	vmor vm1, vm0;
	vm2 =	vgt.f32 v6, v8  }
0x104: {  	vm1 =	vmand vm1, vm2;
	_ =	sdelay $0x1  }
.Ltmp3:
0x105: {  	(pc) =	sbr.rel @p0 .LBB2_9-.Ltmp3, $2  }
0x106: {  	_ =	sdelay $0x2  }
0x107: {  	s10 =	sshra.s32 s9, $0x2;
	s9 =	sadd.s32 $0x40, s9;
	[tilespmem:v5+s3+$0x0] =	vst.idx.msk vm1, v6  }
0x108: {  	v5 =	vld [tilespmem:s10+$0x17D00]  }
0x109: {  	v6 =	vld [tilespmem:s10+$0x1BB80];
	_ =	sdelay $0x3  }
0x10a: {  	v5 =	vxor.u32 $0x80000000, v5  }
0x10b: {  	(xrf1) =	vsort.ascd.msk.u32 $0xffff, v5, v6;
	_ =	sdelay $0xd  }
0x10c: {  	v5, v6, _ =	vpop (xrf1)  }
0x10d: {  	v5 =	vxor.u32 $0x80000000, v5  }
0x10e: {  	v8 =	vperm.xlane v6, v0;
	v7 =	vperm.xlane v5, v0;
	_ =	sdelay $0x1  }
0x10f: {  	vm1 =	veq.s32 v7, v5;
	v7 =	vmax.f32 v6, v8  }
0x110: {  	v6 =	vsel vm1, v7, v6  }
0x111: {  	v7 =	vperm.xlane v5, v1;
	v61 =	vperm.xlane v6, v1;
	_ =	sdelay $0x1  }
0x112: {  	vm1 =	veq.s32 v7, v5;
	v7 =	vmax.f32 v6, v61  }
0x113: {  	v6 =	vsel vm1, v7, v6  }
0x114: {  	v7 =	vperm.xlane v5, v2;
	v62 =	vperm.xlane v6, v2;
	_ =	sdelay $0x1  }
0x115: {  	vm1 =	veq.s32 v7, v5;
	v7 =	vmax.f32 v6, v62  }
0x116: {  	v63 =	vld.idx.msk [tilespmem:v5+s3+$0x0], $0xffff;
	v6 =	vsel vm1, v7, v6  }
0x117: {  	v7 =	vperm.xlane v5, v3;
	v9 =	vperm.xlane v6, v3  }
0x118: {  	v10 =	vperm.xlane v5, v4  }
0x119: {  	vm1 =	veq.s32 v7, v5;
	v7 =	vmax.f32 v6, v9  }
0x11a: {  	v6 =	vsel vm1, v7, v6;
	vm1 =	vne.s32 v5, v10  }
0x11b: {  	vm1 =	vmor vm1, vm0;
	vm2 =	vgt.f32 v6, v63  }
0x11c: {  	vm1 =	vmand vm1, vm2;
	_ =	sdelay $0x4  }
0x11d: {  	s10 =	sadd.s32 s13, s8  }
0x11e: {  	s9 =	simm.s32 $0x0;
	s10 =	sshrl.u32 s10, $0x3;
	[tilespmem:v5+s3+$0x0] =	vst.idx.msk vm1, v6  }
0x11f: {  	[tilespmem:s1], [sflag:$0x3] =	stream.linear.gather [hbm4b:s19+s9], $0x3E80, $0x38;
	[tilespmem:$0x1FA00] =	vst v63  }
0x120: {  	s10 =	sadd.s32 s26, s10  }
0x121: {  	[tilespmem:s0], [sflag:$0x4] =	stream.linear.gather [hbm4b:s10+s9], $0x3E80, $0x38;
	[tilespmem:$0x1FA00] =	vst v63  }
0x122: {  	_ =	swait.ge [sflag:s25], $0x3E80  }
0x123: {  	[sflag:s25] =	ssyncset.done $0x0  }
0x124: {  	[sflag:s25] =	ssyncadd.s32 $0xFFFFC180  }
0x125: {  	_ =	swait.ge [sflag:s2], $0x3E80  }
0x126: {  	[sflag:s2] =	ssyncset.done $0x0  }
0x127: {  	s10 =	simm.s32 $0x0;
	s9 =	simm.s32 $0x40;
	[sflag:s2] =	ssyncadd.s32 $0xFFFFC180  }
.LBB2_11:
0x128: {  	p0 =	sne.s32 s9, $0xF9C0;
	v5 =	vld [tilespmem:s10+$0x10000]  }
0x129: {  	v6 =	vld [tilespmem:s10+$0x13E80];
	_ =	sdelay $0x3  }
0x12a: {  	v5 =	vxor.u32 $0x80000000, v5  }
0x12b: {  	(xrf1) =	vsort.ascd.msk.u32 $0xffff, v5, v6;
	_ =	sdelay $0xd  }
0x12c: {  	v5, v6, _ =	vpop (xrf1)  }
0x12d: {  	v5 =	vxor.u32 $0x80000000, v5  }
0x12e: {  	v8 =	vperm.xlane v6, v0;
	v7 =	vperm.xlane v5, v0;
	_ =	sdelay $0x1  }
0x12f: {  	vm1 =	veq.s32 v7, v5;
	v7 =	vmax.f32 v6, v8  }
0x130: {  	v6 =	vsel vm1, v7, v6  }
0x131: {  	v7 =	vperm.xlane v5, v1;
	v8 =	vperm.xlane v6, v1;
	_ =	sdelay $0x1  }
0x132: {  	vm1 =	veq.s32 v7, v5;
	v7 =	vmax.f32 v6, v8  }
0x133: {  	v6 =	vsel vm1, v7, v6  }
0x134: {  	v7 =	vperm.xlane v5, v2;
	v8 =	vperm.xlane v6, v2;
	_ =	sdelay $0x1  }
0x135: {  	vm1 =	veq.s32 v7, v5;
	v7 =	vmax.f32 v6, v8;
	v8 =	vld.idx.msk [tilespmem:v5+s3+$0x0], $0xffff  }
0x136: {  	v6 =	vsel vm1, v7, v6  }
0x137: {  	v7 =	vperm.xlane v5, v3;
	v9 =	vperm.xlane v6, v3  }
0x138: {  	v10 =	vperm.xlane v5, v4  }
0x139: {  	vm1 =	veq.s32 v7, v5;
	v7 =	vmax.f32 v6, v9  }
0x13a: {  	v6 =	vsel vm1, v7, v6;
	vm1 =	vne.s32 v5, v10  }
0x13b: {  	vm1 =	vmor vm1, vm0;
	vm2 =	vgt.f32 v6, v8  }
0x13c: {  	vm1 =	vmand vm1, vm2;
	_ =	sdelay $0x1  }
.Ltmp4:
0x13d: {  	(pc) =	sbr.rel @p0 .LBB2_11-.Ltmp4, $2  }
0x13e: {  	_ =	sdelay $0x2  }
0x13f: {  	s10 =	sshra.s32 s9, $0x2;
	s9 =	sadd.s32 $0x40, s9;
	[tilespmem:v5+s3+$0x0] =	vst.idx.msk vm1, v6  }
0x140: {  	v5 =	vld [tilespmem:s10+$0x10000]  }
0x141: {  	v6 =	vld [tilespmem:s10+$0x13E80];
	_ =	sdelay $0x3  }
0x142: {  	v5 =	vxor.u32 $0x80000000, v5  }
0x143: {  	(xrf1) =	vsort.ascd.msk.u32 $0xffff, v5, v6;
	_ =	sdelay $0xd  }
0x144: {  	v5, v6, _ =	vpop (xrf1)  }
0x145: {  	v5 =	vxor.u32 $0x80000000, v5  }
0x146: {  	v8 =	vperm.xlane v6, v0;
	v7 =	vperm.xlane v5, v0;
	_ =	sdelay $0x1  }
0x147: {  	vm1 =	veq.s32 v7, v5;
	v7 =	vmax.f32 v6, v8  }
0x148: {  	v6 =	vsel vm1, v7, v6  }
0x149: {  	v7 =	vperm.xlane v5, v1;
	v61 =	vperm.xlane v6, v1;
	_ =	sdelay $0x1  }
0x14a: {  	vm1 =	veq.s32 v7, v5;
	v7 =	vmax.f32 v6, v61  }
0x14b: {  	v6 =	vsel vm1, v7, v6  }
0x14c: {  	v7 =	vperm.xlane v5, v2;
	v62 =	vperm.xlane v6, v2;
	_ =	sdelay $0x1  }
0x14d: {  	vm1 =	veq.s32 v7, v5;
	v7 =	vmax.f32 v6, v62  }
0x14e: {  	v63 =	vld.idx.msk [tilespmem:v5+s3+$0x0], $0xffff;
	v6 =	vsel vm1, v7, v6  }
0x14f: {  	v7 =	vperm.xlane v5, v3;
	v9 =	vperm.xlane v6, v3  }
0x150: {  	v10 =	vperm.xlane v5, v4  }
0x151: {  	vm1 =	veq.s32 v7, v5;
	v7 =	vmax.f32 v6, v9  }
0x152: {  	v6 =	vsel vm1, v7, v6;
	vm1 =	vne.s32 v5, v10  }
0x153: {  	vm1 =	vmor vm1, vm0;
	vm2 =	vgt.f32 v6, v63  }
0x154: {  	vm1 =	vmand vm1, vm2;
	_ =	sdelay $0x4  }
0x155: {  	s10 =	sadd.s32 s14, s8  }
0x156: {  	s9 =	simm.s32 $0x0;
	s10 =	sshrl.u32 s10, $0x3;
	[tilespmem:v5+s3+$0x0] =	vst.idx.msk vm1, v6  }
0x157: {  	[tilespmem:s30], [sflag:$0x1] =	stream.linear.gather [hbm4b:s20+s9], $0x3E80, $0x38;
	[tilespmem:$0x1FA00] =	vst v63  }
0x158: {  	s10 =	sadd.s32 s26, s10  }
0x159: {  	[tilespmem:s31], [sflag:$0x2] =	stream.linear.gather [hbm4b:s10+s9], $0x3E80, $0x38;
	[tilespmem:$0x1FA00] =	vst v63  }
0x15a: {  	_ =	swait.ge [sflag:s4], $0x3E80  }
0x15b: {  	[sflag:s4] =	ssyncset.done $0x0  }
0x15c: {  	[sflag:s4] =	ssyncadd.s32 $0xFFFFC180  }
0x15d: {  	_ =	swait.ge [sflag:s5], $0x3E80  }
0x15e: {  	[sflag:s5] =	ssyncset.done $0x0  }
0x15f: {  	s10 =	simm.s32 $0x0;
	s9 =	simm.s32 $0x40;
	[sflag:s5] =	ssyncadd.s32 $0xFFFFC180  }
.LBB2_13:
0x160: {  	p0 =	sne.s32 s9, $0xF9C0;
	v5 =	vld [tilespmem:s10+$0x17D00]  }
0x161: {  	v6 =	vld [tilespmem:s10+$0x1BB80];
	_ =	sdelay $0x3  }
0x162: {  	v5 =	vxor.u32 $0x80000000, v5  }
0x163: {  	(xrf1) =	vsort.ascd.msk.u32 $0xffff, v5, v6;
	_ =	sdelay $0xd  }
0x164: {  	v5, v6, _ =	vpop (xrf1)  }
0x165: {  	v5 =	vxor.u32 $0x80000000, v5  }
0x166: {  	v8 =	vperm.xlane v6, v0;
	v7 =	vperm.xlane v5, v0;
	_ =	sdelay $0x1  }
0x167: {  	vm1 =	veq.s32 v7, v5;
	v7 =	vmax.f32 v6, v8  }
0x168: {  	v6 =	vsel vm1, v7, v6  }
0x169: {  	v7 =	vperm.xlane v5, v1;
	v8 =	vperm.xlane v6, v1;
	_ =	sdelay $0x1  }
0x16a: {  	vm1 =	veq.s32 v7, v5;
	v7 =	vmax.f32 v6, v8  }
0x16b: {  	v6 =	vsel vm1, v7, v6  }
0x16c: {  	v7 =	vperm.xlane v5, v2;
	v8 =	vperm.xlane v6, v2;
	_ =	sdelay $0x1  }
0x16d: {  	vm1 =	veq.s32 v7, v5;
	v7 =	vmax.f32 v6, v8;
	v8 =	vld.idx.msk [tilespmem:v5+s3+$0x0], $0xffff  }
0x16e: {  	v6 =	vsel vm1, v7, v6  }
0x16f: {  	v7 =	vperm.xlane v5, v3;
	v9 =	vperm.xlane v6, v3  }
0x170: {  	v10 =	vperm.xlane v5, v4  }
0x171: {  	vm1 =	veq.s32 v7, v5;
	v7 =	vmax.f32 v6, v9  }
0x172: {  	v6 =	vsel vm1, v7, v6;
	vm1 =	vne.s32 v5, v10  }
0x173: {  	vm1 =	vmor vm1, vm0;
	vm2 =	vgt.f32 v6, v8  }
0x174: {  	vm1 =	vmand vm1, vm2;
	_ =	sdelay $0x1  }
.Ltmp5:
0x175: {  	(pc) =	sbr.rel @p0 .LBB2_13-.Ltmp5, $2  }
0x176: {  	_ =	sdelay $0x2  }
0x177: {  	s10 =	sshra.s32 s9, $0x2;
	s9 =	sadd.s32 $0x40, s9;
	[tilespmem:v5+s3+$0x0] =	vst.idx.msk vm1, v6  }
0x178: {  	v5 =	vld [tilespmem:s10+$0x17D00]  }
0x179: {  	v6 =	vld [tilespmem:s10+$0x1BB80];
	_ =	sdelay $0x3  }
0x17a: {  	v5 =	vxor.u32 $0x80000000, v5  }
0x17b: {  	(xrf1) =	vsort.ascd.msk.u32 $0xffff, v5, v6;
	_ =	sdelay $0xd  }
0x17c: {  	v5, v6, _ =	vpop (xrf1)  }
0x17d: {  	v5 =	vxor.u32 $0x80000000, v5  }
0x17e: {  	v8 =	vperm.xlane v6, v0;
	v7 =	vperm.xlane v5, v0;
	_ =	sdelay $0x1  }
0x17f: {  	vm1 =	veq.s32 v7, v5;
	v7 =	vmax.f32 v6, v8  }
0x180: {  	v6 =	vsel vm1, v7, v6  }
0x181: {  	v7 =	vperm.xlane v5, v1;
	v61 =	vperm.xlane v6, v1;
	_ =	sdelay $0x1  }
0x182: {  	vm1 =	veq.s32 v7, v5;
	v7 =	vmax.f32 v6, v61  }
0x183: {  	v6 =	vsel vm1, v7, v6  }
0x184: {  	v7 =	vperm.xlane v5, v2;
	v62 =	vperm.xlane v6, v2;
	_ =	sdelay $0x1  }
0x185: {  	vm1 =	veq.s32 v7, v5;
	v7 =	vmax.f32 v6, v62  }
0x186: {  	v63 =	vld.idx.msk [tilespmem:v5+s3+$0x0], $0xffff;
	v6 =	vsel vm1, v7, v6  }
0x187: {  	v7 =	vperm.xlane v5, v3;
	v9 =	vperm.xlane v6, v3  }
0x188: {  	v10 =	vperm.xlane v5, v4  }
0x189: {  	vm1 =	veq.s32 v7, v5;
	v7 =	vmax.f32 v6, v9  }
0x18a: {  	v6 =	vsel vm1, v7, v6;
	vm1 =	vne.s32 v5, v10  }
0x18b: {  	vm1 =	vmor vm1, vm0;
	vm2 =	vgt.f32 v6, v63  }
0x18c: {  	vm1 =	vmand vm1, vm2;
	_ =	sdelay $0x4  }
0x18d: {  	s10 =	sadd.s32 s15, s8  }
0x18e: {  	s9 =	simm.s32 $0x0;
	s10 =	sshrl.u32 s10, $0x3;
	[tilespmem:v5+s3+$0x0] =	vst.idx.msk vm1, v6  }
0x18f: {  	[tilespmem:s1], [sflag:$0x3] =	stream.linear.gather [hbm4b:s21+s9], $0x3E80, $0x38;
	[tilespmem:$0x1FA00] =	vst v63  }
0x190: {  	s10 =	sadd.s32 s26, s10  }
0x191: {  	[tilespmem:s0], [sflag:$0x4] =	stream.linear.gather [hbm4b:s10+s9], $0x3E80, $0x38;
	[tilespmem:$0x1FA00] =	vst v63  }
0x192: {  	_ =	swait.ge [sflag:s25], $0x3E80  }
0x193: {  	[sflag:s25] =	ssyncset.done $0x0  }
0x194: {  	[sflag:s25] =	ssyncadd.s32 $0xFFFFC180  }
0x195: {  	_ =	swait.ge [sflag:s2], $0x3E80  }
0x196: {  	[sflag:s2] =	ssyncset.done $0x0  }
0x197: {  	s10 =	simm.s32 $0x0;
	s9 =	simm.s32 $0x40;
	[sflag:s2] =	ssyncadd.s32 $0xFFFFC180  }
.LBB2_15:
0x198: {  	p0 =	sne.s32 s9, $0xF9C0;
	v5 =	vld [tilespmem:s10+$0x10000]  }
0x199: {  	v6 =	vld [tilespmem:s10+$0x13E80];
	_ =	sdelay $0x3  }
0x19a: {  	v5 =	vxor.u32 $0x80000000, v5  }
0x19b: {  	(xrf1) =	vsort.ascd.msk.u32 $0xffff, v5, v6;
	_ =	sdelay $0xd  }
0x19c: {  	v5, v6, _ =	vpop (xrf1)  }
0x19d: {  	v5 =	vxor.u32 $0x80000000, v5  }
0x19e: {  	v8 =	vperm.xlane v6, v0;
	v7 =	vperm.xlane v5, v0;
	_ =	sdelay $0x1  }
0x19f: {  	vm1 =	veq.s32 v7, v5;
	v7 =	vmax.f32 v6, v8  }
0x1a0: {  	v6 =	vsel vm1, v7, v6  }
0x1a1: {  	v7 =	vperm.xlane v5, v1;
	v8 =	vperm.xlane v6, v1;
	_ =	sdelay $0x1  }
0x1a2: {  	vm1 =	veq.s32 v7, v5;
	v7 =	vmax.f32 v6, v8  }
0x1a3: {  	v6 =	vsel vm1, v7, v6  }
0x1a4: {  	v7 =	vperm.xlane v5, v2;
	v8 =	vperm.xlane v6, v2;
	_ =	sdelay $0x1  }
0x1a5: {  	vm1 =	veq.s32 v7, v5;
	v7 =	vmax.f32 v6, v8;
	v8 =	vld.idx.msk [tilespmem:v5+s3+$0x0], $0xffff  }
0x1a6: {  	v6 =	vsel vm1, v7, v6  }
0x1a7: {  	v7 =	vperm.xlane v5, v3;
	v9 =	vperm.xlane v6, v3  }
0x1a8: {  	v10 =	vperm.xlane v5, v4  }
0x1a9: {  	vm1 =	veq.s32 v7, v5;
	v7 =	vmax.f32 v6, v9  }
0x1aa: {  	v6 =	vsel vm1, v7, v6;
	vm1 =	vne.s32 v5, v10  }
0x1ab: {  	vm1 =	vmor vm1, vm0;
	vm2 =	vgt.f32 v6, v8  }
0x1ac: {  	vm1 =	vmand vm1, vm2;
	_ =	sdelay $0x1  }
.Ltmp6:
0x1ad: {  	(pc) =	sbr.rel @p0 .LBB2_15-.Ltmp6, $2  }
0x1ae: {  	_ =	sdelay $0x2  }
0x1af: {  	s10 =	sshra.s32 s9, $0x2;
	s9 =	sadd.s32 $0x40, s9;
	[tilespmem:v5+s3+$0x0] =	vst.idx.msk vm1, v6  }
0x1b0: {  	v5 =	vld [tilespmem:s10+$0x10000]  }
0x1b1: {  	v6 =	vld [tilespmem:s10+$0x13E80];
	_ =	sdelay $0x3  }
0x1b2: {  	v5 =	vxor.u32 $0x80000000, v5  }
0x1b3: {  	(xrf1) =	vsort.ascd.msk.u32 $0xffff, v5, v6;
	_ =	sdelay $0xd  }
0x1b4: {  	v5, v6, _ =	vpop (xrf1)  }
0x1b5: {  	v5 =	vxor.u32 $0x80000000, v5  }
0x1b6: {  	v8 =	vperm.xlane v6, v0;
	v7 =	vperm.xlane v5, v0;
	_ =	sdelay $0x1  }
0x1b7: {  	vm1 =	veq.s32 v7, v5;
	v7 =	vmax.f32 v6, v8  }
0x1b8: {  	v6 =	vsel vm1, v7, v6  }
0x1b9: {  	v7 =	vperm.xlane v5, v1;
	v61 =	vperm.xlane v6, v1;
	_ =	sdelay $0x1  }
0x1ba: {  	vm1 =	veq.s32 v7, v5;
	v7 =	vmax.f32 v6, v61  }
0x1bb: {  	v6 =	vsel vm1, v7, v6  }
0x1bc: {  	v7 =	vperm.xlane v5, v2;
	v62 =	vperm.xlane v6, v2;
	_ =	sdelay $0x1  }
0x1bd: {  	vm1 =	veq.s32 v7, v5;
	v7 =	vmax.f32 v6, v62  }
0x1be: {  	v63 =	vld.idx.msk [tilespmem:v5+s3+$0x0], $0xffff;
	v6 =	vsel vm1, v7, v6  }
0x1bf: {  	v7 =	vperm.xlane v5, v3;
	v9 =	vperm.xlane v6, v3  }
0x1c0: {  	v10 =	vperm.xlane v5, v4  }
0x1c1: {  	vm1 =	veq.s32 v7, v5;
	v7 =	vmax.f32 v6, v9  }
0x1c2: {  	v6 =	vsel vm1, v7, v6;
	vm1 =	vne.s32 v5, v10  }
0x1c3: {  	vm1 =	vmor vm1, vm0;
	vm2 =	vgt.f32 v6, v63  }
0x1c4: {  	vm1 =	vmand vm1, vm2;
	_ =	sdelay $0x4  }
0x1c5: {  	s10 =	sadd.s32 s17, s8  }
0x1c6: {  	s9 =	simm.s32 $0x0;
	s10 =	sshrl.u32 s10, $0x3;
	[tilespmem:v5+s3+$0x0] =	vst.idx.msk vm1, v6  }
0x1c7: {  	[tilespmem:s30], [sflag:$0x1] =	stream.linear.gather [hbm4b:s22+s9], $0x3E80, $0x38;
	[tilespmem:$0x1FA00] =	vst v63  }
0x1c8: {  	s10 =	sadd.s32 s26, s10  }
0x1c9: {  	[tilespmem:s31], [sflag:$0x2] =	stream.linear.gather [hbm4b:s10+s9], $0x3E80, $0x38;
	[tilespmem:$0x1FA00] =	vst v63  }
0x1ca: {  	_ =	swait.ge [sflag:s4], $0x3E80  }
0x1cb: {  	[sflag:s4] =	ssyncset.done $0x0  }
0x1cc: {  	[sflag:s4] =	ssyncadd.s32 $0xFFFFC180  }
0x1cd: {  	_ =	swait.ge [sflag:s5], $0x3E80  }
0x1ce: {  	[sflag:s5] =	ssyncset.done $0x0  }
0x1cf: {  	s10 =	simm.s32 $0x0;
	s9 =	simm.s32 $0x40;
	[sflag:s5] =	ssyncadd.s32 $0xFFFFC180  }
.LBB2_17:
0x1d0: {  	p0 =	sne.s32 s9, $0xF9C0;
	v5 =	vld [tilespmem:s10+$0x17D00]  }
0x1d1: {  	v6 =	vld [tilespmem:s10+$0x1BB80];
	_ =	sdelay $0x3  }
0x1d2: {  	v5 =	vxor.u32 $0x80000000, v5  }
0x1d3: {  	(xrf1) =	vsort.ascd.msk.u32 $0xffff, v5, v6;
	_ =	sdelay $0xd  }
0x1d4: {  	v5, v6, _ =	vpop (xrf1)  }
0x1d5: {  	v5 =	vxor.u32 $0x80000000, v5  }
0x1d6: {  	v8 =	vperm.xlane v6, v0;
	v7 =	vperm.xlane v5, v0;
	_ =	sdelay $0x1  }
0x1d7: {  	vm1 =	veq.s32 v7, v5;
	v7 =	vmax.f32 v6, v8  }
0x1d8: {  	v6 =	vsel vm1, v7, v6  }
0x1d9: {  	v7 =	vperm.xlane v5, v1;
	v8 =	vperm.xlane v6, v1;
	_ =	sdelay $0x1  }
0x1da: {  	vm1 =	veq.s32 v7, v5;
	v7 =	vmax.f32 v6, v8  }
0x1db: {  	v6 =	vsel vm1, v7, v6  }
0x1dc: {  	v7 =	vperm.xlane v5, v2;
	v8 =	vperm.xlane v6, v2;
	_ =	sdelay $0x1  }
0x1dd: {  	vm1 =	veq.s32 v7, v5;
	v7 =	vmax.f32 v6, v8;
	v8 =	vld.idx.msk [tilespmem:v5+s3+$0x0], $0xffff  }
0x1de: {  	v6 =	vsel vm1, v7, v6  }
0x1df: {  	v7 =	vperm.xlane v5, v3;
	v9 =	vperm.xlane v6, v3  }
0x1e0: {  	v10 =	vperm.xlane v5, v4  }
0x1e1: {  	vm1 =	veq.s32 v7, v5;
	v7 =	vmax.f32 v6, v9  }
0x1e2: {  	v6 =	vsel vm1, v7, v6;
	vm1 =	vne.s32 v5, v10  }
0x1e3: {  	vm1 =	vmor vm1, vm0;
	vm2 =	vgt.f32 v6, v8  }
0x1e4: {  	vm1 =	vmand vm1, vm2;
	_ =	sdelay $0x1  }
.Ltmp7:
0x1e5: {  	(pc) =	sbr.rel @p0 .LBB2_17-.Ltmp7, $2  }
0x1e6: {  	_ =	sdelay $0x2  }
0x1e7: {  	s10 =	sshra.s32 s9, $0x2;
	s9 =	sadd.s32 $0x40, s9;
	[tilespmem:v5+s3+$0x0] =	vst.idx.msk vm1, v6  }
0x1e8: {  	v5 =	vld [tilespmem:s10+$0x17D00]  }
0x1e9: {  	v6 =	vld [tilespmem:s10+$0x1BB80];
	_ =	sdelay $0x3  }
0x1ea: {  	v5 =	vxor.u32 $0x80000000, v5  }
0x1eb: {  	(xrf1) =	vsort.ascd.msk.u32 $0xffff, v5, v6;
	_ =	sdelay $0xd  }
0x1ec: {  	v5, v6, _ =	vpop (xrf1)  }
0x1ed: {  	v5 =	vxor.u32 $0x80000000, v5  }
0x1ee: {  	v8 =	vperm.xlane v6, v0;
	v7 =	vperm.xlane v5, v0;
	_ =	sdelay $0x1  }
0x1ef: {  	vm1 =	veq.s32 v7, v5;
	v7 =	vmax.f32 v6, v8  }
0x1f0: {  	v6 =	vsel vm1, v7, v6  }
0x1f1: {  	v7 =	vperm.xlane v5, v1;
	v61 =	vperm.xlane v6, v1;
	_ =	sdelay $0x1  }
0x1f2: {  	vm1 =	veq.s32 v7, v5;
	v7 =	vmax.f32 v6, v61  }
0x1f3: {  	v6 =	vsel vm1, v7, v6  }
0x1f4: {  	v7 =	vperm.xlane v5, v2;
	v62 =	vperm.xlane v6, v2;
	_ =	sdelay $0x1  }
0x1f5: {  	vm1 =	veq.s32 v7, v5;
	v7 =	vmax.f32 v6, v62  }
0x1f6: {  	v63 =	vld.idx.msk [tilespmem:v5+s3+$0x0], $0xffff;
	v6 =	vsel vm1, v7, v6  }
0x1f7: {  	v7 =	vperm.xlane v5, v3;
	v9 =	vperm.xlane v6, v3  }
0x1f8: {  	v10 =	vperm.xlane v5, v4  }
0x1f9: {  	vm1 =	veq.s32 v7, v5;
	v7 =	vmax.f32 v6, v9  }
0x1fa: {  	v6 =	vsel vm1, v7, v6;
	vm1 =	vne.s32 v5, v10  }
0x1fb: {  	vm1 =	vmor vm1, vm0;
	vm2 =	vgt.f32 v6, v63  }
0x1fc: {  	vm1 =	vmand vm1, vm2;
	_ =	sdelay $0x4  }
0x1fd: {  	s8 =	sadd.s32 s18, s8  }
0x1fe: {  	s9 =	simm.s32 $0x0;
	s8 =	sshrl.u32 s8, $0x3;
	[tilespmem:v5+s3+$0x0] =	vst.idx.msk vm1, v6  }
0x1ff: {  	[tilespmem:s1], [sflag:$0x3] =	stream.linear.gather [hbm4b:s23+s9], $0x3E80, $0x38;
	[tilespmem:$0x1FA00] =	vst v63  }
0x200: {  	s8 =	sadd.s32 s26, s8  }
0x201: {  	[tilespmem:s0], [sflag:$0x4] =	stream.linear.gather [hbm4b:s8+s9], $0x3E80, $0x38;
	[tilespmem:$0x1FA00] =	vst v63  }
0x202: {  	_ =	swait.ge [sflag:s25], $0x3E80  }
0x203: {  	[sflag:s25] =	ssyncset.done $0x0  }
0x204: {  	[sflag:s25] =	ssyncadd.s32 $0xFFFFC180  }
0x205: {  	_ =	swait.ge [sflag:s2], $0x3E80  }
0x206: {  	[sflag:s2] =	ssyncset.done $0x0  }
0x207: {  	s9 =	simm.s32 $0x0;
	s8 =	simm.s32 $0x40;
	[sflag:s2] =	ssyncadd.s32 $0xFFFFC180  }
.LBB2_19:
0x208: {  	p0 =	sne.s32 s8, $0xF9C0;
	v5 =	vld [tilespmem:s9+$0x10000]  }
0x209: {  	v6 =	vld [tilespmem:s9+$0x13E80];
	_ =	sdelay $0x3  }
0x20a: {  	v5 =	vxor.u32 $0x80000000, v5  }
0x20b: {  	(xrf1) =	vsort.ascd.msk.u32 $0xffff, v5, v6;
	_ =	sdelay $0xd  }
0x20c: {  	v5, v6, _ =	vpop (xrf1)  }
0x20d: {  	v5 =	vxor.u32 $0x80000000, v5  }
0x20e: {  	v8 =	vperm.xlane v6, v0;
	v7 =	vperm.xlane v5, v0;
	_ =	sdelay $0x1  }
0x20f: {  	vm1 =	veq.s32 v7, v5;
	v7 =	vmax.f32 v6, v8  }
0x210: {  	v6 =	vsel vm1, v7, v6  }
0x211: {  	v7 =	vperm.xlane v5, v1;
	v8 =	vperm.xlane v6, v1;
	_ =	sdelay $0x1  }
0x212: {  	vm1 =	veq.s32 v7, v5;
	v7 =	vmax.f32 v6, v8  }
0x213: {  	v6 =	vsel vm1, v7, v6  }
0x214: {  	v7 =	vperm.xlane v5, v2;
	v8 =	vperm.xlane v6, v2;
	_ =	sdelay $0x1  }
0x215: {  	vm1 =	veq.s32 v7, v5;
	v7 =	vmax.f32 v6, v8;
	v8 =	vld.idx.msk [tilespmem:v5+s3+$0x0], $0xffff  }
0x216: {  	v6 =	vsel vm1, v7, v6  }
0x217: {  	v7 =	vperm.xlane v5, v3;
	v9 =	vperm.xlane v6, v3  }
0x218: {  	v10 =	vperm.xlane v5, v4  }
0x219: {  	vm1 =	veq.s32 v7, v5;
	v7 =	vmax.f32 v6, v9  }
0x21a: {  	v6 =	vsel vm1, v7, v6;
	vm1 =	vne.s32 v5, v10  }
0x21b: {  	vm1 =	vmor vm1, vm0;
	vm2 =	vgt.f32 v6, v8  }
0x21c: {  	vm1 =	vmand vm1, vm2;
	_ =	sdelay $0x1  }
.Ltmp8:
0x21d: {  	(pc) =	sbr.rel @p0 .LBB2_19-.Ltmp8, $2  }
0x21e: {  	_ =	sdelay $0x2  }
0x21f: {  	s9 =	sshra.s32 s8, $0x2;
	s8 =	sadd.s32 $0x40, s8;
	[tilespmem:v5+s3+$0x0] =	vst.idx.msk vm1, v6  }
0x220: {  	v5 =	vld [tilespmem:s9+$0x10000]  }
0x221: {  	v6 =	vld [tilespmem:s9+$0x13E80];
	_ =	sdelay $0x3  }
0x222: {  	v5 =	vxor.u32 $0x80000000, v5  }
0x223: {  	(xrf1) =	vsort.ascd.msk.u32 $0xffff, v5, v6;
	_ =	sdelay $0xd  }
0x224: {  	v5, v6, _ =	vpop (xrf1)  }
0x225: {  	v5 =	vxor.u32 $0x80000000, v5  }
0x226: {  	v8 =	vperm.xlane v6, v0;
	v7 =	vperm.xlane v5, v0;
	_ =	sdelay $0x1  }
0x227: {  	vm1 =	veq.s32 v7, v5;
	v7 =	vmax.f32 v6, v8  }
0x228: {  	v6 =	vsel vm1, v7, v6  }
0x229: {  	v7 =	vperm.xlane v5, v1;
	v61 =	vperm.xlane v6, v1;
	_ =	sdelay $0x1  }
0x22a: {  	vm1 =	veq.s32 v7, v5;
	v7 =	vmax.f32 v6, v61  }
0x22b: {  	v6 =	vsel vm1, v7, v6  }
0x22c: {  	v7 =	vperm.xlane v5, v2;
	v62 =	vperm.xlane v6, v2;
	_ =	sdelay $0x1  }
0x22d: {  	vm1 =	veq.s32 v7, v5;
	v7 =	vmax.f32 v6, v62  }
0x22e: {  	v63 =	vld.idx.msk [tilespmem:v5+s3+$0x0], $0xffff;
	v6 =	vsel vm1, v7, v6  }
0x22f: {  	v7 =	vperm.xlane v5, v3;
	v9 =	vperm.xlane v6, v3  }
0x230: {  	v10 =	vperm.xlane v5, v4  }
0x231: {  	vm1 =	veq.s32 v7, v5;
	v7 =	vmax.f32 v6, v9  }
0x232: {  	v6 =	vsel vm1, v7, v6;
	vm1 =	vne.s32 v5, v10  }
0x233: {  	vm1 =	vmor vm1, vm0;
	vm2 =	vgt.f32 v6, v63  }
0x234: {  	vm1 =	vmand vm1, vm2;
	_ =	sdelay $0x5  }
0x235: {  	[tilespmem:v5+s3+$0x0] =	vst.idx.msk vm1, v6  }
0x236: {  	_ =	swait.ge [sflag:s4], $0x3E80  }
0x237: {  	[sflag:s4] =	ssyncset.done $0x0  }
0x238: {  	[sflag:s4] =	ssyncadd.s32 $0xFFFFC180  }
0x239: {  	_ =	swait.ge [sflag:s5], $0x3E80  }
0x23a: {  	[sflag:s5] =	ssyncset.done $0x0  }
0x23b: {  	s9 =	simm.s32 $0x0;
	s8 =	simm.s32 $0x40;
	[sflag:s5] =	ssyncadd.s32 $0xFFFFC180  }
.LBB2_21:
0x23c: {  	p0 =	sne.s32 s8, $0xF9C0;
	v5 =	vld [tilespmem:s9+$0x17D00]  }
0x23d: {  	v6 =	vld [tilespmem:s9+$0x1BB80];
	_ =	sdelay $0x3  }
0x23e: {  	v5 =	vxor.u32 $0x80000000, v5  }
0x23f: {  	(xrf1) =	vsort.ascd.msk.u32 $0xffff, v5, v6;
	_ =	sdelay $0xd  }
0x240: {  	v5, v6, _ =	vpop (xrf1)  }
0x241: {  	v5 =	vxor.u32 $0x80000000, v5  }
0x242: {  	v8 =	vperm.xlane v6, v0;
	v7 =	vperm.xlane v5, v0;
	_ =	sdelay $0x1  }
0x243: {  	vm1 =	veq.s32 v7, v5;
	v7 =	vmax.f32 v6, v8  }
0x244: {  	v6 =	vsel vm1, v7, v6  }
0x245: {  	v7 =	vperm.xlane v5, v1;
	v8 =	vperm.xlane v6, v1;
	_ =	sdelay $0x1  }
0x246: {  	vm1 =	veq.s32 v7, v5;
	v7 =	vmax.f32 v6, v8  }
0x247: {  	v6 =	vsel vm1, v7, v6  }
0x248: {  	v7 =	vperm.xlane v5, v2;
	v8 =	vperm.xlane v6, v2;
	_ =	sdelay $0x1  }
0x249: {  	vm1 =	veq.s32 v7, v5;
	v7 =	vmax.f32 v6, v8;
	v8 =	vld.idx.msk [tilespmem:v5+s3+$0x0], $0xffff  }
0x24a: {  	v6 =	vsel vm1, v7, v6  }
0x24b: {  	v7 =	vperm.xlane v5, v3;
	v9 =	vperm.xlane v6, v3  }
0x24c: {  	v10 =	vperm.xlane v5, v4  }
0x24d: {  	vm1 =	veq.s32 v7, v5;
	v7 =	vmax.f32 v6, v9  }
0x24e: {  	v6 =	vsel vm1, v7, v6;
	vm1 =	vne.s32 v5, v10  }
0x24f: {  	vm1 =	vmor vm1, vm0;
	vm2 =	vgt.f32 v6, v8  }
0x250: {  	vm1 =	vmand vm1, vm2;
	_ =	sdelay $0x1  }
.Ltmp9:
0x251: {  	(pc) =	sbr.rel @p0 .LBB2_21-.Ltmp9, $2  }
0x252: {  	_ =	sdelay $0x2  }
0x253: {  	s9 =	sshra.s32 s8, $0x2;
	s8 =	sadd.s32 $0x40, s8;
	[tilespmem:v5+s3+$0x0] =	vst.idx.msk vm1, v6  }
0x254: {  	v5 =	vld [tilespmem:s9+$0x17D00]  }
0x255: {  	v6 =	vld [tilespmem:s9+$0x1BB80];
	_ =	sdelay $0x3  }
0x256: {  	v5 =	vxor.u32 $0x80000000, v5  }
0x257: {  	(xrf1) =	vsort.ascd.msk.u32 $0xffff, v5, v6;
	_ =	sdelay $0xd  }
0x258: {  	v5, v6, _ =	vpop (xrf1)  }
0x259: {  	v5 =	vxor.u32 $0x80000000, v5  }
0x25a: {  	v8 =	vperm.xlane v6, v0;
	v7 =	vperm.xlane v5, v0;
	_ =	sdelay $0x1  }
0x25b: {  	vm1 =	veq.s32 v7, v5;
	v7 =	vmax.f32 v6, v8  }
0x25c: {  	v6 =	vsel vm1, v7, v6  }
0x25d: {  	v7 =	vperm.xlane v5, v1;
	v61 =	vperm.xlane v6, v1;
	_ =	sdelay $0x1  }
0x25e: {  	vm1 =	veq.s32 v7, v5;
	v7 =	vmax.f32 v6, v61  }
0x25f: {  	v6 =	vsel vm1, v7, v6  }
0x260: {  	v7 =	vperm.xlane v5, v2;
	v62 =	vperm.xlane v6, v2;
	_ =	sdelay $0x1  }
0x261: {  	vm1 =	veq.s32 v7, v5;
	v7 =	vmax.f32 v6, v62  }
0x262: {  	v63 =	vld.idx.msk [tilespmem:v5+s3+$0x0], $0xffff;
	v6 =	vsel vm1, v7, v6  }
0x263: {  	v7 =	vperm.xlane v5, v3;
	v9 =	vperm.xlane v6, v3  }
0x264: {  	v10 =	vperm.xlane v5, v4  }
0x265: {  	vm1 =	veq.s32 v7, v5;
	v7 =	vmax.f32 v6, v9  }
0x266: {  	v6 =	vsel vm1, v7, v6;
	vm1 =	vne.s32 v5, v10  }
0x267: {  	vm1 =	vmor vm1, vm0;
	vm2 =	vgt.f32 v6, v63  }
0x268: {  	vm1 =	vmand vm1, vm2;
	_ =	sdelay $0x3  }
0x269: {  	s6 =	sadd.s32 $0x1, s6  }
0x26a: {  	s7 =	sshll.u32 s7, $0xD;
	p0 =	sne.s32 s6, $0x8  }
.Ltmp10:
0x26b: {  	s7 =	sadd.s32 s28, s7;
	[tilespmem:v5+s3+$0x0] =	vst.idx.msk vm1, v6;
	(pc) =	sbr.rel @p0 .LBB2_2-.Ltmp10, $4  }
0x26c: {  	[hbm4b:s7+s3] =	stream.linear.scatter [tilespmem:s3], [sflag:$0x5], $0x10000, $0x38;
	[tilespmem:$0x1FA00] =	vst v63  }
0x26d: {  	_ =	swait.ge [sflag:s29], $0x10000  }
0x26e: {  	[sflag:s29] =	ssyncset.done $0x0  }
0x26f: {  	[sflag:s29] =	ssyncadd.s32 $0xFFFF0000  }
0x270: {  	s7 =	rddreg [dreg:$0xb]  }
0x271: {  	s6 =	rddreg [dreg:$0xa];
	s7 =	sadd.s32 $0x1, s7  }
0x272: {  	p0 =	sne.s32 s7, s6  }
.Ltmp11:
0x273: {  	_ = 	snop;
	(pc) =	sbr.rel @p0 .LBB2_1-.Ltmp11, $1  }
0x274: {  	_ =	sdelay $0x3  }
0x275: {  	_ =	sfence.sel $0x180000  }
0x276: {  	[bflag:$0x0] =	sbarrier.arrive $0xFFFF  }
0x277: {  	_ =	strace $0x90000047  }
0x278: {  	s0 =	stileid.u32;
	[bflag:$0x2] =	sbarrier.arrive $0xFFFF  }
0x279: {  	p0 =	sne.s32 s0, $0x0;
	s0 =	rddreg [dreg:$0x2]  }
0x27a: {  	s0 =	sadd.s32 @!p0 $0x100000, s0  }
0x27b: {  	[sflag:s0] =	ssyncadd.tile.s32 @!p0 $0x1;
	_ =	shalt  }
.Lfunc_end2:
_tile_overlayer_lowered:
.L_overlay_start_2:
0x27c: {  	(tag) =	ssettag $0x2  }
0x27d: {  	s0 =	rddreg [dreg:$0x0];
	s2 =	stileid.u32  }
0x27e: {  	s1 =	rddreg [dreg:$0x1];
	p0 =	sne.s32 s2, $0x0  }
0x27f: {  	s3 =	rddreg [dreg:$0x2];
	[bflag:$0x3] =	sbarrier.arrive $0xFFFF;
	s2 =	simm.s32 @!p0 $0x1C05  }
0x280: {  	[timem:s3], [sflag:s2] =	dma.local @!p0 [hbm:s0], s1  }
0x281: {  	s0 =	simm.s32 @!p0 $0x5  }
0x282: {  	_ =	swait.ge @!p0 [sflag:s0], s1  }
0x283: {  	s1 =	ssub.s32 @!p0 $0x0, s1;
	[sflag:s0] =	ssyncset.done @!p0 $0x0  }
0x284: {  	[sflag:s0] =	ssyncadd.s32 @!p0 s1  }
0x285: {  	[bflag:$0x3] =	sbarrier.arrive $0xFFFF  }
0x286: {  	_ =	shalt  }

</sc_bundles>
